<compile_context>
chip_gen: v7x
topology: tpu7x:2x2x1
jax: 0.10.2.dev20260603
libtpu: 0.0.44.dev20260713+nightly
codegen_flags: <defaults>
</compile_context>

<pallas_src>
import functools

import jax
import jax.numpy as jnp
from jax import lax
from jax.experimental import pallas as pl
from jax.experimental.pallas import tpu as pltpu
from jax.experimental.pallas import tpu_sc as plsc

N = 10000
E = 320000
D = 128
L = 50

NC = 2
NS = 16
NW = NC * NS

NPAD = 10240
SLICE = NPAD // NS
EPC = E // NS

CHUNK = 128
EPT = E // NW
NCHUNK = 80
EPT_PAD = NCHUNK * CHUNK
ROWS_PT = NPAD // NS
ZROWS = 128
CPR = 8
CPC = NPAD // CPR

_mesh = plsc.VectorSubcoreMesh(core_axis_name="c", subcore_axis_name="s")
_sc_params = pltpu.CompilerParams(needs_layout_passes=False,
                                  use_tc_tiling_on_sc=False)


def _rsqrt_newton(d):
    nz = d > 0.0
    dd = jnp.maximum(d, 1.0)
    i = plsc.bitcast(dd, jnp.int32)
    i = jnp.int32(0x5F3759DF) - lax.shift_right_logical(i, 1)
    y = plsc.bitcast(i, jnp.float32)
    for _ in range(3):
        y = y * (1.5 - 0.5 * dd * y * y)
    return jnp.where(nz, y, 0.0)


@functools.partial(
    pl.kernel,
    compiler_params=_sc_params,
    out_type=[
        jax.ShapeDtypeStruct((NPAD,), jnp.float32),
        jax.ShapeDtypeStruct((NPAD,), jnp.float32),
    ],
    mesh=_mesh,
    scratch_types=[
        pltpu.VMEM((EPC,), jnp.int32),
        pltpu.VMEM((NPAD,), jnp.float32),
        pltpu.VMEM((NS, SLICE), jnp.float32),
        pltpu.VMEM_SHARED((NS, NPAD), jnp.float32),
    ],
)
def _norms_kernel(eflat_hbm, ns_hbm, nd_hbm, idx_v, hist_v, red_v, hist_sp):
    cid = lax.axis_index("c")
    sid = lax.axis_index("s")
    pltpu.sync_copy(eflat_hbm.at[pl.ds(cid * E + sid * EPC, EPC)], idx_v)

    zero16 = jnp.zeros((16,), jnp.float32)
    ones16 = jnp.ones((16,), jnp.float32)

    def zb(i, carry):
        hist_v[pl.ds(i * 16, 16)] = zero16
        return carry

    lax.fori_loop(0, NPAD // 16, zb, 0, unroll=4)

    def hb(i, carry):
        idx16 = idx_v[pl.ds(i * 16, 16)]
        plsc.addupdate_scatter(hist_v, [idx16], ones16)
        return carry

    lax.fori_loop(0, EPC // 16, hb, 0, unroll=4)

    pltpu.sync_copy(hist_v, hist_sp.at[sid])
    plsc.subcore_barrier()
    pltpu.sync_copy(hist_sp.at[:, pl.ds(sid * SLICE, SLICE)], red_v)

    def rb(k, carry):
        acc = red_v[0, pl.ds(k * 16, 16)]
        for s in range(1, NS):
            acc = acc + red_v[s, pl.ds(k * 16, 16)]
        hist_v[pl.ds(k * 16, 16)] = _rsqrt_newton(acc)
        return carry

    lax.fori_loop(0, SLICE // 16, rb, 0)

    @pl.when(cid == 0)
    def _():
        pltpu.sync_copy(hist_v.at[pl.ds(0, SLICE)],
                        ns_hbm.at[pl.ds(sid * SLICE, SLICE)])

    @pl.when(cid == 1)
    def _():
        pltpu.sync_copy(hist_v.at[pl.ds(0, SLICE)],
                        nd_hbm.at[pl.ds(sid * SLICE, SLICE)])


def _scale_body(x_ref, ns_ref, h_ref):
    h_ref[pl.ds(0, N), :] = x_ref[...] * ns_ref[...]
    h_ref[pl.ds(N, NPAD - N), :] = jnp.zeros((NPAD - N, D), jnp.float32)


def _scale_rows(x, nsrc_col):
    return pl.pallas_call(
        _scale_body,
        out_shape=jax.ShapeDtypeStruct((NPAD, D), jnp.float32),
    )(x, nsrc_col)


@functools.partial(
    pl.kernel,
    compiler_params=_sc_params,
    out_type=jax.ShapeDtypeStruct((NC, NPAD, D), jnp.float32),
    mesh=_mesh,
    scratch_types=[
        pltpu.VMEM((NCHUNK, CHUNK), jnp.int32),
        pltpu.VMEM((NCHUNK, CHUNK), jnp.int32),
        pltpu.VMEM((CHUNK, D), jnp.float32),
        pltpu.VMEM_SHARED((NPAD, D), jnp.float32),
        pltpu.SemaphoreType.DMA,
        pltpu.SemaphoreType.DMA,
    ],
)
def _edge_kernel(h_hbm, src_hbm, dst_hbm, agg_hbm,
                 srcv, dstv, rowsv, aggsp, sem_g, sem_s):
    cid = lax.axis_index("c")
    sid = lax.axis_index("s")
    wid = cid * NS + sid

    pltpu.sync_copy(src_hbm.at[wid], srcv)
    pltpu.sync_copy(dst_hbm.at[wid], dstv)

    zero16 = jnp.zeros((16,), jnp.float32)

    def zzb(i, carry):
        for k in range(D // 16):
            rowsv[i, pl.ds(k * 16, 16)] = zero16
        return carry

    lax.fori_loop(0, CHUNK, zzb, 0)

    for m in range(ROWS_PT // CHUNK):
        pltpu.sync_copy(rowsv, aggsp.at[pl.ds(sid * ROWS_PT + m * CHUNK, CHUNK)])
    plsc.subcore_barrier()

    def chunk_body(j, carry):
        pltpu.async_copy(h_hbm.at[srcv.at[j]], rowsv, sem_g).wait()
        pltpu.async_copy(rowsv, aggsp.at[dstv.at[j]], sem_s, add=True).wait()
        return carry

    lax.fori_loop(0, NCHUNK, chunk_body, 0)

    plsc.subcore_barrier()
    pltpu.sync_copy(aggsp.at[pl.ds(sid * ROWS_PT, ROWS_PT)],
                    agg_hbm.at[cid, pl.ds(sid * ROWS_PT, ROWS_PT)])


@functools.partial(
    pl.kernel,
    compiler_params=_sc_params,
    out_type=jax.ShapeDtypeStruct((NW * CPR, CPC), jnp.float32),
    mesh=_mesh,
    scratch_types=[
        pltpu.VMEM((NCHUNK, CHUNK), jnp.int32),
        pltpu.VMEM((NCHUNK, CHUNK), jnp.int32),
        pltpu.VMEM((NPAD,), jnp.float32),
        pltpu.VMEM((CPR, CPC), jnp.float32),
    ],
)
def _cpre_kernel(src_hbm, dst_hbm, nd_hbm, cpre_hbm, srcv, dstv, ndv, cprev):
    cid = lax.axis_index("c")
    sid = lax.axis_index("s")
    wid = cid * NS + sid

    pltpu.sync_copy(src_hbm.at[wid], srcv)
    pltpu.sync_copy(dst_hbm.at[wid], dstv)
    pltpu.sync_copy(nd_hbm, ndv)

    zero16 = jnp.zeros((16,), jnp.float32)

    def zcb(i, carry):
        r = lax.div(i, 10)
        c0 = lax.rem(i, 10) * 128
        for k in range(8):
            cprev[r, pl.ds(c0 + k * 16, 16)] = zero16
        return carry

    lax.fori_loop(0, CPR * 10, zcb, 0)

    def cb(j, carry):
        for k in range(CHUNK // 16):
            d16 = dstv[j, pl.ds(k * 16, 16)]
            s16 = srcv[j, pl.ds(k * 16, 16)]
            vals = plsc.load_gather(ndv, [d16])
            ri = lax.div(s16, CPC)
            ci = s16 - ri * CPC
            plsc.addupdate_scatter(cprev, [ri, ci], vals)
        return carry

    lax.fori_loop(0, NCHUNK, cb, 0)
    pltpu.sync_copy(cprev, cpre_hbm.at[pl.ds(wid * CPR, CPR)])


def _final_body(aggp_ref, cp_ref, nsr_ref, ndc_ref,
                w1_ref, b1_ref, w2_ref, b2_ref, w3_ref, b3_ref, out_ref):
    agg = (aggp_ref[0] + aggp_ref[1]) * ndc_ref[...]
    h1 = jnp.maximum(
        jnp.dot(agg, w1_ref[...], preferred_element_type=jnp.float32)
        + b1_ref[...], 0.0)
    c = jnp.sum(cp_ref[...], axis=0, keepdims=True) * nsr_ref[...]
    s = jnp.dot(c, h1, preferred_element_type=jnp.float32) * (1.0 / N)
    hg = jnp.dot(s, w2_ref[...], preferred_element_type=jnp.float32) + b2_ref[...]
    out_ref[...] = (
        jnp.dot(hg, w3_ref[...], preferred_element_type=jnp.float32)
        + b3_ref[...])


def _final(agg_part, cpre_part, nsrc_row, ndst_col, W1, b1, W2, b2, W3, b3):
    return pl.pallas_call(
        _final_body,
        out_shape=jax.ShapeDtypeStruct((1, L), jnp.float32),
    )(agg_part, cpre_part, nsrc_row, ndst_col,
      W1, b1.reshape(1, -1), W2, b2.reshape(1, -1), W3, b3.reshape(1, -1))


def kernel(x, edge_index, W1, b1, W2, b2, W3, b3):
    eflat = edge_index.reshape(2 * E)
    nsrc_pad, ndst_pad = _norms_kernel(eflat)
    h = _scale_rows(x, nsrc_pad[:N].reshape(N, 1))

    e2 = edge_index.reshape(2, NW, EPT)
    pad = jnp.full((2, NW, EPT_PAD - EPT), N, dtype=jnp.int32)
    ep = jnp.concatenate([e2, pad], axis=-1).reshape(2, NW, NCHUNK, CHUNK)

    agg_part = _edge_kernel(h, ep[0], ep[1])
    cpre_part = _cpre_kernel(ep[0], ep[1], ndst_pad).reshape(NW, NPAD)
    return _final(agg_part, cpre_part, nsrc_pad.reshape(1, NPAD),
                  ndst_pad.reshape(NPAD, 1), W1, b1, W2, b2, W3, b3)

# --- scband reference (transcript-rebuilt; emitter-appended) ---
"""Pipeline reference for scband-gcngraph-classification-4733053960245 (READ-ONLY COPY).

The authoritative reference and input builder live on the scoring server;
editing this copy changes nothing except your own understanding.
"""

import jax, jax.numpy as jnp
import numpy as np

N = 10000
E = 320000
DE = 128
U = 128
DA = 128
L = 50


def setup_inputs(seed: int = 0) -> dict:
    key = jax.random.key(seed)
    ks = jax.random.split(key, 9)
    x = jax.random.normal(ks[0], (N, DE), dtype=jnp.float32)
    edge_index = jax.random.randint(ks[1], (2, E), 0, N, dtype=jnp.int32)
    W1 = jax.random.normal(ks[2], (DE, U), dtype=jnp.float32) * (1.0 / np.sqrt(DE))
    b1 = jnp.zeros((U,), dtype=jnp.float32)
    W2 = jax.random.normal(ks[3], (U, DA), dtype=jnp.float32) * (1.0 / np.sqrt(U))
    b2 = jnp.zeros((DA,), dtype=jnp.float32)
    W3 = jax.random.normal(ks[4], (DA, L), dtype=jnp.float32) * (1.0 / np.sqrt(DA))
    b3 = jnp.zeros((L,), dtype=jnp.float32)
    return {"x": x, "edge_index": edge_index, "W1": W1, "b1": b1, "W2": W2, "b2": b2, "W3": W3, "b3": b3}


def _graph_conv(x, src, dst, W, b, n_nodes):
    # DGL GraphConv with norm='both': D_out^{-1/2} on src feats, sum-aggregate to dst, D_in^{-1/2} on result, then linear
    ones = jnp.ones((src.shape[0],), dtype=x.dtype)
    out_deg = jnp.zeros((n_nodes,), dtype=x.dtype).at[src].add(ones)
    in_deg = jnp.zeros((n_nodes,), dtype=x.dtype).at[dst].add(ones)
    norm_src = jnp.where(out_deg > 0, jax.lax.rsqrt(jnp.maximum(out_deg, 1.0)), 0.0)
    norm_dst = jnp.where(in_deg > 0, jax.lax.rsqrt(jnp.maximum(in_deg, 1.0)), 0.0)
    h = x * norm_src[:, None]
    msgs = jnp.take(h, src, axis=0)
    agg = jnp.zeros((n_nodes, x.shape[1]), dtype=x.dtype).at[dst].add(msgs)
    agg = agg * norm_dst[:, None]
    return agg @ W + b


def reference(x, edge_index, W1, b1, W2, b2, W3, b3):
    src = edge_index[0]
    dst = edge_index[1]
    h = _graph_conv(x, src, dst, W1, b1, N)
    h = jax.nn.relu(h)
    # dropout is identity at inference
    h = _graph_conv(h, src, dst, W2, b2, N)
    hg = jnp.mean(h, axis=0, keepdims=True)  # dgl.mean_nodes over single graph -> [1, DA]
    logits = hg @ W3 + b3  # [1, L]
    return logits

if __name__ == "__main__":
    import jax
    _d = setup_inputs()
    print(jax.jit(kernel)(*tuple(_d.values())))

</pallas_src>

<mosaic_0001>
#map = affine_map<(d0, d1) -> (0)>
module attributes {stable_mosaic.version = 14 : i64} {
  func.func @_norms_kernel(%arg0: i32, %arg1: i32, %arg2: memref<640000xi32, #tpu.memory_space<hbm>>, %arg3: memref<10240xf32, #tpu.memory_space<hbm>>, %arg4: memref<10240xf32, #tpu.memory_space<hbm>>, %arg5: memref<20000xi32, #tpu.memory_space<vmem>>, %arg6: memref<10240xf32, #tpu.memory_space<vmem>>, %arg7: memref<16x640xf32, #tpu.memory_space<vmem>>, %arg8: memref<16x10240xf32, #tpu.memory_space<vmem_shared>>) attributes {dimension_semantics = [#tpu.dimension_semantics<core_parallel>, #tpu.dimension_semantics<subcore_parallel>], iteration_bounds = array<i64: 2, 16>, scalar_prefetch = 0 : i64, scratch_operands = 4 : i64, tpu.core_type = #tpu.core_type<sc_vector_subcore>, window_params = [{transform_indices = #map}, {transform_indices = #map}, {transform_indices = #map}]} {
    %mul3A = arith.constant 320000 : i32
    %mul3A_0 = arith.muli %arg0, %mul3A : i32
    %mul3A_1 = arith.constant 20000 : i32
    %mul3A_2 = arith.muli %arg1, %mul3A_1 : i32
    %add3A = arith.addi %mul3A_0, %mul3A_2 : i32
    "tpu.region"() ({
      %run_scoped3A = tpu.sem_alloc : memref<!tpu.dma_semaphore, #tpu.memory_space<semaphore_mem>>
      %dma_start3A = tpu.memref_slice %arg2[%add3A] : memref<640000xi32, #tpu.memory_space<hbm>> -> memref<20000xi32, #tpu.memory_space<hbm>>
      %dma_start3A_43 = tpu.memref_slice %arg2[%add3A] : memref<640000xi32, #tpu.memory_space<hbm>> -> memref<20000xi32, #tpu.memory_space<hbm>>
      tpu.enqueue_dma source(%dma_start3A_43 : memref<20000xi32, #tpu.memory_space<hbm>>) target(%arg5 : memref<20000xi32, #tpu.memory_space<vmem>>) target_semaphore(%run_scoped3A : memref<!tpu.dma_semaphore, #tpu.memory_space<semaphore_mem>>)
      %dma_wait3A = tpu.memref_slice %arg2[%add3A] : memref<640000xi32, #tpu.memory_space<hbm>> -> memref<20000xi32, #tpu.memory_space<hbm>>
      %dma_wait3A_44 = tpu.memref_slice %arg2[%add3A] : memref<640000xi32, #tpu.memory_space<hbm>> -> memref<20000xi32, #tpu.memory_space<hbm>>
      tpu.wait_dma2 semaphore(%run_scoped3A : memref<!tpu.dma_semaphore, #tpu.memory_space<semaphore_mem>>) src(%dma_wait3A_44 : memref<20000xi32, #tpu.memory_space<hbm>>) dst(%arg5 : memref<20000xi32, #tpu.memory_space<vmem>>)
      tpu.yield
    }) : () -> ()
    %broadcast_in_dim3A = arith.constant 0.000000e+00 : f32
    %broadcast_in_dim3A_3 = vector.broadcast %broadcast_in_dim3A : f32 to vector<16xf32>
    %broadcast_in_dim3A_4 = arith.constant 1.000000e+00 : f32
    %broadcast_in_dim3A_5 = vector.broadcast %broadcast_in_dim3A_4 : f32 to vector<16xf32>
    %scan3A = arith.constant 0 : i32
    %scan3A_6 = arith.constant 0 : i32
    %scan3A_7 = arith.constant 640 : i32
    %scan3A_8 = arith.addi %scan3A_6, %scan3A_7 : i32
    %scan3A_9 = arith.constant 4 : i32
    scf.for %scan3A_43 = %scan3A_6 to %scan3A_8 step %scan3A_9  : i32 {
      %mul3A_44 = arith.constant 16 : i32
      %mul3A_45 = arith.muli %scan3A_43, %mul3A_44 : i32
      %swap3A = arith.index_cast %mul3A_45 : i32 to index
      %swap3A_46 = tpu.vector_load %arg6[%swap3A] {strides = array<i32>} : memref<10240xf32, #tpu.memory_space<vmem>>, vector<16xf32>,
      tpu.vector_store %arg6[%swap3A], %broadcast_in_dim3A_3 {strides = array<i32>} : memref<10240xf32, #tpu.memory_space<vmem>>, vector<16xf32>,
      %scan3A_47 = arith.constant 1 : i32
      %scan3A_48 = arith.addi %scan3A_43, %scan3A_47 : i32
      %mul3A_49 = arith.constant 16 : i32
      %mul3A_50 = arith.muli %scan3A_48, %mul3A_49 : i32
      %swap3A_51 = arith.index_cast %mul3A_50 : i32 to index
      %swap3A_52 = tpu.vector_load %arg6[%swap3A_51] {strides = array<i32>} : memref<10240xf32, #tpu.memory_space<vmem>>, vector<16xf32>,
      tpu.vector_store %arg6[%swap3A_51], %broadcast_in_dim3A_3 {strides = array<i32>} : memref<10240xf32, #tpu.memory_space<vmem>>, vector<16xf32>,
      %scan3A_53 = arith.constant 2 : i32
      %scan3A_54 = arith.addi %scan3A_43, %scan3A_53 : i32
      %mul3A_55 = arith.constant 16 : i32
      %mul3A_56 = arith.muli %scan3A_54, %mul3A_55 : i32
      %swap3A_57 = arith.index_cast %mul3A_56 : i32 to index
      %swap3A_58 = tpu.vector_load %arg6[%swap3A_57] {strides = array<i32>} : memref<10240xf32, #tpu.memory_space<vmem>>, vector<16xf32>,
      tpu.vector_store %arg6[%swap3A_57], %broadcast_in_dim3A_3 {strides = array<i32>} : memref<10240xf32, #tpu.memory_space<vmem>>, vector<16xf32>,
      %scan3A_59 = arith.constant 3 : i32
      %scan3A_60 = arith.addi %scan3A_43, %scan3A_59 : i32
      %mul3A_61 = arith.constant 16 : i32
      %mul3A_62 = arith.muli %scan3A_60, %mul3A_61 : i32
      %swap3A_63 = arith.index_cast %mul3A_62 : i32 to index
      %swap3A_64 = tpu.vector_load %arg6[%swap3A_63] {strides = array<i32>} : memref<10240xf32, #tpu.memory_space<vmem>>, vector<16xf32>,
      tpu.vector_store %arg6[%swap3A_63], %broadcast_in_dim3A_3 {strides = array<i32>} : memref<10240xf32, #tpu.memory_space<vmem>>, vector<16xf32>,
    }
    %scan3A_10 = arith.constant 640 : i32
    %scan3A_11 = arith.constant 0 : i32
    %scan3A_12 = arith.constant 0 : i32
    %scan3A_13 = arith.constant 1248 : i32
    %scan3A_14 = arith.addi %scan3A_12, %scan3A_13 : i32
    %scan3A_15 = arith.constant 4 : i32
    scf.for %scan3A_43 = %scan3A_12 to %scan3A_14 step %scan3A_15  : i32 {
      %mul3A_44 = arith.constant 16 : i32
      %mul3A_45 = arith.muli %scan3A_43, %mul3A_44 : i32
      %get3A_46 = arith.index_cast %mul3A_45 : i32 to index
      %get3A_47 = tpu.vector_load %arg5[%get3A_46] {strides = array<i32>} : memref<20000xi32, #tpu.memory_space<vmem>>, vector<16xi32>,
      tpu.vector_store_idx %arg6[%get3A_47], %broadcast_in_dim3A_5 {add = true} : memref<10240xf32, #tpu.memory_space<vmem>>[vector<16xi32>], vector<16xf32>,
      %scan3A_48 = arith.constant 1 : i32
      %scan3A_49 = arith.addi %scan3A_43, %scan3A_48 : i32
      %mul3A_50 = arith.constant 16 : i32
      %mul3A_51 = arith.muli %scan3A_49, %mul3A_50 : i32
      %get3A_52 = arith.index_cast %mul3A_51 : i32 to index
      %get3A_53 = tpu.vector_load %arg5[%get3A_52] {strides = array<i32>} : memref<20000xi32, #tpu.memory_space<vmem>>, vector<16xi32>,
      tpu.vector_store_idx %arg6[%get3A_53], %broadcast_in_dim3A_5 {add = true} : memref<10240xf32, #tpu.memory_space<vmem>>[vector<16xi32>], vector<16xf32>,
      %scan3A_54 = arith.constant 2 : i32
      %scan3A_55 = arith.addi %scan3A_43, %scan3A_54 : i32
      %mul3A_56 = arith.constant 16 : i32
      %mul3A_57 = arith.muli %scan3A_55, %mul3A_56 : i32
      %get3A_58 = arith.index_cast %mul3A_57 : i32 to index
      %get3A_59 = tpu.vector_load %arg5[%get3A_58] {strides = array<i32>} : memref<20000xi32, #tpu.memory_space<vmem>>, vector<16xi32>,
      tpu.vector_store_idx %arg6[%get3A_59], %broadcast_in_dim3A_5 {add = true} : memref<10240xf32, #tpu.memory_space<vmem>>[vector<16xi32>], vector<16xf32>,
      %scan3A_60 = arith.constant 3 : i32
      %scan3A_61 = arith.addi %scan3A_43, %scan3A_60 : i32
      %mul3A_62 = arith.constant 16 : i32
      %mul3A_63 = arith.muli %scan3A_61, %mul3A_62 : i32
      %get3A_64 = arith.index_cast %mul3A_63 : i32 to index
      %get3A_65 = tpu.vector_load %arg5[%get3A_64] {strides = array<i32>} : memref<20000xi32, #tpu.memory_space<vmem>>, vector<16xi32>,
      tpu.vector_store_idx %arg6[%get3A_65], %broadcast_in_dim3A_5 {add = true} : memref<10240xf32, #tpu.memory_space<vmem>>[vector<16xi32>], vector<16xf32>,
    }
    %scan3A_16 = arith.constant 1248 : i32
    %scan3A_17 = arith.addi %scan3A_12, %scan3A_16 : i32
    %mul3A_18 = arith.constant 16 : i32
    %mul3A_19 = arith.muli %scan3A_17, %mul3A_18 : i32
    %get3A = arith.index_cast %mul3A_19 : i32 to index
    %get3A_20 = tpu.vector_load %arg5[%get3A] {strides = array<i32>} : memref<20000xi32, #tpu.memory_space<vmem>>, vector<16xi32>,
    tpu.vector_store_idx %arg6[%get3A_20], %broadcast_in_dim3A_5 {add = true} : memref<10240xf32, #tpu.memory_space<vmem>>[vector<16xi32>], vector<16xf32>,
    %scan3A_21 = arith.constant 1249 : i32
    %scan3A_22 = arith.addi %scan3A_12, %scan3A_21 : i32
    %mul3A_23 = arith.constant 16 : i32
    %mul3A_24 = arith.muli %scan3A_22, %mul3A_23 : i32
    %get3A_25 = arith.index_cast %mul3A_24 : i32 to index
    %get3A_26 = tpu.vector_load %arg5[%get3A_25] {strides = array<i32>} : memref<20000xi32, #tpu.memory_space<vmem>>, vector<16xi32>,
    tpu.vector_store_idx %arg6[%get3A_26], %broadcast_in_dim3A_5 {add = true} : memref<10240xf32, #tpu.memory_space<vmem>>[vector<16xi32>], vector<16xf32>,
    %scan3A_27 = arith.constant 1250 : i32
    "tpu.region"() ({
      %run_scoped3A = tpu.sem_alloc : memref<!tpu.dma_semaphore, #tpu.memory_space<semaphore_mem>>
      %dma_start3A = arith.constant 0 : i32
      %dma_start3A_43 = tpu.memref_slice %arg8[%arg1, %dma_start3A] : memref<16x10240xf32, #tpu.memory_space<vmem_shared>> -> memref<1x10240xf32, #tpu.memory_space<vmem_shared>>
      %dma_start3A_44 = tpu.memref_squeeze %dma_start3A_43 : memref<1x10240xf32, #tpu.memory_space<vmem_shared>> -> memref<10240xf32, #tpu.memory_space<vmem_shared>>
      %dma_start3A_45 = arith.constant 0 : i32
      %dma_start3A_46 = tpu.memref_slice %arg8[%arg1, %dma_start3A_45] : memref<16x10240xf32, #tpu.memory_space<vmem_shared>> -> memref<1x10240xf32, #tpu.memory_space<vmem_shared>>
      %dma_start3A_47 = tpu.memref_squeeze %dma_start3A_46 : memref<1x10240xf32, #tpu.memory_space<vmem_shared>> -> memref<10240xf32, #tpu.memory_space<vmem_shared>>
      tpu.enqueue_dma source(%arg6 : memref<10240xf32, #tpu.memory_space<vmem>>) target(%dma_start3A_47 : memref<10240xf32, #tpu.memory_space<vmem_shared>>) target_semaphore(%run_scoped3A : memref<!tpu.dma_semaphore, #tpu.memory_space<semaphore_mem>>)
      %dma_wait3A = arith.constant 0 : i32
      %dma_wait3A_48 = tpu.memref_slice %arg8[%arg1, %dma_wait3A] : memref<16x10240xf32, #tpu.memory_space<vmem_shared>> -> memref<1x10240xf32, #tpu.memory_space<vmem_shared>>
      %dma_wait3A_49 = tpu.memref_squeeze %dma_wait3A_48 : memref<1x10240xf32, #tpu.memory_space<vmem_shared>> -> memref<10240xf32, #tpu.memory_space<vmem_shared>>
      %dma_wait3A_50 = arith.constant 0 : i32
      %dma_wait3A_51 = tpu.memref_slice %arg8[%arg1, %dma_wait3A_50] : memref<16x10240xf32, #tpu.memory_space<vmem_shared>> -> memref<1x10240xf32, #tpu.memory_space<vmem_shared>>
      %dma_wait3A_52 = tpu.memref_squeeze %dma_wait3A_51 : memref<1x10240xf32, #tpu.memory_space<vmem_shared>> -> memref<10240xf32, #tpu.memory_space<vmem_shared>>
      tpu.wait_dma2 semaphore(%run_scoped3A : memref<!tpu.dma_semaphore, #tpu.memory_space<semaphore_mem>>) src(%arg6 : memref<10240xf32, #tpu.memory_space<vmem>>) dst(%dma_wait3A_52 : memref<10240xf32, #tpu.memory_space<vmem_shared>>)
      tpu.yield
    }) : () -> ()
    %barrier3A = arith.constant 0 : index
    tpu.barrier barrier_id(%barrier3A)
    %mul3A_28 = arith.constant 640 : i32
    %mul3A_29 = arith.muli %arg1, %mul3A_28 : i32
    "tpu.region"() ({
      %run_scoped3A = tpu.sem_alloc : memref<!tpu.dma_semaphore, #tpu.memory_space<semaphore_mem>>
      %dma_start3A = arith.constant 0 : i32
      %dma_start3A_43 = tpu.memref_slice %arg8[%dma_start3A, %mul3A_29] : memref<16x10240xf32, #tpu.memory_space<vmem_shared>> -> memref<16x640xf32, #tpu.memory_space<vmem_shared>>
      %dma_start3A_44 = arith.constant 0 : i32
      %dma_start3A_45 = tpu.memref_slice %arg8[%dma_start3A_44, %mul3A_29] : memref<16x10240xf32, #tpu.memory_space<vmem_shared>> -> memref<16x640xf32, #tpu.memory_space<vmem_shared>>
      tpu.enqueue_dma source(%dma_start3A_45 : memref<16x640xf32, #tpu.memory_space<vmem_shared>>) target(%arg7 : memref<16x640xf32, #tpu.memory_space<vmem>>) target_semaphore(%run_scoped3A : memref<!tpu.dma_semaphore, #tpu.memory_space<semaphore_mem>>)
      %dma_wait3A = arith.constant 0 : i32
      %dma_wait3A_46 = tpu.memref_slice %arg8[%dma_wait3A, %mul3A_29] : memref<16x10240xf32, #tpu.memory_space<vmem_shared>> -> memref<16x640xf32, #tpu.memory_space<vmem_shared>>
      %dma_wait3A_47 = arith.constant 0 : i32
      %dma_wait3A_48 = tpu.memref_slice %arg8[%dma_wait3A_47, %mul3A_29] : memref<16x10240xf32, #tpu.memory_space<vmem_shared>> -> memref<16x640xf32, #tpu.memory_space<vmem_shared>>
      tpu.wait_dma2 semaphore(%run_scoped3A : memref<!tpu.dma_semaphore, #tpu.memory_space<semaphore_mem>>) src(%dma_wait3A_48 : memref<16x640xf32, #tpu.memory_space<vmem_shared>>) dst(%arg7 : memref<16x640xf32, #tpu.memory_space<vmem>>)
      tpu.yield
    }) : () -> ()
    %scan3A_30 = arith.constant 0 : i32
    %scan3A_31 = arith.constant 0 : i32
    %scan3A_32 = arith.constant 40 : i32
    %scan3A_33 = arith.addi %scan3A_31, %scan3A_32 : i32
    %scan3A_34 = arith.constant 1 : i32
    scf.for %scan3A_43 = %scan3A_31 to %scan3A_33 step %scan3A_34  : i32 {
      %mul3A_44 = arith.constant 16 : i32
      %mul3A_45 = arith.muli %scan3A_43, %mul3A_44 : i32
      %get3A_46 = arith.constant 0 : i32
      %get3A_47 = arith.index_cast %get3A_46 : i32 to index
      %get3A_48 = arith.index_cast %mul3A_45 : i32 to index
      %get3A_49 = tpu.vector_load %arg7[%get3A_47, %get3A_48] {strides = array<i32>} : memref<16x640xf32, #tpu.memory_space<vmem>>, vector<16xf32>,
      %mul3A_50 = arith.constant 16 : i32
      %mul3A_51 = arith.muli %scan3A_43, %mul3A_50 : i32
      %get3A_52 = arith.constant 1 : i32
      %get3A_53 = arith.index_cast %get3A_52 : i32 to index
      %get3A_54 = arith.index_cast %mul3A_51 : i32 to index
      %get3A_55 = tpu.vector_load %arg7[%get3A_53, %get3A_54] {strides = array<i32>} : memref<16x640xf32, #tpu.memory_space<vmem>>, vector<16xf32>,
      %add3A_56 = arith.addf %get3A_49, %get3A_55 : vector<16xf32>
      %mul3A_57 = arith.constant 16 : i32
      %mul3A_58 = arith.muli %scan3A_43, %mul3A_57 : i32
      %get3A_59 = arith.constant 2 : i32
      %get3A_60 = arith.index_cast %get3A_59 : i32 to index
      %get3A_61 = arith.index_cast %mul3A_58 : i32 to index
      %get3A_62 = tpu.vector_load %arg7[%get3A_60, %get3A_61] {strides = array<i32>} : memref<16x640xf32, #tpu.memory_space<vmem>>, vector<16xf32>,
      %add3A_63 = arith.addf %add3A_56, %get3A_62 : vector<16xf32>
      %mul3A_64 = arith.constant 16 : i32
      %mul3A_65 = arith.muli %scan3A_43, %mul3A_64 : i32
      %get3A_66 = arith.constant 3 : i32
      %get3A_67 = arith.index_cast %get3A_66 : i32 to index
      %get3A_68 = arith.index_cast %mul3A_65 : i32 to index
      %get3A_69 = tpu.vector_load %arg7[%get3A_67, %get3A_68] {strides = array<i32>} : memref<16x640xf32, #tpu.memory_space<vmem>>, vector<16xf32>,
      %add3A_70 = arith.addf %add3A_63, %get3A_69 : vector<16xf32>
      %mul3A_71 = arith.constant 16 : i32
      %mul3A_72 = arith.muli %scan3A_43, %mul3A_71 : i32
      %get3A_73 = arith.constant 4 : i32
      %get3A_74 = arith.index_cast %get3A_73 : i32 to index
      %get3A_75 = arith.index_cast %mul3A_72 : i32 to index
      %get3A_76 = tpu.vector_load %arg7[%get3A_74, %get3A_75] {strides = array<i32>} : memref<16x640xf32, #tpu.memory_space<vmem>>, vector<16xf32>,
      %add3A_77 = arith.addf %add3A_70, %get3A_76 : vector<16xf32>
      %mul3A_78 = arith.constant 16 : i32
      %mul3A_79 = arith.muli %scan3A_43, %mul3A_78 : i32
      %get3A_80 = arith.constant 5 : i32
      %get3A_81 = arith.index_cast %get3A_80 : i32 to index
      %get3A_82 = arith.index_cast %mul3A_79 : i32 to index
      %get3A_83 = tpu.vector_load %arg7[%get3A_81, %get3A_82] {strides = array<i32>} : memref<16x640xf32, #tpu.memory_space<vmem>>, vector<16xf32>,
      %add3A_84 = arith.addf %add3A_77, %get3A_83 : vector<16xf32>
      %mul3A_85 = arith.constant 16 : i32
      %mul3A_86 = arith.muli %scan3A_43, %mul3A_85 : i32
      %get3A_87 = arith.constant 6 : i32
      %get3A_88 = arith.index_cast %get3A_87 : i32 to index
      %get3A_89 = arith.index_cast %mul3A_86 : i32 to index
      %get3A_90 = tpu.vector_load %arg7[%get3A_88, %get3A_89] {strides = array<i32>} : memref<16x640xf32, #tpu.memory_space<vmem>>, vector<16xf32>,
      %add3A_91 = arith.addf %add3A_84, %get3A_90 : vector<16xf32>
      %mul3A_92 = arith.constant 16 : i32
      %mul3A_93 = arith.muli %scan3A_43, %mul3A_92 : i32
      %get3A_94 = arith.constant 7 : i32
      %get3A_95 = arith.index_cast %get3A_94 : i32 to index
      %get3A_96 = arith.index_cast %mul3A_93 : i32 to index
      %get3A_97 = tpu.vector_load %arg7[%get3A_95, %get3A_96] {strides = array<i32>} : memref<16x640xf32, #tpu.memory_space<vmem>>, vector<16xf32>,
      %add3A_98 = arith.addf %add3A_91, %get3A_97 : vector<16xf32>
      %mul3A_99 = arith.constant 16 : i32
      %mul3A_100 = arith.muli %scan3A_43, %mul3A_99 : i32
      %get3A_101 = arith.constant 8 : i32
      %get3A_102 = arith.index_cast %get3A_101 : i32 to index
      %get3A_103 = arith.index_cast %mul3A_100 : i32 to index
      %get3A_104 = tpu.vector_load %arg7[%get3A_102, %get3A_103] {strides = array<i32>} : memref<16x640xf32, #tpu.memory_space<vmem>>, vector<16xf32>,
      %add3A_105 = arith.addf %add3A_98, %get3A_104 : vector<16xf32>
      %mul3A_106 = arith.constant 16 : i32
      %mul3A_107 = arith.muli %scan3A_43, %mul3A_106 : i32
      %get3A_108 = arith.constant 9 : i32
      %get3A_109 = arith.index_cast %get3A_108 : i32 to index
      %get3A_110 = arith.index_cast %mul3A_107 : i32 to index
      %get3A_111 = tpu.vector_load %arg7[%get3A_109, %get3A_110] {strides = array<i32>} : memref<16x640xf32, #tpu.memory_space<vmem>>, vector<16xf32>,
      %add3A_112 = arith.addf %add3A_105, %get3A_111 : vector<16xf32>
      %mul3A_113 = arith.constant 16 : i32
      %mul3A_114 = arith.muli %scan3A_43, %mul3A_113 : i32
      %get3A_115 = arith.constant 10 : i32
      %get3A_116 = arith.index_cast %get3A_115 : i32 to index
      %get3A_117 = arith.index_cast %mul3A_114 : i32 to index
      %get3A_118 = tpu.vector_load %arg7[%get3A_116, %get3A_117] {strides = array<i32>} : memref<16x640xf32, #tpu.memory_space<vmem>>, vector<16xf32>,
      %add3A_119 = arith.addf %add3A_112, %get3A_118 : vector<16xf32>
      %mul3A_120 = arith.constant 16 : i32
      %mul3A_121 = arith.muli %scan3A_43, %mul3A_120 : i32
      %get3A_122 = arith.constant 11 : i32
      %get3A_123 = arith.index_cast %get3A_122 : i32 to index
      %get3A_124 = arith.index_cast %mul3A_121 : i32 to index
      %get3A_125 = tpu.vector_load %arg7[%get3A_123, %get3A_124] {strides = array<i32>} : memref<16x640xf32, #tpu.memory_space<vmem>>, vector<16xf32>,
      %add3A_126 = arith.addf %add3A_119, %get3A_125 : vector<16xf32>
      %mul3A_127 = arith.constant 16 : i32
      %mul3A_128 = arith.muli %scan3A_43, %mul3A_127 : i32
      %get3A_129 = arith.constant 12 : i32
      %get3A_130 = arith.index_cast %get3A_129 : i32 to index
      %get3A_131 = arith.index_cast %mul3A_128 : i32 to index
      %get3A_132 = tpu.vector_load %arg7[%get3A_130, %get3A_131] {strides = array<i32>} : memref<16x640xf32, #tpu.memory_space<vmem>>, vector<16xf32>,
      %add3A_133 = arith.addf %add3A_126, %get3A_132 : vector<16xf32>
      %mul3A_134 = arith.constant 16 : i32
      %mul3A_135 = arith.muli %scan3A_43, %mul3A_134 : i32
      %get3A_136 = arith.constant 13 : i32
      %get3A_137 = arith.index_cast %get3A_136 : i32 to index
      %get3A_138 = arith.index_cast %mul3A_135 : i32 to index
      %get3A_139 = tpu.vector_load %arg7[%get3A_137, %get3A_138] {strides = array<i32>} : memref<16x640xf32, #tpu.memory_space<vmem>>, vector<16xf32>,
      %add3A_140 = arith.addf %add3A_133, %get3A_139 : vector<16xf32>
      %mul3A_141 = arith.constant 16 : i32
      %mul3A_142 = arith.muli %scan3A_43, %mul3A_141 : i32
      %get3A_143 = arith.constant 14 : i32
      %get3A_144 = arith.index_cast %get3A_143 : i32 to index
      %get3A_145 = arith.index_cast %mul3A_142 : i32 to index
      %get3A_146 = tpu.vector_load %arg7[%get3A_144, %get3A_145] {strides = array<i32>} : memref<16x640xf32, #tpu.memory_space<vmem>>, vector<16xf32>,
      %add3A_147 = arith.addf %add3A_140, %get3A_146 : vector<16xf32>
      %mul3A_148 = arith.constant 16 : i32
      %mul3A_149 = arith.muli %scan3A_43, %mul3A_148 : i32
      %get3A_150 = arith.constant 15 : i32
      %get3A_151 = arith.index_cast %get3A_150 : i32 to index
      %get3A_152 = arith.index_cast %mul3A_149 : i32 to index
      %get3A_153 = tpu.vector_load %arg7[%get3A_151, %get3A_152] {strides = array<i32>} : memref<16x640xf32, #tpu.memory_space<vmem>>, vector<16xf32>,
      %add3A_154 = arith.addf %add3A_147, %get3A_153 : vector<16xf32>
      %gt3A = arith.constant 0.000000e+00 : f32
      %gt3A_155 = vector.broadcast %gt3A : f32 to vector<16xf32>
      %gt3A_156 = arith.cmpf ogt, %add3A_154, %gt3A_155 : vector<16xf32>
      %max3A = arith.constant 1.000000e+00 : f32
      %max3A_157 = vector.broadcast %max3A : f32 to vector<16xf32>
      %max3A_158 = arith.maximumf %add3A_154, %max3A_157 : vector<16xf32>
      %bitcast3A = vector.bitcast %max3A_158 : vector<16xf32> to vector<16xi32>
      %shift_right_logical3A = arith.constant 1 : i32
      %shift_right_logical3A_159 = vector.broadcast %shift_right_logical3A : i32 to vector<16xi32>
      %shift_right_logical3A_160 = arith.shrui %bitcast3A, %shift_right_logical3A_159 : vector<16xi32>
      %sub3A = arith.constant 1597463007 : i32
      %sub3A_161 = vector.broadcast %sub3A : i32 to vector<16xi32>
      %sub3A_162 = arith.subi %sub3A_161, %shift_right_logical3A_160 : vector<16xi32>
      %bitcast3A_163 = vector.bitcast %sub3A_162 : vector<16xi32> to vector<16xf32>
      %mul3A_164 = arith.constant 5.000000e-01 : f32
      %mul3A_165 = vector.broadcast %mul3A_164 : f32 to vector<16xf32>
      %mul3A_166 = arith.mulf %mul3A_165, %max3A_158 : vector<16xf32>
      %mul3A_167 = arith.mulf %mul3A_166, %bitcast3A_163 : vector<16xf32>
      %mul3A_168 = arith.mulf %mul3A_167, %bitcast3A_163 : vector<16xf32>
      %sub3A_169 = arith.constant 1.500000e+00 : f32
      %sub3A_170 = vector.broadcast %sub3A_169 : f32 to vector<16xf32>
      %sub3A_171 = arith.subf %sub3A_170, %mul3A_168 : vector<16xf32>
      %mul3A_172 = arith.mulf %bitcast3A_163, %sub3A_171 : vector<16xf32>
      %mul3A_173 = arith.constant 5.000000e-01 : f32
      %mul3A_174 = vector.broadcast %mul3A_173 : f32 to vector<16xf32>
      %mul3A_175 = arith.mulf %mul3A_174, %max3A_158 : vector<16xf32>
      %mul3A_176 = arith.mulf %mul3A_175, %mul3A_172 : vector<16xf32>
      %mul3A_177 = arith.mulf %mul3A_176, %mul3A_172 : vector<16xf32>
      %sub3A_178 = arith.constant 1.500000e+00 : f32
      %sub3A_179 = vector.broadcast %sub3A_178 : f32 to vector<16xf32>
      %sub3A_180 = arith.subf %sub3A_179, %mul3A_177 : vector<16xf32>
      %mul3A_181 = arith.mulf %mul3A_172, %sub3A_180 : vector<16xf32>
      %mul3A_182 = arith.constant 5.000000e-01 : f32
      %mul3A_183 = vector.broadcast %mul3A_182 : f32 to vector<16xf32>
      %mul3A_184 = arith.mulf %mul3A_183, %max3A_158 : vector<16xf32>
      %mul3A_185 = arith.mulf %mul3A_184, %mul3A_181 : vector<16xf32>
      %mul3A_186 = arith.mulf %mul3A_185, %mul3A_181 : vector<16xf32>
      %sub3A_187 = arith.constant 1.500000e+00 : f32
      %sub3A_188 = vector.broadcast %sub3A_187 : f32 to vector<16xf32>
      %sub3A_189 = arith.subf %sub3A_188, %mul3A_186 : vector<16xf32>
      %mul3A_190 = arith.mulf %mul3A_181, %sub3A_189 : vector<16xf32>
      %jit3A = arith.constant 0.000000e+00 : f32
      %broadcast_in_dim3A_191 = vector.broadcast %jit3A : f32 to vector<16xf32>
      %select_n3A = arith.select %gt3A_156, %mul3A_190, %broadcast_in_dim3A_191 : vector<16xi1>, vector<16xf32>
      %mul3A_192 = arith.constant 16 : i32
      %mul3A_193 = arith.muli %scan3A_43, %mul3A_192 : i32
      %swap3A = arith.index_cast %mul3A_193 : i32 to index
      %swap3A_194 = tpu.vector_load %arg6[%swap3A] {strides = array<i32>} : memref<10240xf32, #tpu.memory_space<vmem>>, vector<16xf32>,
      tpu.vector_store %arg6[%swap3A], %select_n3A {strides = array<i32>} : memref<10240xf32, #tpu.memory_space<vmem>>, vector<16xf32>,
    }
    %scan3A_35 = arith.constant 40 : i32
    %eq3A = arith.constant 0 : i32
    %eq3A_36 = arith.cmpi eq, %arg0, %eq3A : i32
    %convert_element_type3A = arith.extui %eq3A_36 : i1 to i32
    %cond3A = arith.constant 0 : i32
    %cond3A_37 = arith.cmpi ne, %convert_element_type3A, %cond3A : i32
    scf.if %cond3A_37 {
      %mul3A_43 = arith.constant 640 : i32
      %mul3A_44 = arith.muli %arg1, %mul3A_43 : i32
      "tpu.region"() ({
        %run_scoped3A = tpu.sem_alloc : memref<!tpu.dma_semaphore, #tpu.memory_space<semaphore_mem>>
        %dma_start3A = arith.constant 0 : i32
        %dma_start3A_45 = tpu.memref_slice %arg6[%dma_start3A] : memref<10240xf32, #tpu.memory_space<vmem>> -> memref<640xf32, #tpu.memory_space<vmem>>
        %dma_start3A_46 = tpu.memref_slice %arg3[%mul3A_44] : memref<10240xf32, #tpu.memory_space<hbm>> -> memref<640xf32, #tpu.memory_space<hbm>>
        %dma_start3A_47 = tpu.memref_slice %arg3[%mul3A_44] : memref<10240xf32, #tpu.memory_space<hbm>> -> memref<640xf32, #tpu.memory_space<hbm>>
        %dma_start3A_48 = arith.constant 0 : i32
        %dma_start3A_49 = tpu.memref_slice %arg6[%dma_start3A_48] : memref<10240xf32, #tpu.memory_space<vmem>> -> memref<640xf32, #tpu.memory_space<vmem>>
        tpu.enqueue_dma source(%dma_start3A_49 : memref<640xf32, #tpu.memory_space<vmem>>) target(%dma_start3A_47 : memref<640xf32, #tpu.memory_space<hbm>>) target_semaphore(%run_scoped3A : memref<!tpu.dma_semaphore, #tpu.memory_space<semaphore_mem>>)
        %dma_wait3A = arith.constant 0 : i32
        %dma_wait3A_50 = tpu.memref_slice %arg6[%dma_wait3A] : memref<10240xf32, #tpu.memory_space<vmem>> -> memref<640xf32, #tpu.memory_space<vmem>>
        %dma_wait3A_51 = tpu.memref_slice %arg3[%mul3A_44] : memref<10240xf32, #tpu.memory_space<hbm>> -> memref<640xf32, #tpu.memory_space<hbm>>
        %dma_wait3A_52 = tpu.memref_slice %arg3[%mul3A_44] : memref<10240xf32, #tpu.memory_space<hbm>> -> memref<640xf32, #tpu.memory_space<hbm>>
        %dma_wait3A_53 = arith.constant 0 : i32
        %dma_wait3A_54 = tpu.memref_slice %arg6[%dma_wait3A_53] : memref<10240xf32, #tpu.memory_space<vmem>> -> memref<640xf32, #tpu.memory_space<vmem>>
        tpu.wait_dma2 semaphore(%run_scoped3A : memref<!tpu.dma_semaphore, #tpu.memory_space<semaphore_mem>>) src(%dma_wait3A_54 : memref<640xf32, #tpu.memory_space<vmem>>) dst(%dma_wait3A_52 : memref<640xf32, #tpu.memory_space<hbm>>)
        tpu.yield
      }) : () -> ()
    } else {
    }
    %eq3A_38 = arith.constant 1 : i32
    %eq3A_39 = arith.cmpi eq, %arg0, %eq3A_38 : i32
    %convert_element_type3A_40 = arith.extui %eq3A_39 : i1 to i32
    %cond3A_41 = arith.constant 0 : i32
    %cond3A_42 = arith.cmpi ne, %convert_element_type3A_40, %cond3A_41 : i32
    scf.if %cond3A_42 {
      %mul3A_43 = arith.constant 640 : i32
      %mul3A_44 = arith.muli %arg1, %mul3A_43 : i32
      "tpu.region"() ({
        %run_scoped3A = tpu.sem_alloc : memref<!tpu.dma_semaphore, #tpu.memory_space<semaphore_mem>>
        %dma_start3A = arith.constant 0 : i32
        %dma_start3A_45 = tpu.memref_slice %arg6[%dma_start3A] : memref<10240xf32, #tpu.memory_space<vmem>> -> memref<640xf32, #tpu.memory_space<vmem>>
        %dma_start3A_46 = tpu.memref_slice %arg4[%mul3A_44] : memref<10240xf32, #tpu.memory_space<hbm>> -> memref<640xf32, #tpu.memory_space<hbm>>
        %dma_start3A_47 = tpu.memref_slice %arg4[%mul3A_44] : memref<10240xf32, #tpu.memory_space<hbm>> -> memref<640xf32, #tpu.memory_space<hbm>>
        %dma_start3A_48 = arith.constant 0 : i32
        %dma_start3A_49 = tpu.memref_slice %arg6[%dma_start3A_48] : memref<10240xf32, #tpu.memory_space<vmem>> -> memref<640xf32, #tpu.memory_space<vmem>>
        tpu.enqueue_dma source(%dma_start3A_49 : memref<640xf32, #tpu.memory_space<vmem>>) target(%dma_start3A_47 : memref<640xf32, #tpu.memory_space<hbm>>) target_semaphore(%run_scoped3A : memref<!tpu.dma_semaphore, #tpu.memory_space<semaphore_mem>>)
        %dma_wait3A = arith.constant 0 : i32
        %dma_wait3A_50 = tpu.memref_slice %arg6[%dma_wait3A] : memref<10240xf32, #tpu.memory_space<vmem>> -> memref<640xf32, #tpu.memory_space<vmem>>
        %dma_wait3A_51 = tpu.memref_slice %arg4[%mul3A_44] : memref<10240xf32, #tpu.memory_space<hbm>> -> memref<640xf32, #tpu.memory_space<hbm>>
        %dma_wait3A_52 = tpu.memref_slice %arg4[%mul3A_44] : memref<10240xf32, #tpu.memory_space<hbm>> -> memref<640xf32, #tpu.memory_space<hbm>>
        %dma_wait3A_53 = arith.constant 0 : i32
        %dma_wait3A_54 = tpu.memref_slice %arg6[%dma_wait3A_53] : memref<10240xf32, #tpu.memory_space<vmem>> -> memref<640xf32, #tpu.memory_space<vmem>>
        tpu.wait_dma2 semaphore(%run_scoped3A : memref<!tpu.dma_semaphore, #tpu.memory_space<semaphore_mem>>) src(%dma_wait3A_54 : memref<640xf32, #tpu.memory_space<vmem>>) dst(%dma_wait3A_52 : memref<640xf32, #tpu.memory_space<hbm>>)
        tpu.yield
      }) : () -> ()
    } else {
    }
    return
  }
}

#map = affine_map<(d0, d1) -> (0, 0, 0)>
#map1 = affine_map<(d0, d1) -> (0)>
#map2 = affine_map<(d0, d1) -> (0, 0)>
module attributes {stable_mosaic.version = 14 : i64} {
  func.func @_cpre_kernel(%arg0: i32, %arg1: i32, %arg2: memref<32x80x128xi32, #tpu.memory_space<hbm>>, %arg3: memref<32x80x128xi32, #tpu.memory_space<hbm>>, %arg4: memref<10240xf32, #tpu.memory_space<hbm>>, %arg5: memref<256x1280xf32, #tpu.memory_space<hbm>>, %arg6: memref<80x128xi32, #tpu.memory_space<vmem>>, %arg7: memref<80x128xi32, #tpu.memory_space<vmem>>, %arg8: memref<10240xf32, #tpu.memory_space<vmem>>, %arg9: memref<8x1280xf32, #tpu.memory_space<vmem>>) attributes {dimension_semantics = [#tpu.dimension_semantics<core_parallel>, #tpu.dimension_semantics<subcore_parallel>], iteration_bounds = array<i64: 2, 16>, scalar_prefetch = 0 : i64, scratch_operands = 4 : i64, tpu.core_type = #tpu.core_type<sc_vector_subcore>, window_params = [{transform_indices = #map}, {transform_indices = #map}, {transform_indices = #map1}, {transform_indices = #map2}]} {
    %mul3A = arith.constant 16 : i32
    %mul3A_0 = arith.muli %arg0, %mul3A : i32
    %add3A = arith.addi %mul3A_0, %arg1 : i32
    "tpu.region"() ({
      %run_scoped3A = tpu.sem_alloc : memref<!tpu.dma_semaphore, #tpu.memory_space<semaphore_mem>>
      %dma_start3A = arith.constant 0 : i32
      %dma_start3A_15 = arith.constant 0 : i32
      %dma_start3A_16 = tpu.memref_slice %arg2[%add3A, %dma_start3A, %dma_start3A_15] : memref<32x80x128xi32, #tpu.memory_space<hbm>> -> memref<1x80x128xi32, #tpu.memory_space<hbm>>
      %dma_start3A_17 = tpu.memref_squeeze %dma_start3A_16 : memref<1x80x128xi32, #tpu.memory_space<hbm>> -> memref<80x128xi32, #tpu.memory_space<hbm>>
      %dma_start3A_18 = arith.constant 0 : i32
      %dma_start3A_19 = arith.constant 0 : i32
      %dma_start3A_20 = tpu.memref_slice %arg2[%add3A, %dma_start3A_18, %dma_start3A_19] : memref<32x80x128xi32, #tpu.memory_space<hbm>> -> memref<1x80x128xi32, #tpu.memory_space<hbm>>
      %dma_start3A_21 = tpu.memref_squeeze %dma_start3A_20 : memref<1x80x128xi32, #tpu.memory_space<hbm>> -> memref<80x128xi32, #tpu.memory_space<hbm>>
      tpu.enqueue_dma source(%dma_start3A_21 : memref<80x128xi32, #tpu.memory_space<hbm>>) target(%arg6 : memref<80x128xi32, #tpu.memory_space<vmem>>) target_semaphore(%run_scoped3A : memref<!tpu.dma_semaphore, #tpu.memory_space<semaphore_mem>>)
      %dma_wait3A = arith.constant 0 : i32
      %dma_wait3A_22 = arith.constant 0 : i32
      %dma_wait3A_23 = tpu.memref_slice %arg2[%add3A, %dma_wait3A, %dma_wait3A_22] : memref<32x80x128xi32, #tpu.memory_space<hbm>> -> memref<1x80x128xi32, #tpu.memory_space<hbm>>
      %dma_wait3A_24 = tpu.memref_squeeze %dma_wait3A_23 : memref<1x80x128xi32, #tpu.memory_space<hbm>> -> memref<80x128xi32, #tpu.memory_space<hbm>>
      %dma_wait3A_25 = arith.constant 0 : i32
      %dma_wait3A_26 = arith.constant 0 : i32
      %dma_wait3A_27 = tpu.memref_slice %arg2[%add3A, %dma_wait3A_25, %dma_wait3A_26] : memref<32x80x128xi32, #tpu.memory_space<hbm>> -> memref<1x80x128xi32, #tpu.memory_space<hbm>>
      %dma_wait3A_28 = tpu.memref_squeeze %dma_wait3A_27 : memref<1x80x128xi32, #tpu.memory_space<hbm>> -> memref<80x128xi32, #tpu.memory_space<hbm>>
      tpu.wait_dma2 semaphore(%run_scoped3A : memref<!tpu.dma_semaphore, #tpu.memory_space<semaphore_mem>>) src(%dma_wait3A_28 : memref<80x128xi32, #tpu.memory_space<hbm>>) dst(%arg6 : memref<80x128xi32, #tpu.memory_space<vmem>>)
      tpu.yield
    }) : () -> ()
    "tpu.region"() ({
      %run_scoped3A = tpu.sem_alloc : memref<!tpu.dma_semaphore, #tpu.memory_space<semaphore_mem>>
      %dma_start3A = arith.constant 0 : i32
      %dma_start3A_15 = arith.constant 0 : i32
      %dma_start3A_16 = tpu.memref_slice %arg3[%add3A, %dma_start3A, %dma_start3A_15] : memref<32x80x128xi32, #tpu.memory_space<hbm>> -> memref<1x80x128xi32, #tpu.memory_space<hbm>>
      %dma_start3A_17 = tpu.memref_squeeze %dma_start3A_16 : memref<1x80x128xi32, #tpu.memory_space<hbm>> -> memref<80x128xi32, #tpu.memory_space<hbm>>
      %dma_start3A_18 = arith.constant 0 : i32
      %dma_start3A_19 = arith.constant 0 : i32
      %dma_start3A_20 = tpu.memref_slice %arg3[%add3A, %dma_start3A_18, %dma_start3A_19] : memref<32x80x128xi32, #tpu.memory_space<hbm>> -> memref<1x80x128xi32, #tpu.memory_space<hbm>>
      %dma_start3A_21 = tpu.memref_squeeze %dma_start3A_20 : memref<1x80x128xi32, #tpu.memory_space<hbm>> -> memref<80x128xi32, #tpu.memory_space<hbm>>
      tpu.enqueue_dma source(%dma_start3A_21 : memref<80x128xi32, #tpu.memory_space<hbm>>) target(%arg7 : memref<80x128xi32, #tpu.memory_space<vmem>>) target_semaphore(%run_scoped3A : memref<!tpu.dma_semaphore, #tpu.memory_space<semaphore_mem>>)
      %dma_wait3A = arith.constant 0 : i32
      %dma_wait3A_22 = arith.constant 0 : i32
      %dma_wait3A_23 = tpu.memref_slice %arg3[%add3A, %dma_wait3A, %dma_wait3A_22] : memref<32x80x128xi32, #tpu.memory_space<hbm>> -> memref<1x80x128xi32, #tpu.memory_space<hbm>>
      %dma_wait3A_24 = tpu.memref_squeeze %dma_wait3A_23 : memref<1x80x128xi32, #tpu.memory_space<hbm>> -> memref<80x128xi32, #tpu.memory_space<hbm>>
      %dma_wait3A_25 = arith.constant 0 : i32
      %dma_wait3A_26 = arith.constant 0 : i32
      %dma_wait3A_27 = tpu.memref_slice %arg3[%add3A, %dma_wait3A_25, %dma_wait3A_26] : memref<32x80x128xi32, #tpu.memory_space<hbm>> -> memref<1x80x128xi32, #tpu.memory_space<hbm>>
      %dma_wait3A_28 = tpu.memref_squeeze %dma_wait3A_27 : memref<1x80x128xi32, #tpu.memory_space<hbm>> -> memref<80x128xi32, #tpu.memory_space<hbm>>
      tpu.wait_dma2 semaphore(%run_scoped3A : memref<!tpu.dma_semaphore, #tpu.memory_space<semaphore_mem>>) src(%dma_wait3A_28 : memref<80x128xi32, #tpu.memory_space<hbm>>) dst(%arg7 : memref<80x128xi32, #tpu.memory_space<vmem>>)
      tpu.yield
    }) : () -> ()
    "tpu.region"() ({
      %run_scoped3A = tpu.sem_alloc : memref<!tpu.dma_semaphore, #tpu.memory_space<semaphore_mem>>
      tpu.enqueue_dma source(%arg4 : memref<10240xf32, #tpu.memory_space<hbm>>) target(%arg8 : memref<10240xf32, #tpu.memory_space<vmem>>) target_semaphore(%run_scoped3A : memref<!tpu.dma_semaphore, #tpu.memory_space<semaphore_mem>>)
      tpu.wait_dma2 semaphore(%run_scoped3A : memref<!tpu.dma_semaphore, #tpu.memory_space<semaphore_mem>>) src(%arg4 : memref<10240xf32, #tpu.memory_space<hbm>>) dst(%arg8 : memref<10240xf32, #tpu.memory_space<vmem>>)
      tpu.yield
    }) : () -> ()
    %broadcast_in_dim3A = arith.constant 0.000000e+00 : f32
    %broadcast_in_dim3A_1 = vector.broadcast %broadcast_in_dim3A : f32 to vector<16xf32>
    %scan3A = arith.constant 0 : i32
    %scan3A_2 = arith.constant 0 : i32
    %scan3A_3 = arith.constant 80 : i32
    %scan3A_4 = arith.addi %scan3A_2, %scan3A_3 : i32
    %scan3A_5 = arith.constant 1 : i32
    scf.for %scan3A_15 = %scan3A_2 to %scan3A_4 step %scan3A_5  : i32 {
      %div3A = arith.constant 10 : i32
      %div3A_16 = arith.divsi %scan3A_15, %div3A : i32
      %rem3A = arith.constant 10 : i32
      %rem3A_17 = arith.remsi %scan3A_15, %rem3A : i32
      %mul3A_18 = arith.constant 128 : i32
      %mul3A_19 = arith.muli %rem3A_17, %mul3A_18 : i32
      %add3A_20 = arith.constant 0 : i32
      %add3A_21 = arith.addi %mul3A_19, %add3A_20 : i32
      %swap3A = arith.index_cast %div3A_16 : i32 to index
      %swap3A_22 = arith.index_cast %add3A_21 : i32 to index
      %swap3A_23 = tpu.vector_load %arg9[%swap3A, %swap3A_22] {strides = array<i32>} : memref<8x1280xf32, #tpu.memory_space<vmem>>, vector<16xf32>,
      tpu.vector_store %arg9[%swap3A, %swap3A_22], %broadcast_in_dim3A_1 {strides = array<i32>} : memref<8x1280xf32, #tpu.memory_space<vmem>>, vector<16xf32>,
      %add3A_24 = arith.constant 16 : i32
      %add3A_25 = arith.addi %mul3A_19, %add3A_24 : i32
      %swap3A_26 = arith.index_cast %div3A_16 : i32 to index
      %swap3A_27 = arith.index_cast %add3A_25 : i32 to index
      %swap3A_28 = tpu.vector_load %arg9[%swap3A_26, %swap3A_27] {strides = array<i32>} : memref<8x1280xf32, #tpu.memory_space<vmem>>, vector<16xf32>,
      tpu.vector_store %arg9[%swap3A_26, %swap3A_27], %broadcast_in_dim3A_1 {strides = array<i32>} : memref<8x1280xf32, #tpu.memory_space<vmem>>, vector<16xf32>,
      %add3A_29 = arith.constant 32 : i32
      %add3A_30 = arith.addi %mul3A_19, %add3A_29 : i32
      %swap3A_31 = arith.index_cast %div3A_16 : i32 to index
      %swap3A_32 = arith.index_cast %add3A_30 : i32 to index
      %swap3A_33 = tpu.vector_load %arg9[%swap3A_31, %swap3A_32] {strides = array<i32>} : memref<8x1280xf32, #tpu.memory_space<vmem>>, vector<16xf32>,
      tpu.vector_store %arg9[%swap3A_31, %swap3A_32], %broadcast_in_dim3A_1 {strides = array<i32>} : memref<8x1280xf32, #tpu.memory_space<vmem>>, vector<16xf32>,
      %add3A_34 = arith.constant 48 : i32
      %add3A_35 = arith.addi %mul3A_19, %add3A_34 : i32
      %swap3A_36 = arith.index_cast %div3A_16 : i32 to index
      %swap3A_37 = arith.index_cast %add3A_35 : i32 to index
      %swap3A_38 = tpu.vector_load %arg9[%swap3A_36, %swap3A_37] {strides = array<i32>} : memref<8x1280xf32, #tpu.memory_space<vmem>>, vector<16xf32>,
      tpu.vector_store %arg9[%swap3A_36, %swap3A_37], %broadcast_in_dim3A_1 {strides = array<i32>} : memref<8x1280xf32, #tpu.memory_space<vmem>>, vector<16xf32>,
      %add3A_39 = arith.constant 64 : i32
      %add3A_40 = arith.addi %mul3A_19, %add3A_39 : i32
      %swap3A_41 = arith.index_cast %div3A_16 : i32 to index
      %swap3A_42 = arith.index_cast %add3A_40 : i32 to index
      %swap3A_43 = tpu.vector_load %arg9[%swap3A_41, %swap3A_42] {strides = array<i32>} : memref<8x1280xf32, #tpu.memory_space<vmem>>, vector<16xf32>,
      tpu.vector_store %arg9[%swap3A_41, %swap3A_42], %broadcast_in_dim3A_1 {strides = array<i32>} : memref<8x1280xf32, #tpu.memory_space<vmem>>, vector<16xf32>,
      %add3A_44 = arith.constant 80 : i32
      %add3A_45 = arith.addi %mul3A_19, %add3A_44 : i32
      %swap3A_46 = arith.index_cast %div3A_16 : i32 to index
      %swap3A_47 = arith.index_cast %add3A_45 : i32 to index
      %swap3A_48 = tpu.vector_load %arg9[%swap3A_46, %swap3A_47] {strides = array<i32>} : memref<8x1280xf32, #tpu.memory_space<vmem>>, vector<16xf32>,
      tpu.vector_store %arg9[%swap3A_46, %swap3A_47], %broadcast_in_dim3A_1 {strides = array<i32>} : memref<8x1280xf32, #tpu.memory_space<vmem>>, vector<16xf32>,
      %add3A_49 = arith.constant 96 : i32
      %add3A_50 = arith.addi %mul3A_19, %add3A_49 : i32
      %swap3A_51 = arith.index_cast %div3A_16 : i32 to index
      %swap3A_52 = arith.index_cast %add3A_50 : i32 to index
      %swap3A_53 = tpu.vector_load %arg9[%swap3A_51, %swap3A_52] {strides = array<i32>} : memref<8x1280xf32, #tpu.memory_space<vmem>>, vector<16xf32>,
      tpu.vector_store %arg9[%swap3A_51, %swap3A_52], %broadcast_in_dim3A_1 {strides = array<i32>} : memref<8x1280xf32, #tpu.memory_space<vmem>>, vector<16xf32>,
      %add3A_54 = arith.constant 112 : i32
      %add3A_55 = arith.addi %mul3A_19, %add3A_54 : i32
      %swap3A_56 = arith.index_cast %div3A_16 : i32 to index
      %swap3A_57 = arith.index_cast %add3A_55 : i32 to index
      %swap3A_58 = tpu.vector_load %arg9[%swap3A_56, %swap3A_57] {strides = array<i32>} : memref<8x1280xf32, #tpu.memory_space<vmem>>, vector<16xf32>,
      tpu.vector_store %arg9[%swap3A_56, %swap3A_57], %broadcast_in_dim3A_1 {strides = array<i32>} : memref<8x1280xf32, #tpu.memory_space<vmem>>, vector<16xf32>,
    }
    %scan3A_6 = arith.constant 80 : i32
    %scan3A_7 = arith.constant 0 : i32
    %scan3A_8 = arith.constant 0 : i32
    %scan3A_9 = arith.constant 80 : i32
    %scan3A_10 = arith.addi %scan3A_8, %scan3A_9 : i32
    %scan3A_11 = arith.constant 1 : i32
    scf.for %scan3A_15 = %scan3A_8 to %scan3A_10 step %scan3A_11  : i32 {
      %get3A = arith.index_cast %scan3A_15 : i32 to index
      %get3A_16 = arith.constant 0 : index
      %get3A_17 = tpu.vector_load %arg7[%get3A, %get3A_16] {strides = array<i32>} : memref<80x128xi32, #tpu.memory_space<vmem>>, vector<16xi32>,
      %get3A_18 = arith.index_cast %scan3A_15 : i32 to index
      %get3A_19 = arith.constant 0 : index
      %get3A_20 = tpu.vector_load %arg6[%get3A_18, %get3A_19] {strides = array<i32>} : memref<80x128xi32, #tpu.memory_space<vmem>>, vector<16xi32>,
      %gather3A = tpu.vector_load_idx %arg8[%get3A_17] : memref<10240xf32, #tpu.memory_space<vmem>>[vector<16xi32>], vector<16xf32>,
      %div3A = arith.constant 1280 : i32
      %div3A_21 = vector.broadcast %div3A : i32 to vector<16xi32>
      %div3A_22 = arith.divsi %get3A_20, %div3A_21 : vector<16xi32>
      %mul3A_23 = arith.constant 1280 : i32
      %mul3A_24 = vector.broadcast %mul3A_23 : i32 to vector<16xi32>
      %mul3A_25 = arith.muli %div3A_22, %mul3A_24 : vector<16xi32>
      %sub3A = arith.subi %get3A_20, %mul3A_25 : vector<16xi32>
      tpu.vector_store_idx %arg9[%div3A_22, %sub3A], %gather3A {add = true} : memref<8x1280xf32, #tpu.memory_space<vmem>>[vector<16xi32>, vector<16xi32>], vector<16xf32>,
      %get3A_26 = arith.index_cast %scan3A_15 : i32 to index
      %get3A_27 = arith.constant 16 : index
      %get3A_28 = tpu.vector_load %arg7[%get3A_26, %get3A_27] {strides = array<i32>} : memref<80x128xi32, #tpu.memory_space<vmem>>, vector<16xi32>,
      %get3A_29 = arith.index_cast %scan3A_15 : i32 to index
      %get3A_30 = arith.constant 16 : index
      %get3A_31 = tpu.vector_load %arg6[%get3A_29, %get3A_30] {strides = array<i32>} : memref<80x128xi32, #tpu.memory_space<vmem>>, vector<16xi32>,
      %gather3A_32 = tpu.vector_load_idx %arg8[%get3A_28] : memref<10240xf32, #tpu.memory_space<vmem>>[vector<16xi32>], vector<16xf32>,
      %div3A_33 = arith.constant 1280 : i32
      %div3A_34 = vector.broadcast %div3A_33 : i32 to vector<16xi32>
      %div3A_35 = arith.divsi %get3A_31, %div3A_34 : vector<16xi32>
      %mul3A_36 = arith.constant 1280 : i32
      %mul3A_37 = vector.broadcast %mul3A_36 : i32 to vector<16xi32>
      %mul3A_38 = arith.muli %div3A_35, %mul3A_37 : vector<16xi32>
      %sub3A_39 = arith.subi %get3A_31, %mul3A_38 : vector<16xi32>
      tpu.vector_store_idx %arg9[%div3A_35, %sub3A_39], %gather3A_32 {add = true} : memref<8x1280xf32, #tpu.memory_space<vmem>>[vector<16xi32>, vector<16xi32>], vector<16xf32>,
      %get3A_40 = arith.index_cast %scan3A_15 : i32 to index
      %get3A_41 = arith.constant 32 : index
      %get3A_42 = tpu.vector_load %arg7[%get3A_40, %get3A_41] {strides = array<i32>} : memref<80x128xi32, #tpu.memory_space<vmem>>, vector<16xi32>,
      %get3A_43 = arith.index_cast %scan3A_15 : i32 to index
      %get3A_44 = arith.constant 32 : index
      %get3A_45 = tpu.vector_load %arg6[%get3A_43, %get3A_44] {strides = array<i32>} : memref<80x128xi32, #tpu.memory_space<vmem>>, vector<16xi32>,
      %gather3A_46 = tpu.vector_load_idx %arg8[%get3A_42] : memref<10240xf32, #tpu.memory_space<vmem>>[vector<16xi32>], vector<16xf32>,
      %div3A_47 = arith.constant 1280 : i32
      %div3A_48 = vector.broadcast %div3A_47 : i32 to vector<16xi32>
      %div3A_49 = arith.divsi %get3A_45, %div3A_48 : vector<16xi32>
      %mul3A_50 = arith.constant 1280 : i32
      %mul3A_51 = vector.broadcast %mul3A_50 : i32 to vector<16xi32>
      %mul3A_52 = arith.muli %div3A_49, %mul3A_51 : vector<16xi32>
      %sub3A_53 = arith.subi %get3A_45, %mul3A_52 : vector<16xi32>
      tpu.vector_store_idx %arg9[%div3A_49, %sub3A_53], %gather3A_46 {add = true} : memref<8x1280xf32, #tpu.memory_space<vmem>>[vector<16xi32>, vector<16xi32>], vector<16xf32>,
      %get3A_54 = arith.index_cast %scan3A_15 : i32 to index
      %get3A_55 = arith.constant 48 : index
      %get3A_56 = tpu.vector_load %arg7[%get3A_54, %get3A_55] {strides = array<i32>} : memref<80x128xi32, #tpu.memory_space<vmem>>, vector<16xi32>,
      %get3A_57 = arith.index_cast %scan3A_15 : i32 to index
      %get3A_58 = arith.constant 48 : index
      %get3A_59 = tpu.vector_load %arg6[%get3A_57, %get3A_58] {strides = array<i32>} : memref<80x128xi32, #tpu.memory_space<vmem>>, vector<16xi32>,
      %gather3A_60 = tpu.vector_load_idx %arg8[%get3A_56] : memref<10240xf32, #tpu.memory_space<vmem>>[vector<16xi32>], vector<16xf32>,
      %div3A_61 = arith.constant 1280 : i32
      %div3A_62 = vector.broadcast %div3A_61 : i32 to vector<16xi32>
      %div3A_63 = arith.divsi %get3A_59, %div3A_62 : vector<16xi32>
      %mul3A_64 = arith.constant 1280 : i32
      %mul3A_65 = vector.broadcast %mul3A_64 : i32 to vector<16xi32>
      %mul3A_66 = arith.muli %div3A_63, %mul3A_65 : vector<16xi32>
      %sub3A_67 = arith.subi %get3A_59, %mul3A_66 : vector<16xi32>
      tpu.vector_store_idx %arg9[%div3A_63, %sub3A_67], %gather3A_60 {add = true} : memref<8x1280xf32, #tpu.memory_space<vmem>>[vector<16xi32>, vector<16xi32>], vector<16xf32>,
      %get3A_68 = arith.index_cast %scan3A_15 : i32 to index
      %get3A_69 = arith.constant 64 : index
      %get3A_70 = tpu.vector_load %arg7[%get3A_68, %get3A_69] {strides = array<i32>} : memref<80x128xi32, #tpu.memory_space<vmem>>, vector<16xi32>,
      %get3A_71 = arith.index_cast %scan3A_15 : i32 to index
      %get3A_72 = arith.constant 64 : index
      %get3A_73 = tpu.vector_load %arg6[%get3A_71, %get3A_72] {strides = array<i32>} : memref<80x128xi32, #tpu.memory_space<vmem>>, vector<16xi32>,
      %gather3A_74 = tpu.vector_load_idx %arg8[%get3A_70] : memref<10240xf32, #tpu.memory_space<vmem>>[vector<16xi32>], vector<16xf32>,
      %div3A_75 = arith.constant 1280 : i32
      %div3A_76 = vector.broadcast %div3A_75 : i32 to vector<16xi32>
      %div3A_77 = arith.divsi %get3A_73, %div3A_76 : vector<16xi32>
      %mul3A_78 = arith.constant 1280 : i32
      %mul3A_79 = vector.broadcast %mul3A_78 : i32 to vector<16xi32>
      %mul3A_80 = arith.muli %div3A_77, %mul3A_79 : vector<16xi32>
      %sub3A_81 = arith.subi %get3A_73, %mul3A_80 : vector<16xi32>
      tpu.vector_store_idx %arg9[%div3A_77, %sub3A_81], %gather3A_74 {add = true} : memref<8x1280xf32, #tpu.memory_space<vmem>>[vector<16xi32>, vector<16xi32>], vector<16xf32>,
      %get3A_82 = arith.index_cast %scan3A_15 : i32 to index
      %get3A_83 = arith.constant 80 : index
      %get3A_84 = tpu.vector_load %arg7[%get3A_82, %get3A_83] {strides = array<i32>} : memref<80x128xi32, #tpu.memory_space<vmem>>, vector<16xi32>,
      %get3A_85 = arith.index_cast %scan3A_15 : i32 to index
      %get3A_86 = arith.constant 80 : index
      %get3A_87 = tpu.vector_load %arg6[%get3A_85, %get3A_86] {strides = array<i32>} : memref<80x128xi32, #tpu.memory_space<vmem>>, vector<16xi32>,
      %gather3A_88 = tpu.vector_load_idx %arg8[%get3A_84] : memref<10240xf32, #tpu.memory_space<vmem>>[vector<16xi32>], vector<16xf32>,
      %div3A_89 = arith.constant 1280 : i32
      %div3A_90 = vector.broadcast %div3A_89 : i32 to vector<16xi32>
      %div3A_91 = arith.divsi %get3A_87, %div3A_90 : vector<16xi32>
      %mul3A_92 = arith.constant 1280 : i32
      %mul3A_93 = vector.broadcast %mul3A_92 : i32 to vector<16xi32>
      %mul3A_94 = arith.muli %div3A_91, %mul3A_93 : vector<16xi32>
      %sub3A_95 = arith.subi %get3A_87, %mul3A_94 : vector<16xi32>
      tpu.vector_store_idx %arg9[%div3A_91, %sub3A_95], %gather3A_88 {add = true} : memref<8x1280xf32, #tpu.memory_space<vmem>>[vector<16xi32>, vector<16xi32>], vector<16xf32>,
      %get3A_96 = arith.index_cast %scan3A_15 : i32 to index
      %get3A_97 = arith.constant 96 : index
      %get3A_98 = tpu.vector_load %arg7[%get3A_96, %get3A_97] {strides = array<i32>} : memref<80x128xi32, #tpu.memory_space<vmem>>, vector<16xi32>,
      %get3A_99 = arith.index_cast %scan3A_15 : i32 to index
      %get3A_100 = arith.constant 96 : index
      %get3A_101 = tpu.vector_load %arg6[%get3A_99, %get3A_100] {strides = array<i32>} : memref<80x128xi32, #tpu.memory_space<vmem>>, vector<16xi32>,
      %gather3A_102 = tpu.vector_load_idx %arg8[%get3A_98] : memref<10240xf32, #tpu.memory_space<vmem>>[vector<16xi32>], vector<16xf32>,
      %div3A_103 = arith.constant 1280 : i32
      %div3A_104 = vector.broadcast %div3A_103 : i32 to vector<16xi32>
      %div3A_105 = arith.divsi %get3A_101, %div3A_104 : vector<16xi32>
      %mul3A_106 = arith.constant 1280 : i32
      %mul3A_107 = vector.broadcast %mul3A_106 : i32 to vector<16xi32>
      %mul3A_108 = arith.muli %div3A_105, %mul3A_107 : vector<16xi32>
      %sub3A_109 = arith.subi %get3A_101, %mul3A_108 : vector<16xi32>
      tpu.vector_store_idx %arg9[%div3A_105, %sub3A_109], %gather3A_102 {add = true} : memref<8x1280xf32, #tpu.memory_space<vmem>>[vector<16xi32>, vector<16xi32>], vector<16xf32>,
      %get3A_110 = arith.index_cast %scan3A_15 : i32 to index
      %get3A_111 = arith.constant 112 : index
      %get3A_112 = tpu.vector_load %arg7[%get3A_110, %get3A_111] {strides = array<i32>} : memref<80x128xi32, #tpu.memory_space<vmem>>, vector<16xi32>,
      %get3A_113 = arith.index_cast %scan3A_15 : i32 to index
      %get3A_114 = arith.constant 112 : index
      %get3A_115 = tpu.vector_load %arg6[%get3A_113, %get3A_114] {strides = array<i32>} : memref<80x128xi32, #tpu.memory_space<vmem>>, vector<16xi32>,
      %gather3A_116 = tpu.vector_load_idx %arg8[%get3A_112] : memref<10240xf32, #tpu.memory_space<vmem>>[vector<16xi32>], vector<16xf32>,
      %div3A_117 = arith.constant 1280 : i32
      %div3A_118 = vector.broadcast %div3A_117 : i32 to vector<16xi32>
      %div3A_119 = arith.divsi %get3A_115, %div3A_118 : vector<16xi32>
      %mul3A_120 = arith.constant 1280 : i32
      %mul3A_121 = vector.broadcast %mul3A_120 : i32 to vector<16xi32>
      %mul3A_122 = arith.muli %div3A_119, %mul3A_121 : vector<16xi32>
      %sub3A_123 = arith.subi %get3A_115, %mul3A_122 : vector<16xi32>
      tpu.vector_store_idx %arg9[%div3A_119, %sub3A_123], %gather3A_116 {add = true} : memref<8x1280xf32, #tpu.memory_space<vmem>>[vector<16xi32>, vector<16xi32>], vector<16xf32>,
    }
    %scan3A_12 = arith.constant 80 : i32
    %mul3A_13 = arith.constant 8 : i32
    %mul3A_14 = arith.muli %add3A, %mul3A_13 : i32
    "tpu.region"() ({
      %run_scoped3A = tpu.sem_alloc : memref<!tpu.dma_semaphore, #tpu.memory_space<semaphore_mem>>
      %dma_start3A = arith.constant 0 : i32
      %dma_start3A_15 = tpu.memref_slice %arg5[%mul3A_14, %dma_start3A] : memref<256x1280xf32, #tpu.memory_space<hbm>> -> memref<8x1280xf32, #tpu.memory_space<hbm>>
      %dma_start3A_16 = arith.constant 0 : i32
      %dma_start3A_17 = tpu.memref_slice %arg5[%mul3A_14, %dma_start3A_16] : memref<256x1280xf32, #tpu.memory_space<hbm>> -> memref<8x1280xf32, #tpu.memory_space<hbm>>
      tpu.enqueue_dma source(%arg9 : memref<8x1280xf32, #tpu.memory_space<vmem>>) target(%dma_start3A_17 : memref<8x1280xf32, #tpu.memory_space<hbm>>) target_semaphore(%run_scoped3A : memref<!tpu.dma_semaphore, #tpu.memory_space<semaphore_mem>>)
      %dma_wait3A = arith.constant 0 : i32
      %dma_wait3A_18 = tpu.memref_slice %arg5[%mul3A_14, %dma_wait3A] : memref<256x1280xf32, #tpu.memory_space<hbm>> -> memref<8x1280xf32, #tpu.memory_space<hbm>>
      %dma_wait3A_19 = arith.constant 0 : i32
      %dma_wait3A_20 = tpu.memref_slice %arg5[%mul3A_14, %dma_wait3A_19] : memref<256x1280xf32, #tpu.memory_space<hbm>> -> memref<8x1280xf32, #tpu.memory_space<hbm>>
      tpu.wait_dma2 semaphore(%run_scoped3A : memref<!tpu.dma_semaphore, #tpu.memory_space<semaphore_mem>>) src(%arg9 : memref<8x1280xf32, #tpu.memory_space<vmem>>) dst(%dma_wait3A_20 : memref<8x1280xf32, #tpu.memory_space<hbm>>)
      tpu.yield
    }) : () -> ()
    return
  }
}

#map = affine_map<(d0, d1) -> (0, 0)>
#map1 = affine_map<(d0, d1) -> (0, 0, 0)>
module attributes {stable_mosaic.version = 14 : i64} {
  func.func @_edge_kernel(%arg0: i32, %arg1: i32, %arg2: memref<10240x128xf32, #tpu.memory_space<hbm>>, %arg3: memref<32x80x128xi32, #tpu.memory_space<hbm>>, %arg4: memref<32x80x128xi32, #tpu.memory_space<hbm>>, %arg5: memref<2x10240x128xf32, #tpu.memory_space<hbm>>, %arg6: memref<80x128xi32, #tpu.memory_space<vmem>>, %arg7: memref<80x128xi32, #tpu.memory_space<vmem>>, %arg8: memref<128x128xf32, #tpu.memory_space<vmem>>, %arg9: memref<10240x128xf32, #tpu.memory_space<vmem_shared>>, %arg10: memref<!tpu.dma_semaphore, #tpu.memory_space<semaphore_mem>>, %arg11: memref<!tpu.dma_semaphore, #tpu.memory_space<semaphore_mem>>) attributes {dimension_semantics = [#tpu.dimension_semantics<core_parallel>, #tpu.dimension_semantics<subcore_parallel>], iteration_bounds = array<i64: 2, 16>, scalar_prefetch = 0 : i64, scratch_operands = 6 : i64, tpu.core_type = #tpu.core_type<sc_vector_subcore>, window_params = [{transform_indices = #map}, {transform_indices = #map1}, {transform_indices = #map1}, {transform_indices = #map1}]} {
    %mul3A = arith.constant 16 : i32
    %mul3A_0 = arith.muli %arg0, %mul3A : i32
    %add3A = arith.addi %mul3A_0, %arg1 : i32
    "tpu.region"() ({
      %run_scoped3A = tpu.sem_alloc : memref<!tpu.dma_semaphore, #tpu.memory_space<semaphore_mem>>
      %dma_start3A = arith.constant 0 : i32
      %dma_start3A_38 = arith.constant 0 : i32
      %dma_start3A_39 = tpu.memref_slice %arg3[%add3A, %dma_start3A, %dma_start3A_38] : memref<32x80x128xi32, #tpu.memory_space<hbm>> -> memref<1x80x128xi32, #tpu.memory_space<hbm>>
      %dma_start3A_40 = tpu.memref_squeeze %dma_start3A_39 : memref<1x80x128xi32, #tpu.memory_space<hbm>> -> memref<80x128xi32, #tpu.memory_space<hbm>>
      %dma_start3A_41 = arith.constant 0 : i32
      %dma_start3A_42 = arith.constant 0 : i32
      %dma_start3A_43 = tpu.memref_slice %arg3[%add3A, %dma_start3A_41, %dma_start3A_42] : memref<32x80x128xi32, #tpu.memory_space<hbm>> -> memref<1x80x128xi32, #tpu.memory_space<hbm>>
      %dma_start3A_44 = tpu.memref_squeeze %dma_start3A_43 : memref<1x80x128xi32, #tpu.memory_space<hbm>> -> memref<80x128xi32, #tpu.memory_space<hbm>>
      tpu.enqueue_dma source(%dma_start3A_44 : memref<80x128xi32, #tpu.memory_space<hbm>>) target(%arg6 : memref<80x128xi32, #tpu.memory_space<vmem>>) target_semaphore(%run_scoped3A : memref<!tpu.dma_semaphore, #tpu.memory_space<semaphore_mem>>)
      %dma_wait3A = arith.constant 0 : i32
      %dma_wait3A_45 = arith.constant 0 : i32
      %dma_wait3A_46 = tpu.memref_slice %arg3[%add3A, %dma_wait3A, %dma_wait3A_45] : memref<32x80x128xi32, #tpu.memory_space<hbm>> -> memref<1x80x128xi32, #tpu.memory_space<hbm>>
      %dma_wait3A_47 = tpu.memref_squeeze %dma_wait3A_46 : memref<1x80x128xi32, #tpu.memory_space<hbm>> -> memref<80x128xi32, #tpu.memory_space<hbm>>
      %dma_wait3A_48 = arith.constant 0 : i32
      %dma_wait3A_49 = arith.constant 0 : i32
      %dma_wait3A_50 = tpu.memref_slice %arg3[%add3A, %dma_wait3A_48, %dma_wait3A_49] : memref<32x80x128xi32, #tpu.memory_space<hbm>> -> memref<1x80x128xi32, #tpu.memory_space<hbm>>
      %dma_wait3A_51 = tpu.memref_squeeze %dma_wait3A_50 : memref<1x80x128xi32, #tpu.memory_space<hbm>> -> memref<80x128xi32, #tpu.memory_space<hbm>>
      tpu.wait_dma2 semaphore(%run_scoped3A : memref<!tpu.dma_semaphore, #tpu.memory_space<semaphore_mem>>) src(%dma_wait3A_51 : memref<80x128xi32, #tpu.memory_space<hbm>>) dst(%arg6 : memref<80x128xi32, #tpu.memory_space<vmem>>)
      tpu.yield
    }) : () -> ()
    "tpu.region"() ({
      %run_scoped3A = tpu.sem_alloc : memref<!tpu.dma_semaphore, #tpu.memory_space<semaphore_mem>>
      %dma_start3A = arith.constant 0 : i32
      %dma_start3A_38 = arith.constant 0 : i32
      %dma_start3A_39 = tpu.memref_slice %arg4[%add3A, %dma_start3A, %dma_start3A_38] : memref<32x80x128xi32, #tpu.memory_space<hbm>> -> memref<1x80x128xi32, #tpu.memory_space<hbm>>
      %dma_start3A_40 = tpu.memref_squeeze %dma_start3A_39 : memref<1x80x128xi32, #tpu.memory_space<hbm>> -> memref<80x128xi32, #tpu.memory_space<hbm>>
      %dma_start3A_41 = arith.constant 0 : i32
      %dma_start3A_42 = arith.constant 0 : i32
      %dma_start3A_43 = tpu.memref_slice %arg4[%add3A, %dma_start3A_41, %dma_start3A_42] : memref<32x80x128xi32, #tpu.memory_space<hbm>> -> memref<1x80x128xi32, #tpu.memory_space<hbm>>
      %dma_start3A_44 = tpu.memref_squeeze %dma_start3A_43 : memref<1x80x128xi32, #tpu.memory_space<hbm>> -> memref<80x128xi32, #tpu.memory_space<hbm>>
      tpu.enqueue_dma source(%dma_start3A_44 : memref<80x128xi32, #tpu.memory_space<hbm>>) target(%arg7 : memref<80x128xi32, #tpu.memory_space<vmem>>) target_semaphore(%run_scoped3A : memref<!tpu.dma_semaphore, #tpu.memory_space<semaphore_mem>>)
      %dma_wait3A = arith.constant 0 : i32
      %dma_wait3A_45 = arith.constant 0 : i32
      %dma_wait3A_46 = tpu.memref_slice %arg4[%add3A, %dma_wait3A, %dma_wait3A_45] : memref<32x80x128xi32, #tpu.memory_space<hbm>> -> memref<1x80x128xi32, #tpu.memory_space<hbm>>
      %dma_wait3A_47 = tpu.memref_squeeze %dma_wait3A_46 : memref<1x80x128xi32, #tpu.memory_space<hbm>> -> memref<80x128xi32, #tpu.memory_space<hbm>>
      %dma_wait3A_48 = arith.constant 0 : i32
      %dma_wait3A_49 = arith.constant 0 : i32
      %dma_wait3A_50 = tpu.memref_slice %arg4[%add3A, %dma_wait3A_48, %dma_wait3A_49] : memref<32x80x128xi32, #tpu.memory_space<hbm>> -> memref<1x80x128xi32, #tpu.memory_space<hbm>>
      %dma_wait3A_51 = tpu.memref_squeeze %dma_wait3A_50 : memref<1x80x128xi32, #tpu.memory_space<hbm>> -> memref<80x128xi32, #tpu.memory_space<hbm>>
      tpu.wait_dma2 semaphore(%run_scoped3A : memref<!tpu.dma_semaphore, #tpu.memory_space<semaphore_mem>>) src(%dma_wait3A_51 : memref<80x128xi32, #tpu.memory_space<hbm>>) dst(%arg7 : memref<80x128xi32, #tpu.memory_space<vmem>>)
      tpu.yield
    }) : () -> ()
    %broadcast_in_dim3A = arith.constant 0.000000e+00 : f32
    %broadcast_in_dim3A_1 = vector.broadcast %broadcast_in_dim3A : f32 to vector<16xf32>
    %scan3A = arith.constant 0 : i32
    %scan3A_2 = arith.constant 0 : i32
    %scan3A_3 = arith.constant 128 : i32
    %scan3A_4 = arith.addi %scan3A_2, %scan3A_3 : i32
    %scan3A_5 = arith.constant 1 : i32
    scf.for %scan3A_38 = %scan3A_2 to %scan3A_4 step %scan3A_5  : i32 {
      %swap3A = arith.index_cast %scan3A_38 : i32 to index
      %swap3A_39 = arith.constant 0 : index
      %swap3A_40 = tpu.vector_load %arg8[%swap3A, %swap3A_39] {strides = array<i32>} : memref<128x128xf32, #tpu.memory_space<vmem>>, vector<16xf32>,
      tpu.vector_store %arg8[%swap3A, %swap3A_39], %broadcast_in_dim3A_1 {strides = array<i32>} : memref<128x128xf32, #tpu.memory_space<vmem>>, vector<16xf32>,
      %swap3A_41 = arith.index_cast %scan3A_38 : i32 to index
      %swap3A_42 = arith.constant 16 : index
      %swap3A_43 = tpu.vector_load %arg8[%swap3A_41, %swap3A_42] {strides = array<i32>} : memref<128x128xf32, #tpu.memory_space<vmem>>, vector<16xf32>,
      tpu.vector_store %arg8[%swap3A_41, %swap3A_42], %broadcast_in_dim3A_1 {strides = array<i32>} : memref<128x128xf32, #tpu.memory_space<vmem>>, vector<16xf32>,
      %swap3A_44 = arith.index_cast %scan3A_38 : i32 to index
      %swap3A_45 = arith.constant 32 : index
      %swap3A_46 = tpu.vector_load %arg8[%swap3A_44, %swap3A_45] {strides = array<i32>} : memref<128x128xf32, #tpu.memory_space<vmem>>, vector<16xf32>,
      tpu.vector_store %arg8[%swap3A_44, %swap3A_45], %broadcast_in_dim3A_1 {strides = array<i32>} : memref<128x128xf32, #tpu.memory_space<vmem>>, vector<16xf32>,
      %swap3A_47 = arith.index_cast %scan3A_38 : i32 to index
      %swap3A_48 = arith.constant 48 : index
      %swap3A_49 = tpu.vector_load %arg8[%swap3A_47, %swap3A_48] {strides = array<i32>} : memref<128x128xf32, #tpu.memory_space<vmem>>, vector<16xf32>,
      tpu.vector_store %arg8[%swap3A_47, %swap3A_48], %broadcast_in_dim3A_1 {strides = array<i32>} : memref<128x128xf32, #tpu.memory_space<vmem>>, vector<16xf32>,
      %swap3A_50 = arith.index_cast %scan3A_38 : i32 to index
      %swap3A_51 = arith.constant 64 : index
      %swap3A_52 = tpu.vector_load %arg8[%swap3A_50, %swap3A_51] {strides = array<i32>} : memref<128x128xf32, #tpu.memory_space<vmem>>, vector<16xf32>,
      tpu.vector_store %arg8[%swap3A_50, %swap3A_51], %broadcast_in_dim3A_1 {strides = array<i32>} : memref<128x128xf32, #tpu.memory_space<vmem>>, vector<16xf32>,
      %swap3A_53 = arith.index_cast %scan3A_38 : i32 to index
      %swap3A_54 = arith.constant 80 : index
      %swap3A_55 = tpu.vector_load %arg8[%swap3A_53, %swap3A_54] {strides = array<i32>} : memref<128x128xf32, #tpu.memory_space<vmem>>, vector<16xf32>,
      tpu.vector_store %arg8[%swap3A_53, %swap3A_54], %broadcast_in_dim3A_1 {strides = array<i32>} : memref<128x128xf32, #tpu.memory_space<vmem>>, vector<16xf32>,
      %swap3A_56 = arith.index_cast %scan3A_38 : i32 to index
      %swap3A_57 = arith.constant 96 : index
      %swap3A_58 = tpu.vector_load %arg8[%swap3A_56, %swap3A_57] {strides = array<i32>} : memref<128x128xf32, #tpu.memory_space<vmem>>, vector<16xf32>,
      tpu.vector_store %arg8[%swap3A_56, %swap3A_57], %broadcast_in_dim3A_1 {strides = array<i32>} : memref<128x128xf32, #tpu.memory_space<vmem>>, vector<16xf32>,
      %swap3A_59 = arith.index_cast %scan3A_38 : i32 to index
      %swap3A_60 = arith.constant 112 : index
      %swap3A_61 = tpu.vector_load %arg8[%swap3A_59, %swap3A_60] {strides = array<i32>} : memref<128x128xf32, #tpu.memory_space<vmem>>, vector<16xf32>,
      tpu.vector_store %arg8[%swap3A_59, %swap3A_60], %broadcast_in_dim3A_1 {strides = array<i32>} : memref<128x128xf32, #tpu.memory_space<vmem>>, vector<16xf32>,
    }
    %scan3A_6 = arith.constant 128 : i32
    %mul3A_7 = arith.constant 640 : i32
    %mul3A_8 = arith.muli %arg1, %mul3A_7 : i32
    %add3A_9 = arith.constant 0 : i32
    %add3A_10 = arith.addi %mul3A_8, %add3A_9 : i32
    "tpu.region"() ({
      %run_scoped3A = tpu.sem_alloc : memref<!tpu.dma_semaphore, #tpu.memory_space<semaphore_mem>>
      %dma_start3A = arith.constant 0 : i32
      %dma_start3A_38 = tpu.memref_slice %arg9[%add3A_10, %dma_start3A] : memref<10240x128xf32, #tpu.memory_space<vmem_shared>> -> memref<128x128xf32, #tpu.memory_space<vmem_shared>>
      %dma_start3A_39 = arith.constant 0 : i32
      %dma_start3A_40 = tpu.memref_slice %arg9[%add3A_10, %dma_start3A_39] : memref<10240x128xf32, #tpu.memory_space<vmem_shared>> -> memref<128x128xf32, #tpu.memory_space<vmem_shared>>
      tpu.enqueue_dma source(%arg8 : memref<128x128xf32, #tpu.memory_space<vmem>>) target(%dma_start3A_40 : memref<128x128xf32, #tpu.memory_space<vmem_shared>>) target_semaphore(%run_scoped3A : memref<!tpu.dma_semaphore, #tpu.memory_space<semaphore_mem>>)
      %dma_wait3A = arith.constant 0 : i32
      %dma_wait3A_41 = tpu.memref_slice %arg9[%add3A_10, %dma_wait3A] : memref<10240x128xf32, #tpu.memory_space<vmem_shared>> -> memref<128x128xf32, #tpu.memory_space<vmem_shared>>
      %dma_wait3A_42 = arith.constant 0 : i32
      %dma_wait3A_43 = tpu.memref_slice %arg9[%add3A_10, %dma_wait3A_42] : memref<10240x128xf32, #tpu.memory_space<vmem_shared>> -> memref<128x128xf32, #tpu.memory_space<vmem_shared>>
      tpu.wait_dma2 semaphore(%run_scoped3A : memref<!tpu.dma_semaphore, #tpu.memory_space<semaphore_mem>>) src(%arg8 : memref<128x128xf32, #tpu.memory_space<vmem>>) dst(%dma_wait3A_43 : memref<128x128xf32, #tpu.memory_space<vmem_shared>>)
      tpu.yield
    }) : () -> ()
    %mul3A_11 = arith.constant 640 : i32
    %mul3A_12 = arith.muli %arg1, %mul3A_11 : i32
    %add3A_13 = arith.constant 128 : i32
    %add3A_14 = arith.addi %mul3A_12, %add3A_13 : i32
    "tpu.region"() ({
      %run_scoped3A = tpu.sem_alloc : memref<!tpu.dma_semaphore, #tpu.memory_space<semaphore_mem>>
      %dma_start3A = arith.constant 0 : i32
      %dma_start3A_38 = tpu.memref_slice %arg9[%add3A_14, %dma_start3A] : memref<10240x128xf32, #tpu.memory_space<vmem_shared>> -> memref<128x128xf32, #tpu.memory_space<vmem_shared>>
      %dma_start3A_39 = arith.constant 0 : i32
      %dma_start3A_40 = tpu.memref_slice %arg9[%add3A_14, %dma_start3A_39] : memref<10240x128xf32, #tpu.memory_space<vmem_shared>> -> memref<128x128xf32, #tpu.memory_space<vmem_shared>>
      tpu.enqueue_dma source(%arg8 : memref<128x128xf32, #tpu.memory_space<vmem>>) target(%dma_start3A_40 : memref<128x128xf32, #tpu.memory_space<vmem_shared>>) target_semaphore(%run_scoped3A : memref<!tpu.dma_semaphore, #tpu.memory_space<semaphore_mem>>)
      %dma_wait3A = arith.constant 0 : i32
      %dma_wait3A_41 = tpu.memref_slice %arg9[%add3A_14, %dma_wait3A] : memref<10240x128xf32, #tpu.memory_space<vmem_shared>> -> memref<128x128xf32, #tpu.memory_space<vmem_shared>>
      %dma_wait3A_42 = arith.constant 0 : i32
      %dma_wait3A_43 = tpu.memref_slice %arg9[%add3A_14, %dma_wait3A_42] : memref<10240x128xf32, #tpu.memory_space<vmem_shared>> -> memref<128x128xf32, #tpu.memory_space<vmem_shared>>
      tpu.wait_dma2 semaphore(%run_scoped3A : memref<!tpu.dma_semaphore, #tpu.memory_space<semaphore_mem>>) src(%arg8 : memref<128x128xf32, #tpu.memory_space<vmem>>) dst(%dma_wait3A_43 : memref<128x128xf32, #tpu.memory_space<vmem_shared>>)
      tpu.yield
    }) : () -> ()
    %mul3A_15 = arith.constant 640 : i32
    %mul3A_16 = arith.muli %arg1, %mul3A_15 : i32
    %add3A_17 = arith.constant 256 : i32
    %add3A_18 = arith.addi %mul3A_16, %add3A_17 : i32
    "tpu.region"() ({
      %run_scoped3A = tpu.sem_alloc : memref<!tpu.dma_semaphore, #tpu.memory_space<semaphore_mem>>
      %dma_start3A = arith.constant 0 : i32
      %dma_start3A_38 = tpu.memref_slice %arg9[%add3A_18, %dma_start3A] : memref<10240x128xf32, #tpu.memory_space<vmem_shared>> -> memref<128x128xf32, #tpu.memory_space<vmem_shared>>
      %dma_start3A_39 = arith.constant 0 : i32
      %dma_start3A_40 = tpu.memref_slice %arg9[%add3A_18, %dma_start3A_39] : memref<10240x128xf32, #tpu.memory_space<vmem_shared>> -> memref<128x128xf32, #tpu.memory_space<vmem_shared>>
      tpu.enqueue_dma source(%arg8 : memref<128x128xf32, #tpu.memory_space<vmem>>) target(%dma_start3A_40 : memref<128x128xf32, #tpu.memory_space<vmem_shared>>) target_semaphore(%run_scoped3A : memref<!tpu.dma_semaphore, #tpu.memory_space<semaphore_mem>>)
      %dma_wait3A = arith.constant 0 : i32
      %dma_wait3A_41 = tpu.memref_slice %arg9[%add3A_18, %dma_wait3A] : memref<10240x128xf32, #tpu.memory_space<vmem_shared>> -> memref<128x128xf32, #tpu.memory_space<vmem_shared>>
      %dma_wait3A_42 = arith.constant 0 : i32
      %dma_wait3A_43 = tpu.memref_slice %arg9[%add3A_18, %dma_wait3A_42] : memref<10240x128xf32, #tpu.memory_space<vmem_shared>> -> memref<128x128xf32, #tpu.memory_space<vmem_shared>>
      tpu.wait_dma2 semaphore(%run_scoped3A : memref<!tpu.dma_semaphore, #tpu.memory_space<semaphore_mem>>) src(%arg8 : memref<128x128xf32, #tpu.memory_space<vmem>>) dst(%dma_wait3A_43 : memref<128x128xf32, #tpu.memory_space<vmem_shared>>)
      tpu.yield
    }) : () -> ()
    %mul3A_19 = arith.constant 640 : i32
    %mul3A_20 = arith.muli %arg1, %mul3A_19 : i32
    %add3A_21 = arith.constant 384 : i32
    %add3A_22 = arith.addi %mul3A_20, %add3A_21 : i32
    "tpu.region"() ({
      %run_scoped3A = tpu.sem_alloc : memref<!tpu.dma_semaphore, #tpu.memory_space<semaphore_mem>>
      %dma_start3A = arith.constant 0 : i32
      %dma_start3A_38 = tpu.memref_slice %arg9[%add3A_22, %dma_start3A] : memref<10240x128xf32, #tpu.memory_space<vmem_shared>> -> memref<128x128xf32, #tpu.memory_space<vmem_shared>>
      %dma_start3A_39 = arith.constant 0 : i32
      %dma_start3A_40 = tpu.memref_slice %arg9[%add3A_22, %dma_start3A_39] : memref<10240x128xf32, #tpu.memory_space<vmem_shared>> -> memref<128x128xf32, #tpu.memory_space<vmem_shared>>
      tpu.enqueue_dma source(%arg8 : memref<128x128xf32, #tpu.memory_space<vmem>>) target(%dma_start3A_40 : memref<128x128xf32, #tpu.memory_space<vmem_shared>>) target_semaphore(%run_scoped3A : memref<!tpu.dma_semaphore, #tpu.memory_space<semaphore_mem>>)
      %dma_wait3A = arith.constant 0 : i32
      %dma_wait3A_41 = tpu.memref_slice %arg9[%add3A_22, %dma_wait3A] : memref<10240x128xf32, #tpu.memory_space<vmem_shared>> -> memref<128x128xf32, #tpu.memory_space<vmem_shared>>
      %dma_wait3A_42 = arith.constant 0 : i32
      %dma_wait3A_43 = tpu.memref_slice %arg9[%add3A_22, %dma_wait3A_42] : memref<10240x128xf32, #tpu.memory_space<vmem_shared>> -> memref<128x128xf32, #tpu.memory_space<vmem_shared>>
      tpu.wait_dma2 semaphore(%run_scoped3A : memref<!tpu.dma_semaphore, #tpu.memory_space<semaphore_mem>>) src(%arg8 : memref<128x128xf32, #tpu.memory_space<vmem>>) dst(%dma_wait3A_43 : memref<128x128xf32, #tpu.memory_space<vmem_shared>>)
      tpu.yield
    }) : () -> ()
    %mul3A_23 = arith.constant 640 : i32
    %mul3A_24 = arith.muli %arg1, %mul3A_23 : i32
    %add3A_25 = arith.constant 512 : i32
    %add3A_26 = arith.addi %mul3A_24, %add3A_25 : i32
    "tpu.region"() ({
      %run_scoped3A = tpu.sem_alloc : memref<!tpu.dma_semaphore, #tpu.memory_space<semaphore_mem>>
      %dma_start3A = arith.constant 0 : i32
      %dma_start3A_38 = tpu.memref_slice %arg9[%add3A_26, %dma_start3A] : memref<10240x128xf32, #tpu.memory_space<vmem_shared>> -> memref<128x128xf32, #tpu.memory_space<vmem_shared>>
      %dma_start3A_39 = arith.constant 0 : i32
      %dma_start3A_40 = tpu.memref_slice %arg9[%add3A_26, %dma_start3A_39] : memref<10240x128xf32, #tpu.memory_space<vmem_shared>> -> memref<128x128xf32, #tpu.memory_space<vmem_shared>>
      tpu.enqueue_dma source(%arg8 : memref<128x128xf32, #tpu.memory_space<vmem>>) target(%dma_start3A_40 : memref<128x128xf32, #tpu.memory_space<vmem_shared>>) target_semaphore(%run_scoped3A : memref<!tpu.dma_semaphore, #tpu.memory_space<semaphore_mem>>)
      %dma_wait3A = arith.constant 0 : i32
      %dma_wait3A_41 = tpu.memref_slice %arg9[%add3A_26, %dma_wait3A] : memref<10240x128xf32, #tpu.memory_space<vmem_shared>> -> memref<128x128xf32, #tpu.memory_space<vmem_shared>>
      %dma_wait3A_42 = arith.constant 0 : i32
      %dma_wait3A_43 = tpu.memref_slice %arg9[%add3A_26, %dma_wait3A_42] : memref<10240x128xf32, #tpu.memory_space<vmem_shared>> -> memref<128x128xf32, #tpu.memory_space<vmem_shared>>
      tpu.wait_dma2 semaphore(%run_scoped3A : memref<!tpu.dma_semaphore, #tpu.memory_space<semaphore_mem>>) src(%arg8 : memref<128x128xf32, #tpu.memory_space<vmem>>) dst(%dma_wait3A_43 : memref<128x128xf32, #tpu.memory_space<vmem_shared>>)
      tpu.yield
    }) : () -> ()
    %barrier3A = arith.constant 0 : index
    tpu.barrier barrier_id(%barrier3A)
    %scan3A_27 = arith.constant 0 : i32
    %scan3A_28 = arith.constant 0 : i32
    %scan3A_29 = arith.constant 80 : i32
    %scan3A_30 = arith.addi %scan3A_28, %scan3A_29 : i32
    %scan3A_31 = arith.constant 1 : i32
    scf.for %scan3A_38 = %scan3A_28 to %scan3A_30 step %scan3A_31  : i32 {
      %dma_start3A = arith.constant 0 : i32
      %dma_start3A_39 = tpu.memref_slice %arg6[%scan3A_38, %dma_start3A] : memref<80x128xi32, #tpu.memory_space<vmem>> -> memref<1x128xi32, #tpu.memory_space<vmem>>
      %dma_start3A_40 = tpu.memref_squeeze %dma_start3A_39 : memref<1x128xi32, #tpu.memory_space<vmem>> -> memref<128xi32, #tpu.memory_space<vmem>>
      %dma_start3A_41 = arith.constant 0 : i32
      %dma_start3A_42 = arith.constant 0 : i32
      %dma_start3A_43 = tpu.memref_slice %arg2[%dma_start3A_41, %dma_start3A_42] : memref<10240x128xf32, #tpu.memory_space<hbm>> -> memref<10240x128xf32, #tpu.memory_space<hbm>>
      tpu.enqueue_indirect_dma source(%dma_start3A_43 : memref<10240x128xf32, #tpu.memory_space<hbm>>) target(%arg8 : memref<128x128xf32, #tpu.memory_space<vmem>>) offsets(%dma_start3A_40 : memref<128xi32, #tpu.memory_space<vmem>>) semaphore(%arg10 : memref<!tpu.dma_semaphore, #tpu.memory_space<semaphore_mem>>)
      %dma_wait3A = arith.constant 0 : i32
      %dma_wait3A_44 = tpu.memref_slice %arg6[%scan3A_38, %dma_wait3A] : memref<80x128xi32, #tpu.memory_space<vmem>> -> memref<1x128xi32, #tpu.memory_space<vmem>>
      %dma_wait3A_45 = tpu.memref_squeeze %dma_wait3A_44 : memref<1x128xi32, #tpu.memory_space<vmem>> -> memref<128xi32, #tpu.memory_space<vmem>>
      %dma_wait3A_46 = arith.constant 0 : i32
      %dma_wait3A_47 = arith.constant 0 : i32
      %dma_wait3A_48 = tpu.memref_slice %arg2[%dma_wait3A_46, %dma_wait3A_47] : memref<10240x128xf32, #tpu.memory_space<hbm>> -> memref<10240x128xf32, #tpu.memory_space<hbm>>
      tpu.wait_indirect_dma semaphore(%arg10 : memref<!tpu.dma_semaphore, #tpu.memory_space<semaphore_mem>>) src(%dma_wait3A_48 : memref<10240x128xf32, #tpu.memory_space<hbm>>) dst(%arg8 : memref<128x128xf32, #tpu.memory_space<vmem>>)
      %dma_start3A_49 = arith.constant 0 : i32
      %dma_start3A_50 = tpu.memref_slice %arg7[%scan3A_38, %dma_start3A_49] : memref<80x128xi32, #tpu.memory_space<vmem>> -> memref<1x128xi32, #tpu.memory_space<vmem>>
      %dma_start3A_51 = tpu.memref_squeeze %dma_start3A_50 : memref<1x128xi32, #tpu.memory_space<vmem>> -> memref<128xi32, #tpu.memory_space<vmem>>
      %dma_start3A_52 = arith.constant 0 : i32
      %dma_start3A_53 = arith.constant 0 : i32
      %dma_start3A_54 = tpu.memref_slice %arg9[%dma_start3A_52, %dma_start3A_53] : memref<10240x128xf32, #tpu.memory_space<vmem_shared>> -> memref<10240x128xf32, #tpu.memory_space<vmem_shared>>
      tpu.enqueue_indirect_dma source(%arg8 : memref<128x128xf32, #tpu.memory_space<vmem>>) target(%dma_start3A_54 : memref<10240x128xf32, #tpu.memory_space<vmem_shared>>) offsets(%dma_start3A_51 : memref<128xi32, #tpu.memory_space<vmem>>) semaphore(%arg11 : memref<!tpu.dma_semaphore, #tpu.memory_space<semaphore_mem>>) {add = true}
      %dma_wait3A_55 = arith.constant 0 : i32
      %dma_wait3A_56 = tpu.memref_slice %arg7[%scan3A_38, %dma_wait3A_55] : memref<80x128xi32, #tpu.memory_space<vmem>> -> memref<1x128xi32, #tpu.memory_space<vmem>>
      %dma_wait3A_57 = tpu.memref_squeeze %dma_wait3A_56 : memref<1x128xi32, #tpu.memory_space<vmem>> -> memref<128xi32, #tpu.memory_space<vmem>>
      %dma_wait3A_58 = arith.constant 0 : i32
      %dma_wait3A_59 = arith.constant 0 : i32
      %dma_wait3A_60 = tpu.memref_slice %arg9[%dma_wait3A_58, %dma_wait3A_59] : memref<10240x128xf32, #tpu.memory_space<vmem_shared>> -> memref<10240x128xf32, #tpu.memory_space<vmem_shared>>
      tpu.wait_indirect_dma semaphore(%arg11 : memref<!tpu.dma_semaphore, #tpu.memory_space<semaphore_mem>>) src(%arg8 : memref<128x128xf32, #tpu.memory_space<vmem>>) dst(%dma_wait3A_60 : memref<10240x128xf32, #tpu.memory_space<vmem_shared>>)
    }
    %scan3A_32 = arith.constant 80 : i32
    %barrier3A_33 = arith.constant 0 : index
    tpu.barrier barrier_id(%barrier3A_33)
    %mul3A_34 = arith.constant 640 : i32
    %mul3A_35 = arith.muli %arg1, %mul3A_34 : i32
    %mul3A_36 = arith.constant 640 : i32
    %mul3A_37 = arith.muli %arg1, %mul3A_36 : i32
    "tpu.region"() ({
      %run_scoped3A = tpu.sem_alloc : memref<!tpu.dma_semaphore, #tpu.memory_space<semaphore_mem>>
      %dma_start3A = arith.constant 0 : i32
      %dma_start3A_38 = tpu.memref_slice %arg5[%arg0, %mul3A_37, %dma_start3A] : memref<2x10240x128xf32, #tpu.memory_space<hbm>> -> memref<1x640x128xf32, #tpu.memory_space<hbm>>
      %dma_start3A_39 = tpu.memref_squeeze %dma_start3A_38 : memref<1x640x128xf32, #tpu.memory_space<hbm>> -> memref<640x128xf32, #tpu.memory_space<hbm>>
      %dma_start3A_40 = arith.constant 0 : i32
      %dma_start3A_41 = tpu.memref_slice %arg9[%mul3A_35, %dma_start3A_40] : memref<10240x128xf32, #tpu.memory_space<vmem_shared>> -> memref<640x128xf32, #tpu.memory_space<vmem_shared>>
      tpu.enqueue_dma source(%dma_start3A_41 : memref<640x128xf32, #tpu.memory_space<vmem_shared>>) target(%dma_start3A_39 : memref<640x128xf32, #tpu.memory_space<hbm>>) target_semaphore(%run_scoped3A : memref<!tpu.dma_semaphore, #tpu.memory_space<semaphore_mem>>)
      %dma_wait3A = arith.constant 0 : i32
      %dma_wait3A_42 = tpu.memref_slice %arg5[%arg0, %mul3A_37, %dma_wait3A] : memref<2x10240x128xf32, #tpu.memory_space<hbm>> -> memref<1x640x128xf32, #tpu.memory_space<hbm>>
      %dma_wait3A_43 = tpu.memref_squeeze %dma_wait3A_42 : memref<1x640x128xf32, #tpu.memory_space<hbm>> -> memref<640x128xf32, #tpu.memory_space<hbm>>
      %dma_wait3A_44 = arith.constant 0 : i32
      %dma_wait3A_45 = tpu.memref_slice %arg9[%mul3A_35, %dma_wait3A_44] : memref<10240x128xf32, #tpu.memory_space<vmem_shared>> -> memref<640x128xf32, #tpu.memory_space<vmem_shared>>
      tpu.wait_dma2 semaphore(%run_scoped3A : memref<!tpu.dma_semaphore, #tpu.memory_space<semaphore_mem>>) src(%dma_wait3A_45 : memref<640x128xf32, #tpu.memory_space<vmem_shared>>) dst(%dma_wait3A_43 : memref<640x128xf32, #tpu.memory_space<hbm>>)
      tpu.yield
    }) : () -> ()
    return
  }
}

module attributes {stable_mosaic.version = 14 : i64} {
  func.func @_scale_body(%arg0: memref<10000x128xf32, #tpu.memory_space<vmem>>, %arg1: memref<10000x1xf32, #tpu.memory_space<vmem>>, %arg2: memref<10240x128xf32, #tpu.memory_space<vmem>>) attributes {dimension_semantics = [], scalar_prefetch = 0 : i64, scratch_operands = 0 : i64, tpu.core_type = #tpu.core_type<tc>} {
    %get3A = arith.constant 0 : index
    %get3A_0 = arith.constant 0 : index
    %get3A_1 = vector.load %arg0[%get3A, %get3A_0] : memref<10000x128xf32, #tpu.memory_space<vmem>>, vector<10000x128xf32>
    %get3A_2 = arith.constant 0 : index
    %get3A_3 = arith.constant 0 : index
    %get3A_4 = vector.load %arg1[%get3A_2, %get3A_3] : memref<10000x1xf32, #tpu.memory_space<vmem>>, vector<10000x1xf32>
    %mul3A = vector.broadcast %get3A_4 : vector<10000x1xf32> to vector<10000x128xf32>
    %mul3A_5 = arith.mulf %get3A_1, %mul3A : vector<10000x128xf32>
    %swap3A = arith.constant 0 : index
    %swap3A_6 = arith.constant 0 : index
    %swap3A_7 = vector.load %arg2[%swap3A, %swap3A_6] : memref<10240x128xf32, #tpu.memory_space<vmem>>, vector<10000x128xf32>
    tpu.vector_store %arg2[%swap3A, %swap3A_6], %mul3A_5 {strides = array<i32>} : memref<10240x128xf32, #tpu.memory_space<vmem>>, vector<10000x128xf32>,
    %broadcast_in_dim3A = arith.constant 0.000000e+00 : f32
    %broadcast_in_dim3A_8 = vector.broadcast %broadcast_in_dim3A : f32 to vector<240x128xf32>
    %swap3A_9 = arith.constant 10000 : index
    %swap3A_10 = arith.constant 0 : index
    %swap3A_11 = vector.load %arg2[%swap3A_9, %swap3A_10] : memref<10240x128xf32, #tpu.memory_space<vmem>>, vector<240x128xf32>
    tpu.vector_store %arg2[%swap3A_9, %swap3A_10], %broadcast_in_dim3A_8 {strides = array<i32>} : memref<10240x128xf32, #tpu.memory_space<vmem>>, vector<240x128xf32>,
    return
  }
}

module attributes {stable_mosaic.version = 14 : i64} {
  func.func @_final_body(%arg0: memref<2x10240x128xf32, #tpu.memory_space<vmem>>, %arg1: memref<32x10240xf32, #tpu.memory_space<vmem>>, %arg2: memref<1x10240xf32, #tpu.memory_space<vmem>>, %arg3: memref<10240x1xf32, #tpu.memory_space<vmem>>, %arg4: memref<128x128xf32, #tpu.memory_space<vmem>>, %arg5: memref<1x128xf32, #tpu.memory_space<vmem>>, %arg6: memref<128x128xf32, #tpu.memory_space<vmem>>, %arg7: memref<1x128xf32, #tpu.memory_space<vmem>>, %arg8: memref<128x50xf32, #tpu.memory_space<vmem>>, %arg9: memref<1x50xf32, #tpu.memory_space<vmem>>, %arg10: memref<1x50xf32, #tpu.memory_space<vmem>>) attributes {dimension_semantics = [], scalar_prefetch = 0 : i64, scratch_operands = 0 : i64, tpu.core_type = #tpu.core_type<tc>} {
    %get3A = arith.constant 0 : index
    %get3A_0 = arith.constant 0 : index
    %get3A_1 = arith.constant 0 : index
    %get3A_2 = vector.load %arg0[%get3A, %get3A_0, %get3A_1] : memref<2x10240x128xf32, #tpu.memory_space<vmem>>, vector<1x10240x128xf32>
    %get3A_3 = vector.shape_cast %get3A_2 : vector<1x10240x128xf32> to vector<10240x128xf32>
    %get3A_4 = arith.constant 1 : index
    %get3A_5 = arith.constant 0 : index
    %get3A_6 = arith.constant 0 : index
    %get3A_7 = vector.load %arg0[%get3A_4, %get3A_5, %get3A_6] : memref<2x10240x128xf32, #tpu.memory_space<vmem>>, vector<1x10240x128xf32>
    %get3A_8 = vector.shape_cast %get3A_7 : vector<1x10240x128xf32> to vector<10240x128xf32>
    %add3A = arith.addf %get3A_3, %get3A_8 : vector<10240x128xf32>
    %get3A_9 = arith.constant 0 : index
    %get3A_10 = arith.constant 0 : index
    %get3A_11 = vector.load %arg3[%get3A_9, %get3A_10] : memref<10240x1xf32, #tpu.memory_space<vmem>>, vector<10240x1xf32>
    %mul3A = vector.broadcast %get3A_11 : vector<10240x1xf32> to vector<10240x128xf32>
    %mul3A_12 = arith.mulf %add3A, %mul3A : vector<10240x128xf32>
    %get3A_13 = arith.constant 0 : index
    %get3A_14 = arith.constant 0 : index
    %get3A_15 = vector.load %arg4[%get3A_13, %get3A_14] : memref<128x128xf32, #tpu.memory_space<vmem>>, vector<128x128xf32>
    %dot_general3A = arith.constant dense<0.000000e+00> : vector<10240x128xf32>
    %dot_general3A_16 = tpu.matmul %mul3A_12, %get3A_15, %dot_general3A {dimension_numbers = #tpu.dot_dimension_numbers<[1], [0], [0], [1], [0, 0, 1, 1], [], []>, transpose_lhs_hint = false} : vector<10240x128xf32>, vector<128x128xf32>, vector<10240x128xf32> -> vector<10240x128xf32>
    %get3A_17 = arith.constant 0 : index
    %get3A_18 = arith.constant 0 : index
    %get3A_19 = vector.load %arg5[%get3A_17, %get3A_18] : memref<1x128xf32, #tpu.memory_space<vmem>>, vector<1x128xf32>
    %add3A_20 = vector.broadcast %get3A_19 : vector<1x128xf32> to vector<10240x128xf32>
    %add3A_21 = arith.addf %dot_general3A_16, %add3A_20 : vector<10240x128xf32>
    %max3A = arith.constant 0.000000e+00 : f32
    %max3A_22 = vector.broadcast %max3A : f32 to vector<10240x128xf32>
    %max3A_23 = arith.maximumf %add3A_21, %max3A_22 : vector<10240x128xf32>
    %get3A_24 = arith.constant 0 : index
    %get3A_25 = arith.constant 0 : index
    %get3A_26 = vector.load %arg1[%get3A_24, %get3A_25] : memref<32x10240xf32, #tpu.memory_space<vmem>>, vector<32x10240xf32>
    %reduce_sum3A = arith.constant dense<0.000000e+00> : vector<10240xf32>
    %reduce_sum3A_27 = vector.multi_reduction <add>, %get3A_26, %reduce_sum3A [0] : vector<32x10240xf32> to vector<10240xf32>
    %broadcast_in_dim3A = vector.shape_cast %reduce_sum3A_27 : vector<10240xf32> to vector<1x10240xf32>
    %get3A_28 = arith.constant 0 : index
    %get3A_29 = arith.constant 0 : index
    %get3A_30 = vector.load %arg2[%get3A_28, %get3A_29] : memref<1x10240xf32, #tpu.memory_space<vmem>>, vector<1x10240xf32>
    %mul3A_31 = arith.mulf %broadcast_in_dim3A, %get3A_30 : vector<1x10240xf32>
    %dot_general3A_32 = arith.constant dense<0.000000e+00> : vector<1x128xf32>
    %dot_general3A_33 = tpu.matmul %mul3A_31, %max3A_23, %dot_general3A_32 {dimension_numbers = #tpu.dot_dimension_numbers<[1], [0], [0], [1], [0, 0, 1, 1], [], []>, transpose_lhs_hint = false} : vector<1x10240xf32>, vector<10240x128xf32>, vector<1x128xf32> -> vector<1x128xf32>
    %mul3A_34 = arith.constant 9.99999974E-5 : f32
    %mul3A_35 = vector.broadcast %mul3A_34 : f32 to vector<1x128xf32>
    %mul3A_36 = arith.mulf %dot_general3A_33, %mul3A_35 : vector<1x128xf32>
    %get3A_37 = arith.constant 0 : index
    %get3A_38 = arith.constant 0 : index
    %get3A_39 = vector.load %arg6[%get3A_37, %get3A_38] : memref<128x128xf32, #tpu.memory_space<vmem>>, vector<128x128xf32>
    %dot_general3A_40 = arith.constant dense<0.000000e+00> : vector<1x128xf32>
    %dot_general3A_41 = tpu.matmul %mul3A_36, %get3A_39, %dot_general3A_40 {dimension_numbers = #tpu.dot_dimension_numbers<[1], [0], [0], [1], [0, 0, 1, 1], [], []>, transpose_lhs_hint = false} : vector<1x128xf32>, vector<128x128xf32>, vector<1x128xf32> -> vector<1x128xf32>
    %get3A_42 = arith.constant 0 : index
    %get3A_43 = arith.constant 0 : index
    %get3A_44 = vector.load %arg7[%get3A_42, %get3A_43] : memref<1x128xf32, #tpu.memory_space<vmem>>, vector<1x128xf32>
    %add3A_45 = arith.addf %dot_general3A_41, %get3A_44 : vector<1x128xf32>
    %get3A_46 = arith.constant 0 : index
    %get3A_47 = arith.constant 0 : index
    %get3A_48 = vector.load %arg8[%get3A_46, %get3A_47] : memref<128x50xf32, #tpu.memory_space<vmem>>, vector<128x50xf32>
    %dot_general3A_49 = arith.constant dense<0.000000e+00> : vector<1x50xf32>
    %dot_general3A_50 = tpu.matmul %add3A_45, %get3A_48, %dot_general3A_49 {dimension_numbers = #tpu.dot_dimension_numbers<[1], [0], [0], [1], [0, 0, 1, 1], [], []>, transpose_lhs_hint = false} : vector<1x128xf32>, vector<128x50xf32>, vector<1x50xf32> -> vector<1x50xf32>
    %get3A_51 = arith.constant 0 : index
    %get3A_52 = arith.constant 0 : index
    %get3A_53 = vector.load %arg9[%get3A_51, %get3A_52] : memref<1x50xf32, #tpu.memory_space<vmem>>, vector<1x50xf32>
    %add3A_54 = arith.addf %dot_general3A_50, %get3A_53 : vector<1x50xf32>
    %swap3A = arith.constant 0 : index
    %swap3A_55 = arith.constant 0 : index
    %swap3A_56 = vector.load %arg10[%swap3A, %swap3A_55] : memref<1x50xf32, #tpu.memory_space<vmem>>, vector<1x50xf32>
    tpu.vector_store %arg10[%swap3A, %swap3A_55], %add3A_54 {strides = array<i32>} : memref<1x50xf32, #tpu.memory_space<vmem>>, vector<1x50xf32>,
    return
  }
}

</mosaic_0001>

<sc_bundles>
// kernel: kernel.10.cloned.1.call-start
scs
__scs_entry_jumppad:
0x0: {  	(pc) =	sbr.rel $0x88, $3  }
0x1: {  	(tag) =	ssettag $0x0;
	lr =	simm.s32 $0x1  }
0x2: {  	[smem:$0x3F99] =	sst lr;
	_ =	strace $0xD0000000  }
0x3: {  	_ = 	snop  }
0x4: {  	_ = 	snop  }
0x5: {  	_ = 	snop  }
0x6: {  	_ = 	snop  }
0x7: {  	_ = 	snop  }
__scs_overlays_trampoline_lowered:
0x8: {  	[smem:$0x3FA8] =	sst s0  }
0x9: {  	[smem:$0x3FA9] =	sst s1  }
0xa: {  	[smem:$0x3FAA] =	sst s2  }
0xb: {  	[smem:$0x3FAB] =	sst s3  }
0xc: {  	[smem:$0x3FAC] =	sst s4  }
0xd: {  	[smem:$0x3FAD] =	sst s5  }
0xe: {  	[smem:$0x3FAE] =	sst s6  }
0xf: {  	[smem:$0x3FAF] =	sst s7  }
0x10: {  	[smem:$0x3FB0] =	sst s8  }
0x11: {  	[smem:$0x3FB1] =	sst s9;
	s0 =	simm.s32 @!p0 $0x0  }
0x12: {  	s1 =	sld [smem:$0x3F97];
	s0 =	simm.s32 @p0 $0x1  }
0x13: {  	[smem:$0x3FB2] =	sst s0;
	s0 =	simm.s32 @!p1 $0x0  }
0x14: {  	s2 =	sld [smem:$0x3F96];
	s0 =	simm.s32 @p1 $0x1  }
0x15: {  	[smem:$0x3FB3] =	sst s0;
	s0 =	simm.s32 @!p2 $0x0  }
0x16: {  	s3 =	sld [smem:$0x3FDB];
	s0 =	simm.s32 @p2 $0x1  }
0x17: {  	s4 =	simm.s32 $0x1BF5;
	[smem:$0x3FB5] =	sst s0  }
0x18: {  	s0 =	sld [smem:$0x3F98];
	_ =	swait.ge [sflag:s4], $0x0  }
0x19: {  	s7 =	sld [smem:$0x3F99]  }
0x1a: {  	s8 =	sadd.s32 $0xFFFFE003, lr  }
0x1b: {  	s9 =	sadd.s32 $0xFFFFFEF7, lr;
	s5 =	simm.s32 $0xFFFFFFFF;
	p2 =	slt.u32 s8, $0xFFFFF086  }
0x1c: {  	p1 =	slt.u32 s9, $0xF7A;
	s5 =	simm.s32 @!p2 $0x0  }
0x1d: {  	s5 =	simm.s32 @p1 $0x1;
	p0 =	seq.s32 s7, s2  }
0x1e: {  	s7 =	smul.u32 @!p0 $0xF7A, s2;
	p2 =	seq.s32 @!p0 s5, $0x0  }
0x1f: {  	s9 =	smul.u32 $0xF7A, s1;
	s8 =	simm.s32 @!p0 $0x1BF5;
	p2 =	por !p2, p0  }
0x20: {  	[sflag:s8] =	ssyncset.s32 @!p0 $0xFFFFF086;
	s6 =	sadd.s32 @!p0 s3, s7;
	s7 =	simm.s32 @!p0 $0x108  }
0x21: {  	s3 =	sadd.s32 s3, s9;
	s6 =	sadd.s32 @!p0 $0x88, s6;
	s7 =	simm.s32 @p2 $0x1082  }
0x22: {  	[simem:s7], [sflag:s8] =	dma.local @!p0 [hbm:s6], $0xF7A  }
0x23: {  	s9 =	sor.u32 $0xD0000000, s2;
	s6 =	simm.s32 $0x108;
	_ =	swait.ge @!p0 [sflag:s8], $0x0  }
0x24: {  	s3 =	sadd.s32 $0x88, s3;
	s6 =	simm.s32 @!p1 $0x1082;
	[sflag:s4] =	ssyncset.s32 $0xFFFFF086  }
0x25: {  	[simem:s6], [sflag:s4] =	dma.local [hbm:s3], $0xF7A  }
0x26: {  	[smem:$0x3F99] =	sst s1;
	(tag) =	ssettag s2;
	_ =	strace s9  }
0x27: {  	s1 =	sld [smem:$0x3FA9]  }
0x28: {  	s2 =	sld [smem:$0x3FAA]  }
0x29: {  	s4 =	sld [smem:$0x3FAC]  }
0x2a: {  	p0 =	seq.s32 s5, $0x0;
	s5 =	sld [smem:$0x3FAD]  }
0x2b: {  	s6 =	sld [smem:$0x3FAE]  }
0x2c: {  	s7 =	sld [smem:$0x3FAF]  }
0x2d: {  	s3 =	simm.s32 $0x108;
	s8 =	sld [smem:$0x3FB0]  }
0x2e: {  	s3 =	simm.s32 @!p0 $0x1082;
	s9 =	sld [smem:$0x3FB1]  }
0x2f: {  	lr =	sadd.s32 s0, s3;
	s0 =	sld [smem:$0x3FA8]  }
0x30: {  	s3 =	sld [smem:$0x3FAB]  }
0x31: {  	[smem:$0x3FB4] =	sst s10  }
0x32: {  	s10 =	sld [smem:$0x3FB2];
	_ =	sdelay $0x3  }
0x33: {  	p0 =	seq.s32 s10, $0x1;
	s10 =	sld [smem:$0x3FB4];
	_ =	sdelay $0x3  }
0x34: {  	[smem:$0x3FB4] =	sst s10  }
0x35: {  	s10 =	sld [smem:$0x3FB3];
	_ =	sdelay $0x3  }
0x36: {  	p1 =	seq.s32 s10, $0x1;
	s10 =	sld [smem:$0x3FB4];
	_ =	sdelay $0x3  }
0x37: {  	[smem:$0x3FB4] =	sst s10  }
0x38: {  	s10 =	sld [smem:$0x3FB5]  }
0x39: {  	_ = 	snop;
	(pc) =	sbr.ind lr, $3  }
0x3a: {  	_ = 	snop  }
0x3b: {  	_ = 	snop  }
0x3c: {  	p2 =	seq.s32 s10, $0x1;
	s10 =	sld [smem:$0x3FB4]  }
0x3d: {  	_ =	shalt  }
0x3e: {  	_ =	shalt  }
0x3f: {  	_ =	shalt  }
0x40: {  	_ =	shalt  }
0x41: {  	_ =	shalt  }
0x42: {  	_ =	shalt  }
0x43: {  	_ =	shalt  }
0x44: {  	_ =	shalt  }
0x45: {  	_ =	shalt  }
0x46: {  	_ =	shalt  }
0x47: {  	_ =	shalt  }
0x48: {  	_ =	shalt  }
0x49: {  	_ =	shalt  }
0x4a: {  	_ =	shalt  }
0x4b: {  	_ =	shalt  }
0x4c: {  	_ =	shalt  }
0x4d: {  	_ =	shalt  }
0x4e: {  	_ =	shalt  }
0x4f: {  	_ =	shalt  }
0x50: {  	_ =	shalt  }
0x51: {  	_ =	shalt  }
0x52: {  	_ =	shalt  }
0x53: {  	_ =	shalt  }
0x54: {  	_ =	shalt  }
0x55: {  	_ =	shalt  }
0x56: {  	_ =	shalt  }
0x57: {  	_ =	shalt  }
0x58: {  	_ =	shalt  }
0x59: {  	_ =	shalt  }
0x5a: {  	_ =	shalt  }
0x5b: {  	_ =	shalt  }
0x5c: {  	_ =	shalt  }
0x5d: {  	_ =	shalt  }
0x5e: {  	_ =	shalt  }
0x5f: {  	_ =	shalt  }
0x60: {  	_ =	shalt  }
0x61: {  	_ =	shalt  }
0x62: {  	_ =	shalt  }
0x63: {  	_ =	shalt  }
0x64: {  	_ =	shalt  }
0x65: {  	_ =	shalt  }
0x66: {  	_ =	shalt  }
0x67: {  	_ =	shalt  }
0x68: {  	_ =	shalt  }
0x69: {  	_ =	shalt  }
0x6a: {  	_ =	shalt  }
0x6b: {  	_ =	shalt  }
0x6c: {  	_ =	shalt  }
0x6d: {  	_ =	shalt  }
0x6e: {  	_ =	shalt  }
0x6f: {  	_ =	shalt  }
0x70: {  	_ =	shalt  }
0x71: {  	_ =	shalt  }
0x72: {  	_ =	shalt  }
0x73: {  	_ =	shalt  }
0x74: {  	_ =	shalt  }
0x75: {  	_ =	shalt  }
0x76: {  	_ =	shalt  }
0x77: {  	_ =	shalt  }
0x78: {  	_ =	shalt  }
0x79: {  	_ =	shalt  }
0x7a: {  	_ =	shalt  }
0x7b: {  	_ =	shalt  }
0x7c: {  	_ =	shalt  }
0x7d: {  	_ =	shalt  }
0x7e: {  	_ =	shalt  }
0x7f: {  	_ =	shalt  }
0x80: {  	_ =	shalt  }
0x81: {  	_ =	shalt  }
0x82: {  	_ =	shalt  }
0x83: {  	_ =	shalt  }
0x84: {  	_ =	shalt  }
0x85: {  	_ =	shalt  }
0x86: {  	_ =	shalt  }
0x87: {  	_ =	shalt  }
.Lfunc_end0:
.L_simem_size_0:
called_computation.1_lowered:
.L_overlay_start_0:
0x88: {  	s2 =	sld [smem:$0x3FD9]  }
0x89: {  	s3 =	sld [smem:$0x3FFE];
	_ =	sdelay $0x1  }
0x8a: {  	s1 =	srdreg.scid  }
0x8b: {  	s0 =	sand.u32 $0x1, s1  }
0x8c: {  	s17 =	sshll.u32 s0, $0xA;
	s2 =	sadd.s32 s3, s2  }
0x8d: {  	s2 =	sadd.s32 s2, s17  }
0x8e: {  	[smem:$0x3FC0] =	sst s2  }
0x8f: {  	_ = 	snop  }
0x90: {  	(tm) =	ssettm $0x1  }
0x91: {  	s18 =	sld [smem:$0x3FFB];
	_ =	sdelay $0x3  }
0x92: {  	_ =	strace s18  }
0x93: {  	s2 =	sld [smem:$0x3FFC];
	_ =	sdelay $0x3  }
0x94: {  	_ =	strace s2  }
0x95: {  	s2 =	sld [smem:$0x3FFD];
	_ =	sdelay $0x3  }
0x96: {  	_ =	strace s2  }
0x97: {  	_ =	strace $0x8FFFFFFF  }
0x98: {  	s19 =	sld [smem:$0x3FDB];
	_ =	sdelay $0x1  }
0x99: {  	s20 =	simm.s32 $_scs_section_size  }
0x9a: {  	s4 =	simm.s32 $_size__tile_overlayer_lowered;
	s5 =	simm.s32 $_tile_overlayer_lowered  }
0x9b: {  	s6 =	simm.s32 $0x1BFF;
	s21 =	sshll.u32 s5, $0x1;
	s3 =	sadd.s32 s20, s19  }
0x9c: {  	s22 =	simm.s32 $0x0;
	s4 =	sshll.u32 s4, $0x1;
	s5 =	sadd.s32 s21, s3  }
0x9d: {  	[timem:s22], [sflag:s6] =	dma.local [hbm:s5], s4  }
0x9e: {  	_ =	swait.ge [sflag:s6], s4  }
0x9f: {  	s4 =	ssub.s32 $0x0, s4;
	[sflag:s6] =	ssyncset.done $0x0  }
0xa0: {  	[sflag:s6] =	ssyncadd.s32 s4;
	_ =	sdelay $0x1  }
0xa1: {  	s23 =	simm.s32 $0x1B8B  }
0xa2: {  	_ =	swait.ge [sflag:s23], $0x1  }
0xa3: {  	[sflag:s23] =	ssyncset.done $0x0  }
0xa4: {  	[sflag:s23] =	ssyncadd.s32 $0xFFFFFFFF  }
0xa5: {  	s4 =	sld [smem:$0x0]  }
0xa6: {  	s5 =	sand.u32 $0xFFFFFFFE, s1  }
0xa7: {  	p0 =	sne.s32 s1, s5  }
0xa8: {  	s5 =	sshll.u32 @p0 s5, $0xE  }
0xa9: {  	s5 =	sadd.s32 @p0 $0x11B8D, s5;
	s6 =	sshll.u32 @p0 s4, $0x11  }
0xaa: {  	s5 =	sor.u32 @p0 s6, s5  }
0xab: {  	[sflag:s5] =	ssyncadd.remote.s32 @p0 $0x1;
	_ =	sdelay $0x1  }
0xac: {  	s5 =	simm.s32 @p0 $0x1B8D  }
0xad: {  	_ =	swait.eq @p0 [sflag:s5], $0x1  }
0xae: {  	[sflag:s5] =	ssyncadd.s32 @p0 $0xFFFFFFFF  }
0xaf: {  	s6 =	sshll.u32 @!p0 s1, $0xE  }
0xb0: {  	s6 =	sor.u32 @!p0 $0x4000, s6;
	s5 =	simm.s32 @!p0 $0x1B8D  }
0xb1: {  	s4 =	sshll.u32 @!p0 s4, $0x11;
	s6 =	sadd.s32 @!p0 $0x11B8D, s6;
	_ =	swait.eq @!p0 [sflag:s5], $0x1  }
0xb2: {  	s4 =	sor.u32 @!p0 s4, s6;
	[sflag:s5] =	ssyncadd.s32 @!p0 $0xFFFFFFFF  }
0xb3: {  	s25 =	simm.s32 $0x1B8E;
	s24 =	sld [smem:$0x3FFE];
	[sflag:s4] =	ssyncadd.remote.s32 @!p0 $0x1  }
0xb4: {  	s26 =	simm.s32 $execute0_lowered;
	[smem:$0x3FD2] =	sst s25  }
0xb5: {  	s5 =	sshll.u32 s26, $0x1;
	_ =	strace $0x8000004C;
	[dreg:$0x1] =	wrdreg $0xFFFFFFFF  }
0xb6: {  	s28 =	simm.s32 $_size_execute0_lowered;
	s3 =	sadd.s32 s3, s5;
	[dreg:$0x0] =	wrdreg $0x0  }
0xb7: {  	s5 =	sshll.u32 s28, $0x1;
	[dreg:$0x2] =	wrdreg s3  }
0xb8: {  	[dreg:$0x3] =	wrdreg s5  }
0xb9: {  	[dreg:$0x4] =	wrdreg $0xC0  }
0xba: {  	_ =	task [dreg:s22], $0x5FFFF  }
0xbb: {  	[dreg:$0x1] =	wrdreg $0xFFFFFFFF  }
0xbc: {  	[dreg:$0x0] =	wrdreg $0x60  }
0xbd: {  	[dreg:$0x2] =	wrdreg s24  }
0xbe: {  	[dreg:$0x3] =	wrdreg $0x90000  }
0xbf: {  	[dreg:$0x4] =	wrdreg $0x9  }
0xc0: {  	_ =	task.clear_ibuf [dreg:s22], $0x5FFFF;
	_ =	strace $0x9000004C  }
0xc1: {  	s29 =	simm.s32 $0x9;
	_ =	strace $0x8000004E  }
0xc2: {  	_ =	swait.ge [sflag:s29], $0x1  }
0xc3: {  	[sflag:s29] =	ssyncadd.s32 $0xFFFFFFFF  }
0xc4: {  	_ =	strace $0x9000004E  }
0xc5: {  	_ =	sfence  }
0xc6: {  	s30 =	sld [smem:$0x0];
	_ =	sdelay $0x2  }
0xc7: {  	s31 =	sshll.u32 s1, $0xD;
	s1 =	sshrl.u32 s1, $0x2  }
0xc8: {  	s4 =	sand.u32 $0x4000, s31;
	s1 =	sadd.s32 s1, s30  }
0xc9: {  	s0 =	sor.u32 s4, s0;
	s1 =	sshll.u32 s1, $0x11  }
0xca: {  	s0 =	sor.u32 s1, s0  }
0xcb: {  	s0 =	sadd.s32 $0x8F2B, s0  }
0xcc: {  	[sflag:s0] =	ssyncadd.remote.s32 $0x1  }
0xcd: {  	_ =	sfence.sel $0xFFFF  }
0xce: {  	[dreg:$0x0] =	wrdreg $0xFFFFFFFF;
	(pc) =	sbr.abs _section_cstart, $3  }
0xcf: {  	[dreg:$0x1] =	wrdreg $0xFFFFFFFF  }
0xd0: {  	_ =	task.clear_ibuf [dreg:s22], $0x2FFFF;
	_ =	strace $0x9FFFFFFF  }
0xd1: {  	(tm) =	ssettm $0x7FFFFFFF  }
tec
execute0_lowered:
.L_overlay_start_1:
0x0: {  	(tag) =	ssettag $0x1  }
0x1: {  	s5 =	rddreg [dreg:$0x0]  }
0x2: {  	s2 =	rddreg [dreg:$0x1];
	s3 =	srdreg.scid  }
0x3: {  	s0 =	rddreg [dreg:$0x2];
	s1 =	stileid.u32  }
0x4: {  	s14 =	simm.s32 $0x3;
	s15 =	simm.s32 $0x2800;
	s16 =	simm.s32 $0x5000  }
0x5: {  	s17 =	simm.s32 $0x80;
	s18 =	simm.s32 $0x1;
	s19 =	simm.s32 $0x2  }
0x6: {  	s22 =	simm.s32 $0x0;
	s6 =	sand.u32 $0x1, s3;
	s7 =	smul.u32 $0x14000, s1  }
0x7: {  	s3 =	simm.s32 $0x0;
	s10 =	smul.u32 $0x50000, s1;
	s20 =	sshll.u32 s1, $0x6  }
0x8: {  	s4 =	sshll.u32 s6, $0x4;
	[smem:$0x7FF] =	sst s3;
	s8 =	smul.u32 $0x140000, s6  }
0x9: {  	s6 =	ssub.s32 $0x2, s6;
	s20 =	sor.u32 $0x1C03, s20;
	s4 =	sor.u32 s1, s4  }
0xa: {  	_ =	strace $0x8000004D;
	s30 =	sshrl.u32 s6, $0x1;
	s31 =	sshrl.u32 s10, $0x2  }
0xb: {  	s9 =	smul.u32 $0x500, s4;
	s4 =	sadd.s32 $0x2B400, s5;
	s8 =	sadd.s32 s7, s8  }
0xc: {  	s13 =	ssub.s32 s6, s30;
	s11 =	sadd.s32 s31, s2;
	s7 =	sadd.s32 s7, s2  }
0xd: {  	s8 =	sshrl.u32 s8, $0x3;
	s10 =	sadd.s32 $0xC000, s11;
	s13 =	smax.u32 s13, $0x1  }
0xe: {  	s21 =	sshrl.u32 s7, $0x3;
	s9 =	sadd.s32 s9, s5;
	s12 =	sadd.s32 s8, s5  }
0xf: {  	s8 =	sadd.s32 $0x4000, s11;
	s5 =	sadd.s32 $0x21400, s9;
	s6 =	sadd.s32 $0x17400, s9  }
0x10: {  	v0 =	vimm.f32 $0.0e+00;
	s9 =	sadd.s32 $0x8000, s11;
	s11 =	sadd.s32 $0x10000, s11;
	s12 =	sadd.s32 $0x53400, s12  }
.LBB2_1:
0x11: {  	[tilespmem:s3], [sflag:$0x3] =	stream.linear.gather [hbm4b:s5+s3], $0x2800, $0x38;
	[tilespmem:$0x1D000] =	vst v63  }
0x12: {  	_ =	swait.ge [sflag:s14], $0x2800  }
0x13: {  	[sflag:s14] =	ssyncset.done $0x0  }
0x14: {  	[sflag:s14] =	ssyncadd.s32 $0xFFFFD800  }
0x15: {  	[tilespmem:s15], [sflag:$0x3] =	stream.linear.gather [hbm4b:s6+s3], $0x2800, $0x38;
	[tilespmem:$0x1D000] =	vst v63  }
0x16: {  	_ =	swait.ge [sflag:s14], $0x2800  }
0x17: {  	[sflag:s14] =	ssyncset.done $0x0  }
0x18: {  	s23 =	simm.s32 $0x0;
	s24 =	simm.s32 $0x200;
	[sflag:s14] =	ssyncadd.s32 $0xFFFFD800  }
.LBB2_2:
0x19: {  	p0 =	sne.s32 s24, $0xFE00;
	[tilespmem:s23+$0x5070] =	vst v0  }
0x1a: {  	[tilespmem:s23+$0x5000] =	vst v0  }
0x1b: {  	[tilespmem:s23+$0x5010] =	vst v0  }
.Ltmp0:
0x1c: {  	[tilespmem:s23+$0x5020] =	vst v0;
	(pc) =	sbr.rel @p0 .LBB2_2-.Ltmp0, $4  }
0x1d: {  	[tilespmem:s23+$0x5030] =	vst v0  }
0x1e: {  	[tilespmem:s23+$0x5040] =	vst v0  }
0x1f: {  	[tilespmem:s23+$0x5050] =	vst v0  }
0x20: {  	[tilespmem:s23+$0x5060] =	vst v0;
	s23 =	sshra.s32 s24, $0x2;
	s24 =	sadd.s32 $0x200, s24  }
0x21: {  	[tilespmem:s23+$0x5070] =	vst v0  }
0x22: {  	[tilespmem:s23+$0x5000] =	vst v0  }
0x23: {  	[tilespmem:s23+$0x5010] =	vst v0  }
0x24: {  	[tilespmem:s23+$0x5020] =	vst v0  }
0x25: {  	[tilespmem:s23+$0x5030] =	vst v0  }
0x26: {  	[tilespmem:s23+$0x5040] =	vst v0  }
0x27: {  	[tilespmem:s23+$0x5050] =	vst v0  }
0x28: {  	[tilespmem:s23+$0x5060] =	vst v0  }
0x29: {  	[spmem:s7] =	stream.linear.scatter [tilespmem:s16], [sflag:$0x3], $0x4000, $0x38;
	[tilespmem:$0x1D000] =	vst v63  }
0x2a: {  	_ =	swait.ge [sflag:s14], $0x4000  }
0x2b: {  	[sflag:s14] =	ssyncset.done $0x0  }
0x2c: {  	[sflag:s14] =	ssyncadd.s32 $0xFFFFC000  }
0x2d: {  	[spmem:s8] =	stream.linear.scatter [tilespmem:s16], [sflag:$0x3], $0x4000, $0x38;
	[tilespmem:$0x1D000] =	vst v63  }
0x2e: {  	_ =	swait.ge [sflag:s14], $0x4000  }
0x2f: {  	[sflag:s14] =	ssyncset.done $0x0  }
0x30: {  	[sflag:s14] =	ssyncadd.s32 $0xFFFFC000  }
0x31: {  	[spmem:s9] =	stream.linear.scatter [tilespmem:s16], [sflag:$0x3], $0x4000, $0x38;
	[tilespmem:$0x1D000] =	vst v63  }
0x32: {  	_ =	swait.ge [sflag:s14], $0x4000  }
0x33: {  	[sflag:s14] =	ssyncset.done $0x0  }
0x34: {  	[sflag:s14] =	ssyncadd.s32 $0xFFFFC000  }
0x35: {  	[spmem:s10] =	stream.linear.scatter [tilespmem:s16], [sflag:$0x3], $0x4000, $0x38;
	[tilespmem:$0x1D000] =	vst v63  }
0x36: {  	_ =	swait.ge [sflag:s14], $0x4000  }
0x37: {  	[sflag:s14] =	ssyncset.done $0x0  }
0x38: {  	[sflag:s14] =	ssyncadd.s32 $0xFFFFC000  }
0x39: {  	[spmem:s11] =	stream.linear.scatter [tilespmem:s16], [sflag:$0x3], $0x4000, $0x38;
	[tilespmem:$0x1D000] =	vst v63  }
0x3a: {  	_ =	swait.ge [sflag:s14], $0x4000  }
0x3b: {  	[sflag:s14] =	ssyncset.done $0x0  }
0x3c: {  	[sflag:s14] =	ssyncadd.s32 $0xFFFFC000  }
0x3d: {  	s30 =	simm.s32 $0x0;
	[bflag:$0x0] =	sbarrier.arrive $0xFFFF  }
0x3e: {  	[tilespmem:s16], [sflag:$0x1] =	stream.indirect.gather [hbm4b:s4+s17], $0x80, s30, s17, $0xb8;
	[tilespmem:$0x1D000] =	vst v63  }
0x3f: {  	_ =	swait.ge [sflag:s18], $0x4000  }
0x40: {  	[sflag:s18] =	ssyncset.done $0x0  }
0x41: {  	s31 =	simm.s32 $0x2800;
	[sflag:s18] =	ssyncadd.s32 $0xFFFFC000  }
0x42: {  	[spmem:s2] =	stream.indirect.scatter.add.f32 [tilespmem:s16], [sflag:$0x2], $0x80, s31, s17, $0xb8;
	[tilespmem:$0x1D000] =	vst v63  }
0x43: {  	_ =	swait.ge [sflag:s19], $0x4000  }
0x44: {  	s23 =	simm.s32 $0x200;
	s24 =	simm.s32 $0x400;
	[sflag:s19] =	ssyncset.done $0x0  }
.LBB2_4:
0x45: {  	s25 =	sshra.s32 s23, $0x2  }
0x46: {  	[sflag:s19] =	ssyncadd.s32 $0xFFFFC000;
	s23 =	smov.u32 s24;
	s26 =	sadd.s32 $0x200, s24  }
0x47: {  	[tilespmem:s16], [sflag:$0x1] =	stream.indirect.gather [hbm4b:s4+s17], $0x80, s25, s17, $0xb8;
	[tilespmem:$0x1D000] =	vst v63  }
0x48: {  	p0 =	sne.s32 s24, $0x9E00;
	_ =	swait.ge [sflag:s18], $0x4000  }
.Ltmp1:
0x49: {  	[sflag:s18] =	ssyncset.done $0x0;
	(pc) =	sbr.rel @p0 .LBB2_4-.Ltmp1, $4  }
0x4a: {  	s24 =	sadd.s32 $0x2800, s25;
	[sflag:s18] =	ssyncadd.s32 $0xFFFFC000  }
0x4b: {  	[spmem:s2] =	stream.indirect.scatter.add.f32 [tilespmem:s16], [sflag:$0x2], $0x80, s24, s17, $0xb8;
	[tilespmem:$0x1D000] =	vst v63  }
0x4c: {  	_ =	swait.ge [sflag:s19], $0x4000  }
0x4d: {  	s24 =	smov.u32 s26;
	[sflag:s19] =	ssyncset.done $0x0  }
0x4e: {  	s23 =	sshra.s32 s23, $0x2;
	[sflag:s19] =	ssyncadd.s32 $0xFFFFC000  }
0x4f: {  	[tilespmem:s16], [sflag:$0x1] =	stream.indirect.gather [hbm4b:s4+s17], $0x80, s23, s17, $0xb8;
	[tilespmem:$0x1D000] =	vst v63  }
0x50: {  	_ =	swait.ge [sflag:s18], $0x4000  }
0x51: {  	[sflag:s18] =	ssyncset.done $0x0  }
0x52: {  	s23 =	sadd.s32 $0x2800, s23;
	[sflag:s18] =	ssyncadd.s32 $0xFFFFC000  }
0x53: {  	[spmem:s2] =	stream.indirect.scatter.add.f32 [tilespmem:s16], [sflag:$0x2], $0x80, s23, s17, $0xb8;
	[tilespmem:$0x1D000] =	vst v63  }
0x54: {  	_ =	swait.ge [sflag:s19], $0x4000  }
0x55: {  	s22 =	sadd.s32 $0x1, s22;
	[sflag:s19] =	ssyncset.done $0x0  }
0x56: {  	p0 =	sne.s32 s22, s13;
	[sflag:s19] =	ssyncadd.s32 $0xFFFFC000  }
.Ltmp2:
0x57: {  	[bflag:$0x0] =	sbarrier.arrive $0xFFFF;
	(pc) =	sbr.rel @p0 .LBB2_1-.Ltmp2, $4  }
0x58: {  	[hbm:s12], [sflag:s20] =	dma.local [spmem:s21], $0x2800  }
0x59: {  	_ =	swait.ge [sflag:s14], $0x2800  }
0x5a: {  	[sflag:s14] =	ssyncset.done $0x0  }
0x5b: {  	[sflag:s14] =	ssyncadd.s32 $0xFFFFD800  }
0x5c: {  	_ =	sfence.sel $0x180000  }
0x5d: {  	[bflag:$0x0] =	sbarrier.arrive $0xFFFF  }
0x5e: {  	p0 =	sne.s32 s1, $0x0;
	_ =	strace $0x9000004D  }
0x5f: {  	s0 =	sadd.s32 @!p0 $0x100000, s0;
	[bflag:$0x2] =	sbarrier.arrive $0xFFFF  }
0x60: {  	[sflag:s0] =	ssyncadd.tile.s32 @!p0 $0x1;
	_ =	shalt  }
.Lfunc_end2:
_tile_overlayer_lowered:
.L_overlay_start_2:
0x61: {  	(tag) =	ssettag $0x2  }
0x62: {  	s0 =	rddreg [dreg:$0x0];
	s2 =	stileid.u32  }
0x63: {  	s1 =	rddreg [dreg:$0x1];
	p0 =	sne.s32 s2, $0x0  }
0x64: {  	s3 =	rddreg [dreg:$0x2];
	[bflag:$0x3] =	sbarrier.arrive $0xFFFF;
	s2 =	simm.s32 @!p0 $0x1C03  }
0x65: {  	[timem:s3], [sflag:s2] =	dma.local @!p0 [hbm:s0], s1  }
0x66: {  	s0 =	simm.s32 @!p0 $0x3  }
0x67: {  	_ =	swait.ge @!p0 [sflag:s0], s1  }
0x68: {  	s1 =	ssub.s32 @!p0 $0x0, s1;
	[sflag:s0] =	ssyncset.done @!p0 $0x0  }
0x69: {  	[sflag:s0] =	ssyncadd.s32 @!p0 s1  }
0x6a: {  	[bflag:$0x3] =	sbarrier.arrive $0xFFFF  }
0x6b: {  	_ =	shalt  }

// kernel: kernel.13.cloned.1.call-start
scs
__scs_entry_jumppad:
0x0: {  	(pc) =	sbr.rel $0x88, $3  }
0x1: {  	(tag) =	ssettag $0x0;
	lr =	simm.s32 $0x1  }
0x2: {  	[smem:$0x3F99] =	sst lr;
	_ =	strace $0xD0000000  }
0x3: {  	_ = 	snop  }
0x4: {  	_ = 	snop  }
0x5: {  	_ = 	snop  }
0x6: {  	_ = 	snop  }
0x7: {  	_ = 	snop  }
__scs_overlays_trampoline_lowered:
0x8: {  	[smem:$0x3FA8] =	sst s0  }
0x9: {  	[smem:$0x3FA9] =	sst s1  }
0xa: {  	[smem:$0x3FAA] =	sst s2  }
0xb: {  	[smem:$0x3FAB] =	sst s3  }
0xc: {  	[smem:$0x3FAC] =	sst s4  }
0xd: {  	[smem:$0x3FAD] =	sst s5  }
0xe: {  	[smem:$0x3FAE] =	sst s6  }
0xf: {  	[smem:$0x3FAF] =	sst s7  }
0x10: {  	[smem:$0x3FB0] =	sst s8  }
0x11: {  	[smem:$0x3FB1] =	sst s9;
	s0 =	simm.s32 @!p0 $0x0  }
0x12: {  	s1 =	sld [smem:$0x3F97];
	s0 =	simm.s32 @p0 $0x1  }
0x13: {  	[smem:$0x3FB2] =	sst s0;
	s0 =	simm.s32 @!p1 $0x0  }
0x14: {  	s2 =	sld [smem:$0x3F96];
	s0 =	simm.s32 @p1 $0x1  }
0x15: {  	[smem:$0x3FB3] =	sst s0;
	s0 =	simm.s32 @!p2 $0x0  }
0x16: {  	s3 =	sld [smem:$0x3FDB];
	s0 =	simm.s32 @p2 $0x1  }
0x17: {  	s4 =	simm.s32 $0x1BF5;
	[smem:$0x3FB5] =	sst s0  }
0x18: {  	s0 =	sld [smem:$0x3F98];
	_ =	swait.ge [sflag:s4], $0x0  }
0x19: {  	s7 =	sld [smem:$0x3F99]  }
0x1a: {  	s8 =	sadd.s32 $0xFFFFE003, lr  }
0x1b: {  	s9 =	sadd.s32 $0xFFFFFEF7, lr;
	s5 =	simm.s32 $0xFFFFFFFF;
	p2 =	slt.u32 s8, $0xFFFFF086  }
0x1c: {  	p1 =	slt.u32 s9, $0xF7A;
	s5 =	simm.s32 @!p2 $0x0  }
0x1d: {  	s5 =	simm.s32 @p1 $0x1;
	p0 =	seq.s32 s7, s2  }
0x1e: {  	s7 =	smul.u32 @!p0 $0xF7A, s2;
	p2 =	seq.s32 @!p0 s5, $0x0  }
0x1f: {  	s9 =	smul.u32 $0xF7A, s1;
	s8 =	simm.s32 @!p0 $0x1BF5;
	p2 =	por !p2, p0  }
0x20: {  	[sflag:s8] =	ssyncset.s32 @!p0 $0xFFFFF086;
	s6 =	sadd.s32 @!p0 s3, s7;
	s7 =	simm.s32 @!p0 $0x108  }
0x21: {  	s3 =	sadd.s32 s3, s9;
	s6 =	sadd.s32 @!p0 $0x88, s6;
	s7 =	simm.s32 @p2 $0x1082  }
0x22: {  	[simem:s7], [sflag:s8] =	dma.local @!p0 [hbm:s6], $0xF7A  }
0x23: {  	s9 =	sor.u32 $0xD0000000, s2;
	s6 =	simm.s32 $0x108;
	_ =	swait.ge @!p0 [sflag:s8], $0x0  }
0x24: {  	s3 =	sadd.s32 $0x88, s3;
	s6 =	simm.s32 @!p1 $0x1082;
	[sflag:s4] =	ssyncset.s32 $0xFFFFF086  }
0x25: {  	[simem:s6], [sflag:s4] =	dma.local [hbm:s3], $0xF7A  }
0x26: {  	[smem:$0x3F99] =	sst s1;
	(tag) =	ssettag s2;
	_ =	strace s9  }
0x27: {  	s1 =	sld [smem:$0x3FA9]  }
0x28: {  	s2 =	sld [smem:$0x3FAA]  }
0x29: {  	s4 =	sld [smem:$0x3FAC]  }
0x2a: {  	p0 =	seq.s32 s5, $0x0;
	s5 =	sld [smem:$0x3FAD]  }
0x2b: {  	s6 =	sld [smem:$0x3FAE]  }
0x2c: {  	s7 =	sld [smem:$0x3FAF]  }
0x2d: {  	s3 =	simm.s32 $0x108;
	s8 =	sld [smem:$0x3FB0]  }
0x2e: {  	s3 =	simm.s32 @!p0 $0x1082;
	s9 =	sld [smem:$0x3FB1]  }
0x2f: {  	lr =	sadd.s32 s0, s3;
	s0 =	sld [smem:$0x3FA8]  }
0x30: {  	s3 =	sld [smem:$0x3FAB]  }
0x31: {  	[smem:$0x3FB4] =	sst s10  }
0x32: {  	s10 =	sld [smem:$0x3FB2];
	_ =	sdelay $0x3  }
0x33: {  	p0 =	seq.s32 s10, $0x1;
	s10 =	sld [smem:$0x3FB4];
	_ =	sdelay $0x3  }
0x34: {  	[smem:$0x3FB4] =	sst s10  }
0x35: {  	s10 =	sld [smem:$0x3FB3];
	_ =	sdelay $0x3  }
0x36: {  	p1 =	seq.s32 s10, $0x1;
	s10 =	sld [smem:$0x3FB4];
	_ =	sdelay $0x3  }
0x37: {  	[smem:$0x3FB4] =	sst s10  }
0x38: {  	s10 =	sld [smem:$0x3FB5]  }
0x39: {  	_ = 	snop;
	(pc) =	sbr.ind lr, $3  }
0x3a: {  	_ = 	snop  }
0x3b: {  	_ = 	snop  }
0x3c: {  	p2 =	seq.s32 s10, $0x1;
	s10 =	sld [smem:$0x3FB4]  }
0x3d: {  	_ =	shalt  }
0x3e: {  	_ =	shalt  }
0x3f: {  	_ =	shalt  }
0x40: {  	_ =	shalt  }
0x41: {  	_ =	shalt  }
0x42: {  	_ =	shalt  }
0x43: {  	_ =	shalt  }
0x44: {  	_ =	shalt  }
0x45: {  	_ =	shalt  }
0x46: {  	_ =	shalt  }
0x47: {  	_ =	shalt  }
0x48: {  	_ =	shalt  }
0x49: {  	_ =	shalt  }
0x4a: {  	_ =	shalt  }
0x4b: {  	_ =	shalt  }
0x4c: {  	_ =	shalt  }
0x4d: {  	_ =	shalt  }
0x4e: {  	_ =	shalt  }
0x4f: {  	_ =	shalt  }
0x50: {  	_ =	shalt  }
0x51: {  	_ =	shalt  }
0x52: {  	_ =	shalt  }
0x53: {  	_ =	shalt  }
0x54: {  	_ =	shalt  }
0x55: {  	_ =	shalt  }
0x56: {  	_ =	shalt  }
0x57: {  	_ =	shalt  }
0x58: {  	_ =	shalt  }
0x59: {  	_ =	shalt  }
0x5a: {  	_ =	shalt  }
0x5b: {  	_ =	shalt  }
0x5c: {  	_ =	shalt  }
0x5d: {  	_ =	shalt  }
0x5e: {  	_ =	shalt  }
0x5f: {  	_ =	shalt  }
0x60: {  	_ =	shalt  }
0x61: {  	_ =	shalt  }
0x62: {  	_ =	shalt  }
0x63: {  	_ =	shalt  }
0x64: {  	_ =	shalt  }
0x65: {  	_ =	shalt  }
0x66: {  	_ =	shalt  }
0x67: {  	_ =	shalt  }
0x68: {  	_ =	shalt  }
0x69: {  	_ =	shalt  }
0x6a: {  	_ =	shalt  }
0x6b: {  	_ =	shalt  }
0x6c: {  	_ =	shalt  }
0x6d: {  	_ =	shalt  }
0x6e: {  	_ =	shalt  }
0x6f: {  	_ =	shalt  }
0x70: {  	_ =	shalt  }
0x71: {  	_ =	shalt  }
0x72: {  	_ =	shalt  }
0x73: {  	_ =	shalt  }
0x74: {  	_ =	shalt  }
0x75: {  	_ =	shalt  }
0x76: {  	_ =	shalt  }
0x77: {  	_ =	shalt  }
0x78: {  	_ =	shalt  }
0x79: {  	_ =	shalt  }
0x7a: {  	_ =	shalt  }
0x7b: {  	_ =	shalt  }
0x7c: {  	_ =	shalt  }
0x7d: {  	_ =	shalt  }
0x7e: {  	_ =	shalt  }
0x7f: {  	_ =	shalt  }
0x80: {  	_ =	shalt  }
0x81: {  	_ =	shalt  }
0x82: {  	_ =	shalt  }
0x83: {  	_ =	shalt  }
0x84: {  	_ =	shalt  }
0x85: {  	_ =	shalt  }
0x86: {  	_ =	shalt  }
0x87: {  	_ =	shalt  }
.Lfunc_end0:
.L_simem_size_0:
called_computation.2_lowered:
.L_overlay_start_0:
0x88: {  	s2 =	sld [smem:$0x3FD9]  }
0x89: {  	s3 =	sld [smem:$0x3FFE];
	_ =	sdelay $0x1  }
0x8a: {  	s1 =	srdreg.scid  }
0x8b: {  	s0 =	sand.u32 $0x1, s1  }
0x8c: {  	s16 =	sshll.u32 s0, $0xA;
	s2 =	sadd.s32 s3, s2  }
0x8d: {  	s2 =	sadd.s32 s2, s16  }
0x8e: {  	[smem:$0x3FC0] =	sst s2  }
0x8f: {  	_ = 	snop  }
0x90: {  	(tm) =	ssettm $0x1  }
0x91: {  	s17 =	sld [smem:$0x3FFB];
	_ =	sdelay $0x3  }
0x92: {  	_ =	strace s17  }
0x93: {  	s2 =	sld [smem:$0x3FFC];
	_ =	sdelay $0x3  }
0x94: {  	_ =	strace s2  }
0x95: {  	s2 =	sld [smem:$0x3FFD];
	_ =	sdelay $0x3  }
0x96: {  	_ =	strace s2  }
0x97: {  	_ =	strace $0x8FFFFFFF  }
0x98: {  	s18 =	sld [smem:$0x3FDB];
	_ =	sdelay $0x1  }
0x99: {  	s19 =	simm.s32 $_scs_section_size  }
0x9a: {  	s4 =	simm.s32 $_size__tile_overlayer_lowered;
	s5 =	simm.s32 $_tile_overlayer_lowered  }
0x9b: {  	s22 =	simm.s32 $0x1BFF;
	s21 =	sshll.u32 s5, $0x1;
	s2 =	sadd.s32 s19, s18  }
0x9c: {  	s6 =	simm.s32 $0x0;
	s20 =	sshll.u32 s4, $0x1;
	s4 =	sadd.s32 s21, s2  }
0x9d: {  	[timem:s6], [sflag:s22] =	dma.local [hbm:s4], s20  }
0x9e: {  	_ =	swait.ge [sflag:s22], s20  }
0x9f: {  	s3 =	ssub.s32 $0x0, s20;
	[sflag:s22] =	ssyncset.done $0x0  }
0xa0: {  	[sflag:s22] =	ssyncadd.s32 s3;
	_ =	sdelay $0x1  }
0xa1: {  	s23 =	simm.s32 $0x1B8B  }
0xa2: {  	_ =	swait.ge [sflag:s23], $0x1  }
0xa3: {  	[sflag:s23] =	ssyncset.done $0x0  }
0xa4: {  	s25 =	simm.s32 $0x1B8E;
	s24 =	sld [smem:$0x3FFE];
	[sflag:s23] =	ssyncadd.s32 $0xFFFFFFFF  }
0xa5: {  	s26 =	simm.s32 $execute0_lowered;
	[smem:$0x3FD2] =	sst s25  }
0xa6: {  	s4 =	sshll.u32 s26, $0x1;
	_ =	strace $0x80000049;
	[dreg:$0x1] =	wrdreg $0xFFFFFFFF  }
0xa7: {  	s28 =	simm.s32 $_size_execute0_lowered;
	s2 =	sadd.s32 s2, s4;
	[dreg:$0x0] =	wrdreg $0x0  }
0xa8: {  	s4 =	sshll.u32 s28, $0x1;
	[dreg:$0x2] =	wrdreg s2  }
0xa9: {  	[dreg:$0x3] =	wrdreg s4  }
0xaa: {  	[dreg:$0x4] =	wrdreg $0xC0  }
0xab: {  	_ =	task [dreg:s6], $0x5FFFF  }
0xac: {  	[dreg:$0x1] =	wrdreg $0xFFFFFFFF  }
0xad: {  	[dreg:$0x0] =	wrdreg $0x60  }
0xae: {  	[dreg:$0x2] =	wrdreg s24  }
0xaf: {  	[dreg:$0x3] =	wrdreg $0xA  }
0xb0: {  	_ =	task.clear_ibuf [dreg:s6], $0x4FFFF;
	_ =	strace $0x90000049  }
0xb1: {  	s29 =	simm.s32 $0xA;
	_ =	strace $0x8000004B  }
0xb2: {  	_ =	swait.ge [sflag:s29], $0x1  }
0xb3: {  	[sflag:s29] =	ssyncadd.s32 $0xFFFFFFFF  }
0xb4: {  	_ =	strace $0x9000004B  }
0xb5: {  	_ =	sfence  }
0xb6: {  	s30 =	sld [smem:$0x0];
	_ =	sdelay $0x2  }
0xb7: {  	s31 =	sshll.u32 s1, $0xD;
	s1 =	sshrl.u32 s1, $0x2  }
0xb8: {  	s3 =	sand.u32 $0x4000, s31;
	s1 =	sadd.s32 s1, s30  }
0xb9: {  	s0 =	sor.u32 s3, s0;
	s1 =	sshll.u32 s1, $0x11  }
0xba: {  	s0 =	sor.u32 s1, s0  }
0xbb: {  	s0 =	sadd.s32 $0x8F2B, s0  }
0xbc: {  	[sflag:s0] =	ssyncadd.remote.s32 $0x1  }
0xbd: {  	_ =	sfence.sel $0xFFFF  }
0xbe: {  	[dreg:$0x0] =	wrdreg $0xFFFFFFFF;
	(pc) =	sbr.abs _section_cstart, $3  }
0xbf: {  	[dreg:$0x1] =	wrdreg $0xFFFFFFFF  }
0xc0: {  	_ =	task.clear_ibuf [dreg:s6], $0x2FFFF;
	_ =	strace $0x9FFFFFFF  }
0xc1: {  	(tm) =	ssettm $0x7FFFFFFF  }
tec
execute0_lowered:
.L_overlay_start_1:
0x0: {  	(tag) =	ssettag $0x1  }
0x1: {  	s0 =	srdreg.scid  }
0x2: {  	s3 =	sand.u32 $0x1, s0  }
0x3: {  	s4 =	rddreg [dreg:$0x0];
	s25 =	stileid.u32;
	s5 =	sshll.u32 s3, $0x4  }
0x4: {  	v0 =	vimm.s32 $0xECA86420;
	s1 =	simm.s32 $0x0;
	s6 =	ssub.s32 $0x2, s3;
	s5 =	sor.u32 s25, s5  }
0x5: {  	vm0 =	vcmask $0xB08;
	vm1 =	vcmask $0x1310;
	vm2 =	vcmask $0x1B18;
	[smem:$0x7FF] =	sst s1;
	s7 =	sshrl.u32 s6, $0x1;
	s5 =	smul.u32 $0x500, s5  }
0x6: {  	vm3 =	vcmask $0x300;
	vm4 =	vcmask $0x2320;
	vm5 =	vcmask $0x2B28;
	s26 =	sadd.s32 $0x16E00, s4;
	_ =	strace $0x8000004A;
	s7 =	ssub.s32 s6, s7  }
0x7: {  	vm6 =	vcmask $0x3330;
	vm7 =	vcmask $0x3B38;
	v2 =	vlaneseq.u32;
	[dreg:$0x2] =	wrdreg s26;
	s31 =	smax.u32 s7, $0x1;
	s8 =	sadd.s32 s5, s4  }
0x8: {  	vm8 =	vmmov $0xff;
	vm9 =	vcmask $0x704;
	vm10 =	vcmask $0xF0C;
	[dreg:$0x6] =	wrdreg s31;
	s28 =	sadd.s32 $0x21400, s8  }
0x9: {  	s2 =	simm.s32 $0x1;
	vm11 =	vcmask $0x1714;
	vm12 =	vcmask $0x1F1C;
	v1 =	vunpack.c.l.s4.s8 v0;
	s29 =	sadd.s32 $0x17400, s8;
	[dreg:$0x3] =	wrdreg s28  }
0xa: {  	s10 =	simm.s32 $0x5000;
	vm13 =	vcmask $0x2724;
	vm14 =	vcmask $0x2F2C;
	vm15 =	vcmask $0x3734;
	s30 =	sadd.s32 $0x2E00, s8;
	[dreg:$0x4] =	wrdreg s29  }
0xb: {  	s11 =	simm.s32 $0x7800;
	v0 =	vimm.f32 $0.0e+00;
	v2 =	vmul.u32 $0x2, v2;
	s3 =	simm.s32 $0x0;
	v1 =	vunpack.c.0.s8.s32 v1;
	[dreg:$0x5] =	wrdreg s30  }
.LBB2_1:
0xc: {  	[dreg:$0x7] =	wrdreg s3  }
0xd: {  	s0 =	rddreg [dreg:$0x3];
	s13 =	smul.u32 $0xCD, s1  }
0xe: {  	[tilespmem:s1], [sflag:$0x1] =	stream.linear.gather [hbm4b:s0+s1], $0x2800, $0x38;
	[tilespmem:$0xA000] =	vst v63  }
0xf: {  	_ =	swait.ge [sflag:s2], $0x2800  }
0x10: {  	s29 =	simm.s32 $0x2800;
	s13 =	sshrl.u32 s13, $0xB;
	[sflag:s2] =	ssyncset.done $0x0  }
0x11: {  	s28 =	rddreg [dreg:$0x4];
	s13 =	sand.u32 $0x1F, s13;
	[sflag:s2] =	ssyncadd.s32 $0xFFFFD800  }
0x12: {  	[tilespmem:s29], [sflag:$0x1] =	stream.linear.gather [hbm4b:s28+s1], $0x2800, $0x38;
	[tilespmem:$0xA000] =	vst v63  }
0x13: {  	s14 =	smul.u32 $0xA, s13;
	_ =	swait.ge [sflag:s2], $0x2800  }
0x14: {  	s15 =	simm.s32 $0x1;
	s13 =	smul.u32 $0x1400, s13;
	[sflag:s2] =	ssyncset.done $0x0  }
0x15: {  	s14 =	ssub.s32 $0x0, s14;
	s30 =	rddreg [dreg:$0x2];
	[sflag:s2] =	ssyncadd.s32 $0xFFFFD800  }
0x16: {  	[tilespmem:s10], [sflag:$0x1] =	stream.linear.gather [hbm4b:s30+s1], $0x2800, $0x38;
	[tilespmem:$0xA000] =	vst v63  }
0x17: {  	s15 =	smul.u32 $0xCD, s15;
	s14 =	sand.u32 $0xFF, s14;
	_ =	swait.ge [sflag:s2], $0x2800  }
0x18: {  	s13 =	sshrl.u32 s13, $0x2;
	s14 =	sshll.u32 s14, $0x7;
	[sflag:s2] =	ssyncset.done $0x0  }
0x19: {  	s13 =	sadd.s32 s14, s13;
	[sflag:s2] =	ssyncadd.s32 $0xFFFFD800  }
0x1a: {  	s31 =	sshrl.u32 s15, $0xB;
	[tilespmem:s13+$0x7870] =	vst v0  }
0x1b: {  	s15 =	sand.u32 $0x1F, s31;
	[tilespmem:s13+$0x7800] =	vst v0  }
0x1c: {  	s16 =	smul.u32 $0xA, s15;
	[tilespmem:s13+$0x7810] =	vst v0  }
0x1d: {  	[tilespmem:s13+$0x7820] =	vst v0  }
0x1e: {  	s18 =	smul.u32 $0x1400, s15;
	s17 =	ssub.s32 $0x1, s16;
	s14 =	simm.s32 $0x2;
	[tilespmem:s13+$0x7830] =	vst v0  }
0x1f: {  	s19 =	sand.u32 $0xFF, s17;
	s16 =	smul.u32 $0xCD, s14;
	[tilespmem:s13+$0x7840] =	vst v0  }
0x20: {  	s15 =	simm.s32 $0x3;
	s17 =	sshrl.u32 s18, $0x2;
	s18 =	sshll.u32 s19, $0x7;
	[tilespmem:s13+$0x7850] =	vst v0  }
.LBB2_2:
0x21: {  	p0 =	sne.s32 s15, $0x4F;
	[tilespmem:s13+$0x7860] =	vst v0;
	s13 =	sadd.s32 s18, s17;
	s16 =	sshrl.u32 s16, $0xB  }
0x22: {  	[tilespmem:s13+$0x7870] =	vst v0;
	s16 =	sand.u32 $0x1F, s16  }
0x23: {  	[tilespmem:s13+$0x7800] =	vst v0;
	s17 =	smul.u32 $0xA, s16  }
.Ltmp0:
0x24: {  	[tilespmem:s13+$0x7810] =	vst v0;
	(pc) =	sbr.rel @p0 .LBB2_2-.Ltmp0, $4  }
0x25: {  	[tilespmem:s13+$0x7820] =	vst v0  }
0x26: {  	s18 =	smul.u32 $0x1400, s16;
	s17 =	ssub.s32 s14, s17;
	s14 =	smov.u32 s15;
	[tilespmem:s13+$0x7830] =	vst v0  }
0x27: {  	s16 =	smul.u32 $0xCD, s15;
	s19 =	sand.u32 $0xFF, s17;
	[tilespmem:s13+$0x7840] =	vst v0  }
0x28: {  	s15 =	sadd.s32 $0x1, s15;
	s17 =	sshrl.u32 s18, $0x2;
	s18 =	sshll.u32 s19, $0x7;
	[tilespmem:s13+$0x7850] =	vst v0  }
0x29: {  	s15 =	sadd.s32 s18, s17;
	[tilespmem:s13+$0x7860] =	vst v0  }
0x2a: {  	s30 =	sshrl.u32 s16, $0xB;
	[tilespmem:s15+$0x7870] =	vst v0  }
0x2b: {  	s13 =	sand.u32 $0x1F, s30;
	[tilespmem:s15+$0x7800] =	vst v0  }
0x2c: {  	[tilespmem:s15+$0x7810] =	vst v0;
	s31 =	smul.u32 $0xA, s13  }
0x2d: {  	[tilespmem:s15+$0x7820] =	vst v0  }
0x2e: {  	[tilespmem:s15+$0x7830] =	vst v0;
	s13 =	smul.u32 $0x1400, s13;
	s14 =	ssub.s32 s14, s31  }
0x2f: {  	[tilespmem:s15+$0x7840] =	vst v0;
	s14 =	sand.u32 $0xFF, s14  }
0x30: {  	[tilespmem:s15+$0x7850] =	vst v0;
	s13 =	sshrl.u32 s13, $0x2;
	s14 =	sshll.u32 s14, $0x7  }
0x31: {  	[tilespmem:s15+$0x7860] =	vst v0;
	s13 =	sadd.s32 s14, s13  }
0x32: {  	[tilespmem:s13+$0x7870] =	vst v0  }
0x33: {  	[tilespmem:s13+$0x7800] =	vst v0  }
0x34: {  	[tilespmem:s13+$0x7810] =	vst v0  }
0x35: {  	[tilespmem:s13+$0x7820] =	vst v0  }
0x36: {  	[tilespmem:s13+$0x7830] =	vst v0  }
0x37: {  	[tilespmem:s13+$0x7840] =	vst v0  }
0x38: {  	[tilespmem:s13+$0x7850] =	vst v0  }
0x39: {  	[tilespmem:s13+$0x7860] =	vst v0;
	s13 =	simm.s32 $0x0  }
.LBB2_4:
0x3a: {  	s14 =	sshra.s32 s13, $0x2  }
0x3b: {  	v3 =	vld [tilespmem:s14+$0x0];
	_ =	sdelay $0x4  }
0x3c: {  	(v2sf) =	vpush v3, $0xD;
	_ =	sdelay $0x1  }
0x3d: {  	(v2sf) =	vpush v3, $0xC;
	_ =	sdelay $0x1  }
0x3e: {  	(v2sf) =	vpush v3, $0xE;
	_ =	sdelay $0x1  }
0x3f: {  	(v2sf) =	vpush v3, $0xF;
	_ =	sdelay $0x1  }
0x40: {  	(v2sf) =	vpush v3, $0x9;
	_ =	sdelay $0x1  }
0x41: {  	(v2sf) =	vpush v3, $0x8;
	_ =	sdelay $0x1  }
0x42: {  	(v2sf) =	vpush v3, $0xA;
	_ =	sdelay $0x1  }
0x43: {  	(v2sf) =	vpush v3, $0xB  }
0x44: {  	s15 =	spop (v2sf)  }
0x45: {  	(v2sf) =	vpush v3, $0x0;
	s16 =	smulhi.u32 $0x66666667, s15;
	s15 =	sshra.s32 s15, $0x1F  }
0x46: {  	s17 =	spop (v2sf);
	s15 =	smul.u32 $0x66666667, s15  }
0x47: {  	(v2sf) =	vpush v3, $0x1;
	s18 =	smulhi.u32 $0x66666667, s17;
	s17 =	sshra.s32 s17, $0x1F  }
0x48: {  	s19 =	spop (v2sf);
	(v2sf) =	vpush v3, $0x2;
	s17 =	smul.u32 $0x66666667, s17  }
0x49: {  	s20 =	smulhi.u32 $0x66666667, s19;
	s19 =	sshra.s32 s19, $0x1F;
	(v2sf) =	vpush v3, $0x3  }
0x4a: {  	s21 =	spop (v2sf);
	s19 =	smul.u32 $0x66666667, s19;
	(v2sf) =	vpush v3, $0x4  }
0x4b: {  	s22 =	smulhi.u32 $0x66666667, s21;
	s21 =	sshra.s32 s21, $0x1F;
	(v2sf) =	vpush v3, $0x5  }
0x4c: {  	s23 =	spop (v2sf);
	s21 =	smul.u32 $0x66666667, s21;
	(v2sf) =	vpush v3, $0x6  }
0x4d: {  	s25 =	smulhi.u32 $0x66666667, s23;
	s23 =	sshra.s32 s23, $0x1F;
	(v2sf) =	vpush v3, $0x7  }
0x4e: {  	s3 =	spop (v2sf);
	s23 =	smul.u32 $0x66666667, s23  }
0x4f: {  	s15 =	sadd.s32 s15, s16;
	s26 =	smulhi.u32 $0x66666667, s3;
	s16 =	sshra.s32 s3, $0x1F  }
0x50: {  	s24 =	sshrl.u32 s15, $0x1F;
	s4 =	spop (v2sf);
	s28 =	smul.u32 $0x66666667, s16  }
0x51: {  	s18 =	sadd.s32 s17, s18;
	s30 =	smulhi.u32 $0x66666667, s4;
	s5 =	sshra.s32 s4, $0x1F  }
0x52: {  	s16 =	sadd.s32 s19, s20;
	s19 =	spop (v2sf);
	s6 =	smul.u32 $0x66666667, s5  }
0x53: {  	s29 =	sshrl.u32 s18, $0x1F;
	s1 =	smulhi.u32 $0x66666667, s19;
	s0 =	sshra.s32 s19, $0x1F  }
0x54: {  	s17 =	sadd.s32 s21, s22;
	s2 =	smul.u32 $0x66666667, s0;
	s7 =	spop (v2sf)  }
0x55: {  	s31 =	sshrl.u32 s16, $0x1F;
	s22 =	smulhi.u32 $0x66666667, s7;
	s9 =	sshra.s32 s7, $0x1F  }
0x56: {  	s19 =	sadd.s32 s23, s25;
	s8 =	spop (v2sf);
	s9 =	smul.u32 $0x66666667, s9  }
0x57: {  	s25 =	smulhi.u32 $0x66666667, s8;
	s3 =	sshra.s32 s8, $0x1F;
	s4 =	spop (v2sf)  }
0x58: {  	s23 =	sadd.s32 s28, s26;
	s3 =	smul.u32 $0x66666667, s3;
	s12 =	spop (v2sf)  }
0x59: {  	s28 =	smulhi.u32 $0x66666667, s4;
	s4 =	sshra.s32 s4, $0x1F;
	s5 =	spop (v2sf)  }
0x5a: {  	s20 =	sadd.s32 s6, s30;
	s4 =	smul.u32 $0x66666667, s4;
	s30 =	spop (v2sf)  }
0x5b: {  	s6 =	smulhi.u32 $0x66666667, s12;
	s26 =	sshra.s32 s12, $0x1F;
	s7 =	spop (v2sf)  }
0x5c: {  	s21 =	sadd.s32 s2, s1;
	s1 =	smul.u32 $0x66666667, s26;
	s2 =	spop (v2sf)  }
0x5d: {  	s0 =	sshrl.u32 s17, $0x1F;
	s8 =	smulhi.u32 $0x66666667, s2;
	s26 =	sshra.s32 s2, $0x1F  }
0x5e: {  	s9 =	sadd.s32 s9, s22;
	s3 =	sadd.s32 s3, s25;
	s12 =	smul.u32 $0x66666667, s26  }
0x5f: {  	v5 =	vmov s29;
	s25 =	smulhi.u32 $0x66666667, s5;
	s5 =	sshra.s32 s5, $0x1F;
	s4 =	sadd.s32 s4, s28  }
0x60: {  	v5 =	vsel vm0, s24, v5;
	s28 =	sshrl.u32 s20, $0x1F;
	s5 =	smul.u32 $0x66666667, s5;
	s22 =	sadd.s32 s12, s8  }
0x61: {  	v5 =	vsel vm1, s31, v5;
	s1 =	sadd.s32 s1, s6;
	s6 =	sshrl.u32 s21, $0x1F;
	s8 =	sshra.s32 s22, $0x1F  }
0x62: {  	v5 =	vsel vm2, s0, v5;
	s29 =	sshrl.u32 s4, $0x1F;
	s0 =	smulhi.u32 $0x66666667, s7;
	s12 =	sshra.s32 s9, $0x9;
	v4 =	vmov s8  }
0x63: {  	s26 =	sshrl.u32 s23, $0x1F;
	s8 =	sshrl.u32 s9, $0x1F;
	s9 =	sshra.s32 s9, $0x1F;
	v4 =	vsel vm3, s12, v4  }
0x64: {  	v6 =	vmov s8;
	s8 =	smulhi.u32 $0x66666667, s30;
	v4 =	vsel vm9, s9, v4;
	s9 =	sshra.s32 s30, $0x1F;
	s30 =	sshra.s32 s3, $0x9  }
0x65: {  	s2 =	sshrl.u32 s19, $0x1F;
	v7 =	vmov s26;
	s12 =	sshrl.u32 s3, $0x1F;
	s3 =	sshra.s32 s3, $0x1F;
	v4 =	vsel vm0, s30, v4  }
0x66: {  	s26 =	sshra.s32 s18, $0x9;
	v7 =	vsel vm0, s2, v7;
	s9 =	smul.u32 $0x66666667, s9;
	s30 =	sshra.s32 s4, $0x9;
	v4 =	vsel vm10, s3, v4  }
0x67: {  	s7 =	sshra.s32 s7, $0x1F;
	s31 =	sshra.s32 s4, $0x1F;
	s24 =	sshrl.u32 s1, $0x1F;
	v52 =	vmov s26;
	v6 =	vnsel vm3, $0x0, v6;
	v4 =	vsel vm1, s30, v4  }
0x68: {  	s7 =	smul.u32 $0x66666667, s7;
	v7 =	vsel vm1, s28, v7;
	v6 =	vsel vm0, s12, v6;
	s8 =	sadd.s32 s9, s8;
	s9 =	sshra.s32 s1, $0x9;
	v4 =	vsel vm11, s31, v4  }
0x69: {  	s5 =	sadd.s32 s5, s25;
	s28 =	sshra.s32 s23, $0x9;
	v7 =	vsel vm2, s6, v7;
	v6 =	vsel vm1, s29, v6;
	s1 =	sshra.s32 s1, $0x1F;
	v4 =	vsel vm2, s9, v4  }
0x6a: {  	s25 =	sshra.s32 s5, $0x9;
	s0 =	sadd.s32 s7, s0;
	v8 =	vmov s28;
	s4 =	sshrl.u32 s5, $0x1F;
	v6 =	vsel vm2, s24, v6;
	v4 =	vsel vm12, s1, v4  }
0x6b: {  	v5 =	vcombine.low v7, v5;
	s29 =	sshra.s32 s5, $0x1F;
	s30 =	sshra.s32 s15, $0x9;
	v6 =	vsel vm4, s4, v6;
	s12 =	sshrl.u32 s8, $0x1F;
	v4 =	vsel vm4, s25, v4  }
0x6c: {  	s6 =	sshra.s32 s16, $0x9;
	s31 =	sshra.s32 s19, $0x9;
	s3 =	sshra.s32 s8, $0x9;
	v7 =	vsel vm0, s30, v52;
	v6 =	vsel vm5, s12, v6;
	v4 =	vsel vm13, s29, v4  }
0x6d: {  	s7 =	sshra.s32 s20, $0x9;
	s24 =	sshrl.u32 s0, $0x1F;
	s8 =	sshra.s32 s8, $0x1F;
	v8 =	vsel vm0, s31, v8;
	v7 =	vsel vm1, s6, v7;
	v4 =	vsel vm5, s3, v4  }
0x6e: {  	s15 =	sshra.s32 s0, $0x9;
	s9 =	sshra.s32 s17, $0x9;
	s12 =	sshra.s32 s21, $0x9;
	v6 =	vsel vm6, s24, v6;
	v8 =	vsel vm1, s7, v8;
	v4 =	vsel vm14, s8, v4  }
0x6f: {  	s16 =	sshrl.u32 s22, $0x1F;
	s0 =	sshra.s32 s0, $0x1F;
	v7 =	vsel vm2, s9, v7;
	v8 =	vsel vm2, s12, v8;
	v4 =	vsel vm6, s15, v4  }
0x70: {  	s17 =	sshra.s32 s22, $0x9;
	v6 =	vsel vm7, s16, v6;
	v7 =	vcombine.low v8, v7;
	v4 =	vsel vm15, s0, v4  }
0x71: {  	v5 =	vperm.xlane v5, v1;
	v6 =	vperm.xlane v6, v2;
	v4 =	vsel vm7, s17, v4  }
0x72: {  	v7 =	vperm.xlane v7, v1;
	v4 =	vperm.xlane v4, v2  }
0x73: {  	v53 =	vld [tilespmem:s14+$0x2800]  }
0x74: {  	v5 =	vsel vm8, v6, v5;
	v4 =	vsel vm8, v4, v7  }
0x75: {  	v4 =	vadd.s32 v5, v4  }
0x76: {  	v4 =	vmul.u32 $0x500, v4;
	_ =	sdelay $0x1  }
0x77: {  	v3 =	vsub.s32 v3, v4  }
0x78: {  	v54 =	vand.u32 $0xFFFFFFF8, v3  }
0x79: {  	v3 =	vand.u32 $0x7, v3;
	v4 =	vadd.s32 v54, v4  }
0x7a: {  	v55 =	vld.idx.msk [tilespmem:v53+s10+$0x0], $0xffff;
	v3 =	vor.u32 v3, v4;
	_ =	sdelay $0x4  }
0x7b: {  	[tilespmem:v3+s11+$0x0] =	vst.idx.add.f32.msk $0xffff, v55  }
0x7c: {  	v3 =	vld [tilespmem:s14+$0x10];
	_ =	sdelay $0x4  }
0x7d: {  	(v2sf) =	vpush v3, $0xD;
	_ =	sdelay $0x1  }
0x7e: {  	(v2sf) =	vpush v3, $0xC;
	_ =	sdelay $0x1  }
0x7f: {  	(v2sf) =	vpush v3, $0xE;
	_ =	sdelay $0x1  }
0x80: {  	(v2sf) =	vpush v3, $0xF;
	_ =	sdelay $0x1  }
0x81: {  	(v2sf) =	vpush v3, $0x9;
	_ =	sdelay $0x1  }
0x82: {  	(v2sf) =	vpush v3, $0x8;
	_ =	sdelay $0x1  }
0x83: {  	(v2sf) =	vpush v3, $0xA;
	_ =	sdelay $0x1  }
0x84: {  	(v2sf) =	vpush v3, $0xB  }
0x85: {  	s18 =	spop (v2sf)  }
0x86: {  	(v2sf) =	vpush v3, $0x0;
	s19 =	smulhi.u32 $0x66666667, s18;
	s0 =	sshra.s32 s18, $0x1F  }
0x87: {  	s20 =	spop (v2sf);
	s0 =	smul.u32 $0x66666667, s0  }
0x88: {  	(v2sf) =	vpush v3, $0x1;
	s21 =	smulhi.u32 $0x66666667, s20;
	s2 =	sshra.s32 s20, $0x1F  }
0x89: {  	(v2sf) =	vpush v3, $0x2;
	s22 =	spop (v2sf);
	s2 =	smul.u32 $0x66666667, s2  }
0x8a: {  	(v2sf) =	vpush v3, $0x3;
	s23 =	smulhi.u32 $0x66666667, s22;
	s4 =	sshra.s32 s22, $0x1F  }
0x8b: {  	(v2sf) =	vpush v3, $0x4;
	s24 =	spop (v2sf);
	s4 =	smul.u32 $0x66666667, s4  }
0x8c: {  	(v2sf) =	vpush v3, $0x5;
	s25 =	smulhi.u32 $0x66666667, s24;
	s6 =	sshra.s32 s24, $0x1F  }
0x8d: {  	(v2sf) =	vpush v3, $0x6;
	s26 =	spop (v2sf);
	s6 =	smul.u32 $0x66666667, s6  }
0x8e: {  	(v2sf) =	vpush v3, $0x7;
	s28 =	smulhi.u32 $0x66666667, s26;
	s8 =	sshra.s32 s26, $0x1F  }
0x8f: {  	s29 =	smul.u32 $0x66666667, s8;
	s8 =	spop (v2sf)  }
0x90: {  	s15 =	sadd.s32 s0, s19;
	s12 =	smulhi.u32 $0x66666667, s8;
	s1 =	sshra.s32 s8, $0x1F  }
0x91: {  	s24 =	sshrl.u32 s15, $0x1F;
	s20 =	spop (v2sf);
	s1 =	smul.u32 $0x66666667, s1  }
0x92: {  	s18 =	sadd.s32 s2, s21;
	s21 =	smulhi.u32 $0x66666667, s20;
	s2 =	sshra.s32 s20, $0x1F  }
0x93: {  	s3 =	sshrl.u32 s18, $0x1F;
	s30 =	spop (v2sf);
	s2 =	smul.u32 $0x66666667, s2  }
0x94: {  	s16 =	sadd.s32 s4, s23;
	s31 =	smulhi.u32 $0x66666667, s30;
	s4 =	sshra.s32 s30, $0x1F  }
0x95: {  	s17 =	sadd.s32 s6, s25;
	s25 =	spop (v2sf);
	s4 =	smul.u32 $0x66666667, s4  }
0x96: {  	s5 =	sshrl.u32 s16, $0x1F;
	s22 =	smulhi.u32 $0x66666667, s25;
	s6 =	sshra.s32 s25, $0x1F  }
0x97: {  	s19 =	sadd.s32 s29, s28;
	s26 =	spop (v2sf);
	s0 =	smul.u32 $0x66666667, s6  }
0x98: {  	s9 =	smulhi.u32 $0x66666667, s26;
	s6 =	sshra.s32 s26, $0x1F;
	s28 =	spop (v2sf)  }
0x99: {  	s23 =	sadd.s32 s1, s12;
	s1 =	smul.u32 $0x66666667, s6;
	s29 =	spop (v2sf)  }
0x9a: {  	s8 =	smulhi.u32 $0x66666667, s28;
	s30 =	sshra.s32 s28, $0x1F;
	s26 =	spop (v2sf)  }
0x9b: {  	s20 =	sadd.s32 s2, s21;
	s2 =	smul.u32 $0x66666667, s30;
	s12 =	spop (v2sf)  }
0x9c: {  	s25 =	smulhi.u32 $0x66666667, s29;
	s6 =	sshra.s32 s29, $0x1F;
	s28 =	spop (v2sf)  }
0x9d: {  	s21 =	sadd.s32 s4, s31;
	s31 =	smul.u32 $0x66666667, s6;
	s29 =	spop (v2sf)  }
0x9e: {  	s7 =	sshrl.u32 s17, $0x1F;
	s30 =	smulhi.u32 $0x66666667, s29;
	s6 =	sshra.s32 s29, $0x1F  }
0x9f: {  	s0 =	sadd.s32 s0, s22;
	s1 =	sadd.s32 s1, s9;
	s6 =	smul.u32 $0x66666667, s6  }
0xa0: {  	v57 =	vmov s3;
	s9 =	sshrl.u32 s23, $0x1F;
	s2 =	sadd.s32 s2, s8;
	s8 =	sshrl.u32 s20, $0x1F  }
0xa1: {  	v5 =	vsel vm0, s24, v57;
	s3 =	sshrl.u32 s1, $0x1F;
	s4 =	sadd.s32 s31, s25;
	s22 =	sadd.s32 s6, s30  }
0xa2: {  	v5 =	vsel vm1, s5, v5;
	s25 =	sshrl.u32 s21, $0x1F;
	s24 =	sshra.s32 s28, $0x1F;
	s31 =	sshra.s32 s22, $0x1F  }
0xa3: {  	v5 =	vsel vm2, s7, v5;
	s7 =	smul.u32 $0x66666667, s24;
	s30 =	sshrl.u32 s0, $0x1F;
	v56 =	vmov s31;
	s31 =	sshra.s32 s0, $0x9  }
0xa4: {  	s6 =	smulhi.u32 $0x66666667, s26;
	s26 =	sshra.s32 s26, $0x1F;
	v58 =	vmov s30;
	s0 =	sshra.s32 s0, $0x1F;
	v4 =	vsel vm3, s31, v56  }
0xa5: {  	s29 =	sshrl.u32 s19, $0x1F;
	s26 =	smul.u32 $0x66666667, s26;
	s30 =	sshra.s32 s1, $0x9;
	v6 =	vnsel vm3, $0x0, v58;
	v4 =	vsel vm9, s0, v4  }
0xa6: {  	s1 =	sshra.s32 s1, $0x1F;
	s31 =	sshrl.u32 s2, $0x1F;
	v6 =	vsel vm0, s3, v6;
	s3 =	smulhi.u32 $0x66666667, s28;
	v4 =	vsel vm0, s30, v4  }
0xa7: {  	v59 =	vmov s9;
	s28 =	sshra.s32 s2, $0x9;
	s0 =	smulhi.u32 $0x66666667, s12;
	s12 =	sshra.s32 s12, $0x1F;
	v4 =	vsel vm10, s1, v4  }
0xa8: {  	s5 =	sshrl.u32 s4, $0x1F;
	v7 =	vsel vm0, s29, v59;
	v6 =	vsel vm1, s31, v6;
	s12 =	smul.u32 $0x66666667, s12;
	s30 =	sshra.s32 s2, $0x1F;
	v4 =	vsel vm1, s28, v4  }
0xa9: {  	v7 =	vsel vm1, s8, v7;
	s6 =	sadd.s32 s26, s6;
	s26 =	sshra.s32 s18, $0x9;
	v6 =	vsel vm2, s5, v6;
	s5 =	sshra.s32 s4, $0x9;
	v4 =	vsel vm11, s30, v4  }
0xaa: {  	v7 =	vsel vm2, s25, v7;
	s31 =	sshrl.u32 s6, $0x1F;
	s0 =	sadd.s32 s12, s0;
	s12 =	sshra.s32 s4, $0x1F;
	v4 =	vsel vm2, s5, v4  }
0xab: {  	v5 =	vcombine.low v7, v5;
	s25 =	sshra.s32 s6, $0x9;
	s29 =	sshra.s32 s6, $0x1F;
	v60 =	vmov s26;
	s28 =	sshra.s32 s23, $0x9;
	v4 =	vsel vm12, s12, v4  }
0xac: {  	s3 =	sadd.s32 s7, s3;
	v6 =	vsel vm4, s31, v6;
	s9 =	sshrl.u32 s0, $0x1F;
	s30 =	sshra.s32 s15, $0x9;
	v61 =	vmov s28;
	v4 =	vsel vm4, s25, v4  }
0xad: {  	s24 =	sshrl.u32 s3, $0x1F;
	s31 =	sshra.s32 s19, $0x9;
	s4 =	sshra.s32 s0, $0x9;
	v6 =	vsel vm5, s9, v6;
	v7 =	vsel vm0, s30, v60;
	v4 =	vsel vm13, s29, v4  }
0xae: {  	s6 =	sshra.s32 s16, $0x9;
	s7 =	sshra.s32 s20, $0x9;
	s0 =	sshra.s32 s0, $0x1F;
	v8 =	vsel vm0, s31, v61;
	v6 =	vsel vm6, s24, v6;
	v4 =	vsel vm5, s4, v4  }
0xaf: {  	s8 =	sshra.s32 s17, $0x9;
	s9 =	sshra.s32 s21, $0x9;
	v7 =	vsel vm1, s6, v7;
	v8 =	vsel vm1, s7, v8;
	s12 =	sshra.s32 s3, $0x9;
	v4 =	vsel vm14, s0, v4  }
0xb0: {  	s16 =	sshra.s32 s3, $0x1F;
	s15 =	sshrl.u32 s22, $0x1F;
	v7 =	vsel vm2, s8, v7;
	v8 =	vsel vm2, s9, v8;
	v4 =	vsel vm6, s12, v4  }
0xb1: {  	s17 =	sshra.s32 s22, $0x9;
	v6 =	vsel vm7, s15, v6;
	v7 =	vcombine.low v8, v7;
	v4 =	vsel vm15, s16, v4  }
0xb2: {  	v5 =	vperm.xlane v5, v1;
	v6 =	vperm.xlane v6, v2;
	v4 =	vsel vm7, s17, v4  }
0xb3: {  	v7 =	vperm.xlane v7, v1;
	v4 =	vperm.xlane v4, v2  }
0xb4: {  	v62 =	vld [tilespmem:s14+$0x2810]  }
0xb5: {  	v5 =	vsel vm8, v6, v5;
	v4 =	vsel vm8, v4, v7  }
0xb6: {  	v4 =	vadd.s32 v5, v4  }
0xb7: {  	v4 =	vmul.u32 $0x500, v4;
	_ =	sdelay $0x1  }
0xb8: {  	v3 =	vsub.s32 v3, v4  }
0xb9: {  	v63 =	vand.u32 $0xFFFFFFF8, v3  }
0xba: {  	v3 =	vand.u32 $0x7, v3;
	v4 =	vadd.s32 v63, v4  }
0xbb: {  	v9 =	vld.idx.msk [tilespmem:v62+s10+$0x0], $0xffff;
	v3 =	vor.u32 v3, v4;
	_ =	sdelay $0x4  }
0xbc: {  	[tilespmem:v3+s11+$0x0] =	vst.idx.add.f32.msk $0xffff, v9  }
0xbd: {  	v3 =	vld [tilespmem:s14+$0x20];
	_ =	sdelay $0x4  }
0xbe: {  	(v2sf) =	vpush v3, $0xD;
	_ =	sdelay $0x1  }
0xbf: {  	(v2sf) =	vpush v3, $0xC;
	_ =	sdelay $0x1  }
0xc0: {  	(v2sf) =	vpush v3, $0xE;
	_ =	sdelay $0x1  }
0xc1: {  	(v2sf) =	vpush v3, $0xF;
	_ =	sdelay $0x1  }
0xc2: {  	(v2sf) =	vpush v3, $0x9;
	_ =	sdelay $0x1  }
0xc3: {  	(v2sf) =	vpush v3, $0x8;
	_ =	sdelay $0x1  }
0xc4: {  	(v2sf) =	vpush v3, $0xA;
	_ =	sdelay $0x1  }
0xc5: {  	(v2sf) =	vpush v3, $0xB  }
0xc6: {  	s18 =	spop (v2sf)  }
0xc7: {  	(v2sf) =	vpush v3, $0x0;
	s19 =	smulhi.u32 $0x66666667, s18;
	s0 =	sshra.s32 s18, $0x1F  }
0xc8: {  	s20 =	spop (v2sf);
	s0 =	smul.u32 $0x66666667, s0  }
0xc9: {  	(v2sf) =	vpush v3, $0x1;
	s21 =	smulhi.u32 $0x66666667, s20;
	s2 =	sshra.s32 s20, $0x1F  }
0xca: {  	(v2sf) =	vpush v3, $0x2;
	s22 =	spop (v2sf);
	s2 =	smul.u32 $0x66666667, s2  }
0xcb: {  	(v2sf) =	vpush v3, $0x3;
	s23 =	smulhi.u32 $0x66666667, s22;
	s4 =	sshra.s32 s22, $0x1F  }
0xcc: {  	(v2sf) =	vpush v3, $0x4;
	s24 =	spop (v2sf);
	s4 =	smul.u32 $0x66666667, s4  }
0xcd: {  	(v2sf) =	vpush v3, $0x5;
	s25 =	smulhi.u32 $0x66666667, s24;
	s6 =	sshra.s32 s24, $0x1F  }
0xce: {  	(v2sf) =	vpush v3, $0x6;
	s26 =	spop (v2sf);
	s6 =	smul.u32 $0x66666667, s6  }
0xcf: {  	(v2sf) =	vpush v3, $0x7;
	s28 =	smulhi.u32 $0x66666667, s26;
	s8 =	sshra.s32 s26, $0x1F  }
0xd0: {  	s29 =	smul.u32 $0x66666667, s8;
	s8 =	spop (v2sf)  }
0xd1: {  	s15 =	sadd.s32 s0, s19;
	s12 =	smulhi.u32 $0x66666667, s8;
	s1 =	sshra.s32 s8, $0x1F  }
0xd2: {  	s24 =	sshrl.u32 s15, $0x1F;
	s20 =	spop (v2sf);
	s1 =	smul.u32 $0x66666667, s1  }
0xd3: {  	s18 =	sadd.s32 s2, s21;
	s21 =	smulhi.u32 $0x66666667, s20;
	s2 =	sshra.s32 s20, $0x1F  }
0xd4: {  	s3 =	sshrl.u32 s18, $0x1F;
	s30 =	spop (v2sf);
	s2 =	smul.u32 $0x66666667, s2  }
0xd5: {  	s16 =	sadd.s32 s4, s23;
	s31 =	smulhi.u32 $0x66666667, s30;
	s4 =	sshra.s32 s30, $0x1F  }
0xd6: {  	s17 =	sadd.s32 s6, s25;
	s25 =	spop (v2sf);
	s4 =	smul.u32 $0x66666667, s4  }
0xd7: {  	s5 =	sshrl.u32 s16, $0x1F;
	s22 =	smulhi.u32 $0x66666667, s25;
	s6 =	sshra.s32 s25, $0x1F  }
0xd8: {  	s19 =	sadd.s32 s29, s28;
	s26 =	spop (v2sf);
	s0 =	smul.u32 $0x66666667, s6  }
0xd9: {  	s9 =	smulhi.u32 $0x66666667, s26;
	s6 =	sshra.s32 s26, $0x1F;
	s28 =	spop (v2sf)  }
0xda: {  	s23 =	sadd.s32 s1, s12;
	s1 =	smul.u32 $0x66666667, s6;
	s29 =	spop (v2sf)  }
0xdb: {  	s8 =	smulhi.u32 $0x66666667, s28;
	s30 =	sshra.s32 s28, $0x1F;
	s26 =	spop (v2sf)  }
0xdc: {  	s20 =	sadd.s32 s2, s21;
	s2 =	smul.u32 $0x66666667, s30;
	s12 =	spop (v2sf)  }
0xdd: {  	s25 =	smulhi.u32 $0x66666667, s29;
	s6 =	sshra.s32 s29, $0x1F;
	s28 =	spop (v2sf)  }
0xde: {  	s21 =	sadd.s32 s4, s31;
	s31 =	smul.u32 $0x66666667, s6;
	s29 =	spop (v2sf)  }
0xdf: {  	s7 =	sshrl.u32 s17, $0x1F;
	s30 =	smulhi.u32 $0x66666667, s29;
	s6 =	sshra.s32 s29, $0x1F  }
0xe0: {  	s0 =	sadd.s32 s0, s22;
	s1 =	sadd.s32 s1, s9;
	s6 =	smul.u32 $0x66666667, s6  }
0xe1: {  	v11 =	vmov s3;
	s9 =	sshrl.u32 s23, $0x1F;
	s2 =	sadd.s32 s2, s8;
	s8 =	sshrl.u32 s20, $0x1F  }
0xe2: {  	v5 =	vsel vm0, s24, v11;
	s3 =	sshrl.u32 s1, $0x1F;
	s4 =	sadd.s32 s31, s25;
	s22 =	sadd.s32 s6, s30  }
0xe3: {  	v5 =	vsel vm1, s5, v5;
	s25 =	sshrl.u32 s21, $0x1F;
	s24 =	sshra.s32 s28, $0x1F;
	s31 =	sshra.s32 s22, $0x1F  }
0xe4: {  	v5 =	vsel vm2, s7, v5;
	s7 =	smul.u32 $0x66666667, s24;
	s30 =	sshrl.u32 s0, $0x1F;
	v10 =	vmov s31;
	s31 =	sshra.s32 s0, $0x9  }
0xe5: {  	s6 =	smulhi.u32 $0x66666667, s26;
	s26 =	sshra.s32 s26, $0x1F;
	v12 =	vmov s30;
	s0 =	sshra.s32 s0, $0x1F;
	v4 =	vsel vm3, s31, v10  }
0xe6: {  	s29 =	sshrl.u32 s19, $0x1F;
	s26 =	smul.u32 $0x66666667, s26;
	s30 =	sshra.s32 s1, $0x9;
	v6 =	vnsel vm3, $0x0, v12;
	v4 =	vsel vm9, s0, v4  }
0xe7: {  	s1 =	sshra.s32 s1, $0x1F;
	s31 =	sshrl.u32 s2, $0x1F;
	v6 =	vsel vm0, s3, v6;
	s3 =	smulhi.u32 $0x66666667, s28;
	v4 =	vsel vm0, s30, v4  }
0xe8: {  	v13 =	vmov s9;
	s28 =	sshra.s32 s2, $0x9;
	s0 =	smulhi.u32 $0x66666667, s12;
	s12 =	sshra.s32 s12, $0x1F;
	v4 =	vsel vm10, s1, v4  }
0xe9: {  	s5 =	sshrl.u32 s4, $0x1F;
	v7 =	vsel vm0, s29, v13;
	v6 =	vsel vm1, s31, v6;
	s12 =	smul.u32 $0x66666667, s12;
	s30 =	sshra.s32 s2, $0x1F;
	v4 =	vsel vm1, s28, v4  }
0xea: {  	v7 =	vsel vm1, s8, v7;
	s6 =	sadd.s32 s26, s6;
	s26 =	sshra.s32 s18, $0x9;
	v6 =	vsel vm2, s5, v6;
	s5 =	sshra.s32 s4, $0x9;
	v4 =	vsel vm11, s30, v4  }
0xeb: {  	v7 =	vsel vm2, s25, v7;
	s31 =	sshrl.u32 s6, $0x1F;
	s0 =	sadd.s32 s12, s0;
	s12 =	sshra.s32 s4, $0x1F;
	v4 =	vsel vm2, s5, v4  }
0xec: {  	v5 =	vcombine.low v7, v5;
	s25 =	sshra.s32 s6, $0x9;
	s29 =	sshra.s32 s6, $0x1F;
	v14 =	vmov s26;
	s28 =	sshra.s32 s23, $0x9;
	v4 =	vsel vm12, s12, v4  }
0xed: {  	s3 =	sadd.s32 s7, s3;
	v6 =	vsel vm4, s31, v6;
	s9 =	sshrl.u32 s0, $0x1F;
	s30 =	sshra.s32 s15, $0x9;
	v15 =	vmov s28;
	v4 =	vsel vm4, s25, v4  }
0xee: {  	s24 =	sshrl.u32 s3, $0x1F;
	s31 =	sshra.s32 s19, $0x9;
	s4 =	sshra.s32 s0, $0x9;
	v6 =	vsel vm5, s9, v6;
	v7 =	vsel vm0, s30, v14;
	v4 =	vsel vm13, s29, v4  }
0xef: {  	s6 =	sshra.s32 s16, $0x9;
	s7 =	sshra.s32 s20, $0x9;
	s0 =	sshra.s32 s0, $0x1F;
	v8 =	vsel vm0, s31, v15;
	v6 =	vsel vm6, s24, v6;
	v4 =	vsel vm5, s4, v4  }
0xf0: {  	s8 =	sshra.s32 s17, $0x9;
	s9 =	sshra.s32 s21, $0x9;
	v7 =	vsel vm1, s6, v7;
	v8 =	vsel vm1, s7, v8;
	s12 =	sshra.s32 s3, $0x9;
	v4 =	vsel vm14, s0, v4  }
0xf1: {  	s16 =	sshra.s32 s3, $0x1F;
	s15 =	sshrl.u32 s22, $0x1F;
	v7 =	vsel vm2, s8, v7;
	v8 =	vsel vm2, s9, v8;
	v4 =	vsel vm6, s12, v4  }
0xf2: {  	s17 =	sshra.s32 s22, $0x9;
	v6 =	vsel vm7, s15, v6;
	v7 =	vcombine.low v8, v7;
	v4 =	vsel vm15, s16, v4  }
0xf3: {  	v5 =	vperm.xlane v5, v1;
	v6 =	vperm.xlane v6, v2;
	v4 =	vsel vm7, s17, v4  }
0xf4: {  	v7 =	vperm.xlane v7, v1;
	v4 =	vperm.xlane v4, v2  }
0xf5: {  	v16 =	vld [tilespmem:s14+$0x2820]  }
0xf6: {  	v5 =	vsel vm8, v6, v5;
	v4 =	vsel vm8, v4, v7  }
0xf7: {  	v4 =	vadd.s32 v5, v4  }
0xf8: {  	v4 =	vmul.u32 $0x500, v4;
	_ =	sdelay $0x1  }
0xf9: {  	v3 =	vsub.s32 v3, v4  }
0xfa: {  	v17 =	vand.u32 $0xFFFFFFF8, v3  }
0xfb: {  	v3 =	vand.u32 $0x7, v3;
	v4 =	vadd.s32 v17, v4  }
0xfc: {  	v18 =	vld.idx.msk [tilespmem:v16+s10+$0x0], $0xffff;
	v3 =	vor.u32 v3, v4;
	_ =	sdelay $0x4  }
0xfd: {  	[tilespmem:v3+s11+$0x0] =	vst.idx.add.f32.msk $0xffff, v18  }
0xfe: {  	v3 =	vld [tilespmem:s14+$0x30];
	_ =	sdelay $0x4  }
0xff: {  	(v2sf) =	vpush v3, $0xD;
	_ =	sdelay $0x1  }
0x100: {  	(v2sf) =	vpush v3, $0xC;
	_ =	sdelay $0x1  }
0x101: {  	(v2sf) =	vpush v3, $0xE;
	_ =	sdelay $0x1  }
0x102: {  	(v2sf) =	vpush v3, $0xF;
	_ =	sdelay $0x1  }
0x103: {  	(v2sf) =	vpush v3, $0x9;
	_ =	sdelay $0x1  }
0x104: {  	(v2sf) =	vpush v3, $0x8;
	_ =	sdelay $0x1  }
0x105: {  	(v2sf) =	vpush v3, $0xA;
	_ =	sdelay $0x1  }
0x106: {  	(v2sf) =	vpush v3, $0xB  }
0x107: {  	s18 =	spop (v2sf)  }
0x108: {  	(v2sf) =	vpush v3, $0x0;
	s19 =	smulhi.u32 $0x66666667, s18;
	s0 =	sshra.s32 s18, $0x1F  }
0x109: {  	s20 =	spop (v2sf);
	s0 =	smul.u32 $0x66666667, s0  }
0x10a: {  	(v2sf) =	vpush v3, $0x1;
	s21 =	smulhi.u32 $0x66666667, s20;
	s2 =	sshra.s32 s20, $0x1F  }
0x10b: {  	(v2sf) =	vpush v3, $0x2;
	s22 =	spop (v2sf);
	s2 =	smul.u32 $0x66666667, s2  }
0x10c: {  	(v2sf) =	vpush v3, $0x3;
	s23 =	smulhi.u32 $0x66666667, s22;
	s4 =	sshra.s32 s22, $0x1F  }
0x10d: {  	(v2sf) =	vpush v3, $0x4;
	s24 =	spop (v2sf);
	s4 =	smul.u32 $0x66666667, s4  }
0x10e: {  	(v2sf) =	vpush v3, $0x5;
	s25 =	smulhi.u32 $0x66666667, s24;
	s6 =	sshra.s32 s24, $0x1F  }
0x10f: {  	(v2sf) =	vpush v3, $0x6;
	s26 =	spop (v2sf);
	s6 =	smul.u32 $0x66666667, s6  }
0x110: {  	(v2sf) =	vpush v3, $0x7;
	s28 =	smulhi.u32 $0x66666667, s26;
	s8 =	sshra.s32 s26, $0x1F  }
0x111: {  	s29 =	smul.u32 $0x66666667, s8;
	s8 =	spop (v2sf)  }
0x112: {  	s15 =	sadd.s32 s0, s19;
	s12 =	smulhi.u32 $0x66666667, s8;
	s1 =	sshra.s32 s8, $0x1F  }
0x113: {  	s24 =	sshrl.u32 s15, $0x1F;
	s20 =	spop (v2sf);
	s1 =	smul.u32 $0x66666667, s1  }
0x114: {  	s18 =	sadd.s32 s2, s21;
	s21 =	smulhi.u32 $0x66666667, s20;
	s2 =	sshra.s32 s20, $0x1F  }
0x115: {  	s3 =	sshrl.u32 s18, $0x1F;
	s30 =	spop (v2sf);
	s2 =	smul.u32 $0x66666667, s2  }
0x116: {  	s16 =	sadd.s32 s4, s23;
	s31 =	smulhi.u32 $0x66666667, s30;
	s4 =	sshra.s32 s30, $0x1F  }
0x117: {  	s17 =	sadd.s32 s6, s25;
	s25 =	spop (v2sf);
	s4 =	smul.u32 $0x66666667, s4  }
0x118: {  	s5 =	sshrl.u32 s16, $0x1F;
	s22 =	smulhi.u32 $0x66666667, s25;
	s6 =	sshra.s32 s25, $0x1F  }
0x119: {  	s19 =	sadd.s32 s29, s28;
	s26 =	spop (v2sf);
	s0 =	smul.u32 $0x66666667, s6  }
0x11a: {  	s9 =	smulhi.u32 $0x66666667, s26;
	s6 =	sshra.s32 s26, $0x1F;
	s28 =	spop (v2sf)  }
0x11b: {  	s23 =	sadd.s32 s1, s12;
	s1 =	smul.u32 $0x66666667, s6;
	s29 =	spop (v2sf)  }
0x11c: {  	s8 =	smulhi.u32 $0x66666667, s28;
	s30 =	sshra.s32 s28, $0x1F;
	s26 =	spop (v2sf)  }
0x11d: {  	s20 =	sadd.s32 s2, s21;
	s2 =	smul.u32 $0x66666667, s30;
	s12 =	spop (v2sf)  }
0x11e: {  	s25 =	smulhi.u32 $0x66666667, s29;
	s6 =	sshra.s32 s29, $0x1F;
	s28 =	spop (v2sf)  }
0x11f: {  	s21 =	sadd.s32 s4, s31;
	s31 =	smul.u32 $0x66666667, s6;
	s29 =	spop (v2sf)  }
0x120: {  	s7 =	sshrl.u32 s17, $0x1F;
	s30 =	smulhi.u32 $0x66666667, s29;
	s6 =	sshra.s32 s29, $0x1F  }
0x121: {  	s0 =	sadd.s32 s0, s22;
	s1 =	sadd.s32 s1, s9;
	s6 =	smul.u32 $0x66666667, s6  }
0x122: {  	v20 =	vmov s3;
	s9 =	sshrl.u32 s23, $0x1F;
	s2 =	sadd.s32 s2, s8;
	s8 =	sshrl.u32 s20, $0x1F  }
0x123: {  	v5 =	vsel vm0, s24, v20;
	s3 =	sshrl.u32 s1, $0x1F;
	s4 =	sadd.s32 s31, s25;
	s22 =	sadd.s32 s6, s30  }
0x124: {  	v5 =	vsel vm1, s5, v5;
	s25 =	sshrl.u32 s21, $0x1F;
	s24 =	sshra.s32 s28, $0x1F;
	s31 =	sshra.s32 s22, $0x1F  }
0x125: {  	v5 =	vsel vm2, s7, v5;
	s7 =	smul.u32 $0x66666667, s24;
	s30 =	sshrl.u32 s0, $0x1F;
	v19 =	vmov s31;
	s31 =	sshra.s32 s0, $0x9  }
0x126: {  	s6 =	smulhi.u32 $0x66666667, s26;
	s26 =	sshra.s32 s26, $0x1F;
	v21 =	vmov s30;
	s0 =	sshra.s32 s0, $0x1F;
	v4 =	vsel vm3, s31, v19  }
0x127: {  	s29 =	sshrl.u32 s19, $0x1F;
	s26 =	smul.u32 $0x66666667, s26;
	s30 =	sshra.s32 s1, $0x9;
	v6 =	vnsel vm3, $0x0, v21;
	v4 =	vsel vm9, s0, v4  }
0x128: {  	s1 =	sshra.s32 s1, $0x1F;
	s31 =	sshrl.u32 s2, $0x1F;
	v6 =	vsel vm0, s3, v6;
	s3 =	smulhi.u32 $0x66666667, s28;
	v4 =	vsel vm0, s30, v4  }
0x129: {  	v22 =	vmov s9;
	s28 =	sshra.s32 s2, $0x9;
	s0 =	smulhi.u32 $0x66666667, s12;
	s12 =	sshra.s32 s12, $0x1F;
	v4 =	vsel vm10, s1, v4  }
0x12a: {  	s5 =	sshrl.u32 s4, $0x1F;
	v7 =	vsel vm0, s29, v22;
	v6 =	vsel vm1, s31, v6;
	s12 =	smul.u32 $0x66666667, s12;
	s30 =	sshra.s32 s2, $0x1F;
	v4 =	vsel vm1, s28, v4  }
0x12b: {  	v7 =	vsel vm1, s8, v7;
	s6 =	sadd.s32 s26, s6;
	s26 =	sshra.s32 s18, $0x9;
	v6 =	vsel vm2, s5, v6;
	s5 =	sshra.s32 s4, $0x9;
	v4 =	vsel vm11, s30, v4  }
0x12c: {  	v7 =	vsel vm2, s25, v7;
	s31 =	sshrl.u32 s6, $0x1F;
	s0 =	sadd.s32 s12, s0;
	s12 =	sshra.s32 s4, $0x1F;
	v4 =	vsel vm2, s5, v4  }
0x12d: {  	v5 =	vcombine.low v7, v5;
	s25 =	sshra.s32 s6, $0x9;
	s29 =	sshra.s32 s6, $0x1F;
	v23 =	vmov s26;
	s28 =	sshra.s32 s23, $0x9;
	v4 =	vsel vm12, s12, v4  }
0x12e: {  	s3 =	sadd.s32 s7, s3;
	v6 =	vsel vm4, s31, v6;
	s9 =	sshrl.u32 s0, $0x1F;
	s30 =	sshra.s32 s15, $0x9;
	v24 =	vmov s28;
	v4 =	vsel vm4, s25, v4  }
0x12f: {  	s24 =	sshrl.u32 s3, $0x1F;
	s31 =	sshra.s32 s19, $0x9;
	s4 =	sshra.s32 s0, $0x9;
	v6 =	vsel vm5, s9, v6;
	v7 =	vsel vm0, s30, v23;
	v4 =	vsel vm13, s29, v4  }
0x130: {  	s6 =	sshra.s32 s16, $0x9;
	s7 =	sshra.s32 s20, $0x9;
	s0 =	sshra.s32 s0, $0x1F;
	v8 =	vsel vm0, s31, v24;
	v6 =	vsel vm6, s24, v6;
	v4 =	vsel vm5, s4, v4  }
0x131: {  	s8 =	sshra.s32 s17, $0x9;
	s9 =	sshra.s32 s21, $0x9;
	v7 =	vsel vm1, s6, v7;
	v8 =	vsel vm1, s7, v8;
	s12 =	sshra.s32 s3, $0x9;
	v4 =	vsel vm14, s0, v4  }
0x132: {  	s16 =	sshra.s32 s3, $0x1F;
	s15 =	sshrl.u32 s22, $0x1F;
	v7 =	vsel vm2, s8, v7;
	v8 =	vsel vm2, s9, v8;
	v4 =	vsel vm6, s12, v4  }
0x133: {  	s17 =	sshra.s32 s22, $0x9;
	v6 =	vsel vm7, s15, v6;
	v7 =	vcombine.low v8, v7;
	v4 =	vsel vm15, s16, v4  }
0x134: {  	v5 =	vperm.xlane v5, v1;
	v6 =	vperm.xlane v6, v2;
	v4 =	vsel vm7, s17, v4  }
0x135: {  	v7 =	vperm.xlane v7, v1;
	v4 =	vperm.xlane v4, v2  }
0x136: {  	v25 =	vld [tilespmem:s14+$0x2830]  }
0x137: {  	v5 =	vsel vm8, v6, v5;
	v4 =	vsel vm8, v4, v7  }
0x138: {  	v4 =	vadd.s32 v5, v4  }
0x139: {  	v4 =	vmul.u32 $0x500, v4;
	_ =	sdelay $0x1  }
0x13a: {  	v3 =	vsub.s32 v3, v4  }
0x13b: {  	v26 =	vand.u32 $0xFFFFFFF8, v3  }
0x13c: {  	v3 =	vand.u32 $0x7, v3;
	v4 =	vadd.s32 v26, v4  }
0x13d: {  	v27 =	vld.idx.msk [tilespmem:v25+s10+$0x0], $0xffff;
	v3 =	vor.u32 v3, v4;
	_ =	sdelay $0x4  }
0x13e: {  	[tilespmem:v3+s11+$0x0] =	vst.idx.add.f32.msk $0xffff, v27  }
0x13f: {  	v3 =	vld [tilespmem:s14+$0x40];
	_ =	sdelay $0x4  }
0x140: {  	(v2sf) =	vpush v3, $0xD;
	_ =	sdelay $0x1  }
0x141: {  	(v2sf) =	vpush v3, $0xC;
	_ =	sdelay $0x1  }
0x142: {  	(v2sf) =	vpush v3, $0xE;
	_ =	sdelay $0x1  }
0x143: {  	(v2sf) =	vpush v3, $0xF;
	_ =	sdelay $0x1  }
0x144: {  	(v2sf) =	vpush v3, $0x9;
	_ =	sdelay $0x1  }
0x145: {  	(v2sf) =	vpush v3, $0x8;
	_ =	sdelay $0x1  }
0x146: {  	(v2sf) =	vpush v3, $0xA;
	_ =	sdelay $0x1  }
0x147: {  	(v2sf) =	vpush v3, $0xB  }
0x148: {  	s18 =	spop (v2sf)  }
0x149: {  	(v2sf) =	vpush v3, $0x0;
	s19 =	smulhi.u32 $0x66666667, s18;
	s0 =	sshra.s32 s18, $0x1F  }
0x14a: {  	s20 =	spop (v2sf);
	s0 =	smul.u32 $0x66666667, s0  }
0x14b: {  	(v2sf) =	vpush v3, $0x1;
	s21 =	smulhi.u32 $0x66666667, s20;
	s2 =	sshra.s32 s20, $0x1F  }
0x14c: {  	(v2sf) =	vpush v3, $0x2;
	s22 =	spop (v2sf);
	s2 =	smul.u32 $0x66666667, s2  }
0x14d: {  	(v2sf) =	vpush v3, $0x3;
	s23 =	smulhi.u32 $0x66666667, s22;
	s4 =	sshra.s32 s22, $0x1F  }
0x14e: {  	(v2sf) =	vpush v3, $0x4;
	s24 =	spop (v2sf);
	s4 =	smul.u32 $0x66666667, s4  }
0x14f: {  	(v2sf) =	vpush v3, $0x5;
	s25 =	smulhi.u32 $0x66666667, s24;
	s6 =	sshra.s32 s24, $0x1F  }
0x150: {  	(v2sf) =	vpush v3, $0x6;
	s26 =	spop (v2sf);
	s6 =	smul.u32 $0x66666667, s6  }
0x151: {  	(v2sf) =	vpush v3, $0x7;
	s28 =	smulhi.u32 $0x66666667, s26;
	s8 =	sshra.s32 s26, $0x1F  }
0x152: {  	s29 =	smul.u32 $0x66666667, s8;
	s8 =	spop (v2sf)  }
0x153: {  	s15 =	sadd.s32 s0, s19;
	s12 =	smulhi.u32 $0x66666667, s8;
	s1 =	sshra.s32 s8, $0x1F  }
0x154: {  	s24 =	sshrl.u32 s15, $0x1F;
	s20 =	spop (v2sf);
	s1 =	smul.u32 $0x66666667, s1  }
0x155: {  	s18 =	sadd.s32 s2, s21;
	s21 =	smulhi.u32 $0x66666667, s20;
	s2 =	sshra.s32 s20, $0x1F  }
0x156: {  	s3 =	sshrl.u32 s18, $0x1F;
	s30 =	spop (v2sf);
	s2 =	smul.u32 $0x66666667, s2  }
0x157: {  	s16 =	sadd.s32 s4, s23;
	s31 =	smulhi.u32 $0x66666667, s30;
	s4 =	sshra.s32 s30, $0x1F  }
0x158: {  	s17 =	sadd.s32 s6, s25;
	s25 =	spop (v2sf);
	s4 =	smul.u32 $0x66666667, s4  }
0x159: {  	s5 =	sshrl.u32 s16, $0x1F;
	s22 =	smulhi.u32 $0x66666667, s25;
	s6 =	sshra.s32 s25, $0x1F  }
0x15a: {  	s19 =	sadd.s32 s29, s28;
	s26 =	spop (v2sf);
	s0 =	smul.u32 $0x66666667, s6  }
0x15b: {  	s9 =	smulhi.u32 $0x66666667, s26;
	s6 =	sshra.s32 s26, $0x1F;
	s28 =	spop (v2sf)  }
0x15c: {  	s23 =	sadd.s32 s1, s12;
	s1 =	smul.u32 $0x66666667, s6;
	s29 =	spop (v2sf)  }
0x15d: {  	s8 =	smulhi.u32 $0x66666667, s28;
	s30 =	sshra.s32 s28, $0x1F;
	s26 =	spop (v2sf)  }
0x15e: {  	s20 =	sadd.s32 s2, s21;
	s2 =	smul.u32 $0x66666667, s30;
	s12 =	spop (v2sf)  }
0x15f: {  	s25 =	smulhi.u32 $0x66666667, s29;
	s6 =	sshra.s32 s29, $0x1F;
	s28 =	spop (v2sf)  }
0x160: {  	s21 =	sadd.s32 s4, s31;
	s31 =	smul.u32 $0x66666667, s6;
	s29 =	spop (v2sf)  }
0x161: {  	s7 =	sshrl.u32 s17, $0x1F;
	s30 =	smulhi.u32 $0x66666667, s29;
	s6 =	sshra.s32 s29, $0x1F  }
0x162: {  	s0 =	sadd.s32 s0, s22;
	s1 =	sadd.s32 s1, s9;
	s6 =	smul.u32 $0x66666667, s6  }
0x163: {  	v29 =	vmov s3;
	s9 =	sshrl.u32 s23, $0x1F;
	s2 =	sadd.s32 s2, s8;
	s8 =	sshrl.u32 s20, $0x1F  }
0x164: {  	v5 =	vsel vm0, s24, v29;
	s3 =	sshrl.u32 s1, $0x1F;
	s4 =	sadd.s32 s31, s25;
	s22 =	sadd.s32 s6, s30  }
0x165: {  	v5 =	vsel vm1, s5, v5;
	s25 =	sshrl.u32 s21, $0x1F;
	s24 =	sshra.s32 s28, $0x1F;
	s31 =	sshra.s32 s22, $0x1F  }
0x166: {  	v5 =	vsel vm2, s7, v5;
	s7 =	smul.u32 $0x66666667, s24;
	s30 =	sshrl.u32 s0, $0x1F;
	v28 =	vmov s31;
	s31 =	sshra.s32 s0, $0x9  }
0x167: {  	s6 =	smulhi.u32 $0x66666667, s26;
	s26 =	sshra.s32 s26, $0x1F;
	v30 =	vmov s30;
	s0 =	sshra.s32 s0, $0x1F;
	v4 =	vsel vm3, s31, v28  }
0x168: {  	s29 =	sshrl.u32 s19, $0x1F;
	s26 =	smul.u32 $0x66666667, s26;
	s30 =	sshra.s32 s1, $0x9;
	v6 =	vnsel vm3, $0x0, v30;
	v4 =	vsel vm9, s0, v4  }
0x169: {  	s1 =	sshra.s32 s1, $0x1F;
	s31 =	sshrl.u32 s2, $0x1F;
	v6 =	vsel vm0, s3, v6;
	s3 =	smulhi.u32 $0x66666667, s28;
	v4 =	vsel vm0, s30, v4  }
0x16a: {  	v31 =	vmov s9;
	s28 =	sshra.s32 s2, $0x9;
	s0 =	smulhi.u32 $0x66666667, s12;
	s12 =	sshra.s32 s12, $0x1F;
	v4 =	vsel vm10, s1, v4  }
0x16b: {  	s5 =	sshrl.u32 s4, $0x1F;
	v7 =	vsel vm0, s29, v31;
	v6 =	vsel vm1, s31, v6;
	s12 =	smul.u32 $0x66666667, s12;
	s30 =	sshra.s32 s2, $0x1F;
	v4 =	vsel vm1, s28, v4  }
0x16c: {  	v7 =	vsel vm1, s8, v7;
	s6 =	sadd.s32 s26, s6;
	s26 =	sshra.s32 s18, $0x9;
	v6 =	vsel vm2, s5, v6;
	s5 =	sshra.s32 s4, $0x9;
	v4 =	vsel vm11, s30, v4  }
0x16d: {  	v7 =	vsel vm2, s25, v7;
	s31 =	sshrl.u32 s6, $0x1F;
	s0 =	sadd.s32 s12, s0;
	s12 =	sshra.s32 s4, $0x1F;
	v4 =	vsel vm2, s5, v4  }
0x16e: {  	v5 =	vcombine.low v7, v5;
	s25 =	sshra.s32 s6, $0x9;
	s29 =	sshra.s32 s6, $0x1F;
	v32 =	vmov s26;
	s28 =	sshra.s32 s23, $0x9;
	v4 =	vsel vm12, s12, v4  }
0x16f: {  	s3 =	sadd.s32 s7, s3;
	v6 =	vsel vm4, s31, v6;
	s9 =	sshrl.u32 s0, $0x1F;
	s30 =	sshra.s32 s15, $0x9;
	v33 =	vmov s28;
	v4 =	vsel vm4, s25, v4  }
0x170: {  	s24 =	sshrl.u32 s3, $0x1F;
	s31 =	sshra.s32 s19, $0x9;
	s4 =	sshra.s32 s0, $0x9;
	v6 =	vsel vm5, s9, v6;
	v7 =	vsel vm0, s30, v32;
	v4 =	vsel vm13, s29, v4  }
0x171: {  	s6 =	sshra.s32 s16, $0x9;
	s7 =	sshra.s32 s20, $0x9;
	s0 =	sshra.s32 s0, $0x1F;
	v8 =	vsel vm0, s31, v33;
	v6 =	vsel vm6, s24, v6;
	v4 =	vsel vm5, s4, v4  }
0x172: {  	s8 =	sshra.s32 s17, $0x9;
	s9 =	sshra.s32 s21, $0x9;
	v7 =	vsel vm1, s6, v7;
	v8 =	vsel vm1, s7, v8;
	s12 =	sshra.s32 s3, $0x9;
	v4 =	vsel vm14, s0, v4  }
0x173: {  	s16 =	sshra.s32 s3, $0x1F;
	s15 =	sshrl.u32 s22, $0x1F;
	v7 =	vsel vm2, s8, v7;
	v8 =	vsel vm2, s9, v8;
	v4 =	vsel vm6, s12, v4  }
0x174: {  	s17 =	sshra.s32 s22, $0x9;
	v6 =	vsel vm7, s15, v6;
	v7 =	vcombine.low v8, v7;
	v4 =	vsel vm15, s16, v4  }
0x175: {  	v5 =	vperm.xlane v5, v1;
	v6 =	vperm.xlane v6, v2;
	v4 =	vsel vm7, s17, v4  }
0x176: {  	v7 =	vperm.xlane v7, v1;
	v4 =	vperm.xlane v4, v2  }
0x177: {  	v34 =	vld [tilespmem:s14+$0x2840]  }
0x178: {  	v5 =	vsel vm8, v6, v5;
	v4 =	vsel vm8, v4, v7  }
0x179: {  	v4 =	vadd.s32 v5, v4  }
0x17a: {  	v4 =	vmul.u32 $0x500, v4;
	_ =	sdelay $0x1  }
0x17b: {  	v3 =	vsub.s32 v3, v4  }
0x17c: {  	v35 =	vand.u32 $0xFFFFFFF8, v3  }
0x17d: {  	v3 =	vand.u32 $0x7, v3;
	v4 =	vadd.s32 v35, v4  }
0x17e: {  	v36 =	vld.idx.msk [tilespmem:v34+s10+$0x0], $0xffff;
	v3 =	vor.u32 v3, v4;
	_ =	sdelay $0x4  }
0x17f: {  	[tilespmem:v3+s11+$0x0] =	vst.idx.add.f32.msk $0xffff, v36  }
0x180: {  	v3 =	vld [tilespmem:s14+$0x50];
	_ =	sdelay $0x4  }
0x181: {  	(v2sf) =	vpush v3, $0xD;
	_ =	sdelay $0x1  }
0x182: {  	(v2sf) =	vpush v3, $0xC;
	_ =	sdelay $0x1  }
0x183: {  	(v2sf) =	vpush v3, $0xE;
	_ =	sdelay $0x1  }
0x184: {  	(v2sf) =	vpush v3, $0xF;
	_ =	sdelay $0x1  }
0x185: {  	(v2sf) =	vpush v3, $0x9;
	_ =	sdelay $0x1  }
0x186: {  	(v2sf) =	vpush v3, $0x8;
	_ =	sdelay $0x1  }
0x187: {  	(v2sf) =	vpush v3, $0xA;
	_ =	sdelay $0x1  }
0x188: {  	(v2sf) =	vpush v3, $0xB  }
0x189: {  	s18 =	spop (v2sf)  }
0x18a: {  	(v2sf) =	vpush v3, $0x0;
	s19 =	smulhi.u32 $0x66666667, s18;
	s0 =	sshra.s32 s18, $0x1F  }
0x18b: {  	s20 =	spop (v2sf);
	s0 =	smul.u32 $0x66666667, s0  }
0x18c: {  	(v2sf) =	vpush v3, $0x1;
	s21 =	smulhi.u32 $0x66666667, s20;
	s2 =	sshra.s32 s20, $0x1F  }
0x18d: {  	(v2sf) =	vpush v3, $0x2;
	s22 =	spop (v2sf);
	s2 =	smul.u32 $0x66666667, s2  }
0x18e: {  	(v2sf) =	vpush v3, $0x3;
	s23 =	smulhi.u32 $0x66666667, s22;
	s4 =	sshra.s32 s22, $0x1F  }
0x18f: {  	(v2sf) =	vpush v3, $0x4;
	s24 =	spop (v2sf);
	s4 =	smul.u32 $0x66666667, s4  }
0x190: {  	(v2sf) =	vpush v3, $0x5;
	s25 =	smulhi.u32 $0x66666667, s24;
	s6 =	sshra.s32 s24, $0x1F  }
0x191: {  	(v2sf) =	vpush v3, $0x6;
	s26 =	spop (v2sf);
	s6 =	smul.u32 $0x66666667, s6  }
0x192: {  	(v2sf) =	vpush v3, $0x7;
	s28 =	smulhi.u32 $0x66666667, s26;
	s8 =	sshra.s32 s26, $0x1F  }
0x193: {  	s29 =	smul.u32 $0x66666667, s8;
	s8 =	spop (v2sf)  }
0x194: {  	s15 =	sadd.s32 s0, s19;
	s12 =	smulhi.u32 $0x66666667, s8;
	s1 =	sshra.s32 s8, $0x1F  }
0x195: {  	s24 =	sshrl.u32 s15, $0x1F;
	s20 =	spop (v2sf);
	s1 =	smul.u32 $0x66666667, s1  }
0x196: {  	s18 =	sadd.s32 s2, s21;
	s21 =	smulhi.u32 $0x66666667, s20;
	s2 =	sshra.s32 s20, $0x1F  }
0x197: {  	s3 =	sshrl.u32 s18, $0x1F;
	s30 =	spop (v2sf);
	s2 =	smul.u32 $0x66666667, s2  }
0x198: {  	s16 =	sadd.s32 s4, s23;
	s31 =	smulhi.u32 $0x66666667, s30;
	s4 =	sshra.s32 s30, $0x1F  }
0x199: {  	s17 =	sadd.s32 s6, s25;
	s25 =	spop (v2sf);
	s4 =	smul.u32 $0x66666667, s4  }
0x19a: {  	s5 =	sshrl.u32 s16, $0x1F;
	s22 =	smulhi.u32 $0x66666667, s25;
	s6 =	sshra.s32 s25, $0x1F  }
0x19b: {  	s19 =	sadd.s32 s29, s28;
	s26 =	spop (v2sf);
	s0 =	smul.u32 $0x66666667, s6  }
0x19c: {  	s9 =	smulhi.u32 $0x66666667, s26;
	s6 =	sshra.s32 s26, $0x1F;
	s28 =	spop (v2sf)  }
0x19d: {  	s23 =	sadd.s32 s1, s12;
	s1 =	smul.u32 $0x66666667, s6;
	s29 =	spop (v2sf)  }
0x19e: {  	s8 =	smulhi.u32 $0x66666667, s28;
	s30 =	sshra.s32 s28, $0x1F;
	s26 =	spop (v2sf)  }
0x19f: {  	s20 =	sadd.s32 s2, s21;
	s2 =	smul.u32 $0x66666667, s30;
	s12 =	spop (v2sf)  }
0x1a0: {  	s25 =	smulhi.u32 $0x66666667, s29;
	s6 =	sshra.s32 s29, $0x1F;
	s28 =	spop (v2sf)  }
0x1a1: {  	s21 =	sadd.s32 s4, s31;
	s31 =	smul.u32 $0x66666667, s6;
	s29 =	spop (v2sf)  }
0x1a2: {  	s7 =	sshrl.u32 s17, $0x1F;
	s30 =	smulhi.u32 $0x66666667, s29;
	s6 =	sshra.s32 s29, $0x1F  }
0x1a3: {  	s0 =	sadd.s32 s0, s22;
	s1 =	sadd.s32 s1, s9;
	s6 =	smul.u32 $0x66666667, s6  }
0x1a4: {  	v38 =	vmov s3;
	s9 =	sshrl.u32 s23, $0x1F;
	s2 =	sadd.s32 s2, s8;
	s8 =	sshrl.u32 s20, $0x1F  }
0x1a5: {  	v5 =	vsel vm0, s24, v38;
	s3 =	sshrl.u32 s1, $0x1F;
	s4 =	sadd.s32 s31, s25;
	s22 =	sadd.s32 s6, s30  }
0x1a6: {  	v5 =	vsel vm1, s5, v5;
	s25 =	sshrl.u32 s21, $0x1F;
	s24 =	sshra.s32 s28, $0x1F;
	s31 =	sshra.s32 s22, $0x1F  }
0x1a7: {  	v5 =	vsel vm2, s7, v5;
	s7 =	smul.u32 $0x66666667, s24;
	s30 =	sshrl.u32 s0, $0x1F;
	v37 =	vmov s31;
	s31 =	sshra.s32 s0, $0x9  }
0x1a8: {  	s6 =	smulhi.u32 $0x66666667, s26;
	s26 =	sshra.s32 s26, $0x1F;
	v39 =	vmov s30;
	s0 =	sshra.s32 s0, $0x1F;
	v4 =	vsel vm3, s31, v37  }
0x1a9: {  	s29 =	sshrl.u32 s19, $0x1F;
	s26 =	smul.u32 $0x66666667, s26;
	s30 =	sshra.s32 s1, $0x9;
	v6 =	vnsel vm3, $0x0, v39;
	v4 =	vsel vm9, s0, v4  }
0x1aa: {  	s1 =	sshra.s32 s1, $0x1F;
	s31 =	sshrl.u32 s2, $0x1F;
	v6 =	vsel vm0, s3, v6;
	s3 =	smulhi.u32 $0x66666667, s28;
	v4 =	vsel vm0, s30, v4  }
0x1ab: {  	v40 =	vmov s9;
	s28 =	sshra.s32 s2, $0x9;
	s0 =	smulhi.u32 $0x66666667, s12;
	s12 =	sshra.s32 s12, $0x1F;
	v4 =	vsel vm10, s1, v4  }
0x1ac: {  	s5 =	sshrl.u32 s4, $0x1F;
	v7 =	vsel vm0, s29, v40;
	v6 =	vsel vm1, s31, v6;
	s12 =	smul.u32 $0x66666667, s12;
	s30 =	sshra.s32 s2, $0x1F;
	v4 =	vsel vm1, s28, v4  }
0x1ad: {  	v7 =	vsel vm1, s8, v7;
	s6 =	sadd.s32 s26, s6;
	s26 =	sshra.s32 s18, $0x9;
	v6 =	vsel vm2, s5, v6;
	s5 =	sshra.s32 s4, $0x9;
	v4 =	vsel vm11, s30, v4  }
0x1ae: {  	v7 =	vsel vm2, s25, v7;
	s31 =	sshrl.u32 s6, $0x1F;
	s0 =	sadd.s32 s12, s0;
	s12 =	sshra.s32 s4, $0x1F;
	v4 =	vsel vm2, s5, v4  }
0x1af: {  	v5 =	vcombine.low v7, v5;
	s25 =	sshra.s32 s6, $0x9;
	s29 =	sshra.s32 s6, $0x1F;
	v41 =	vmov s26;
	s28 =	sshra.s32 s23, $0x9;
	v4 =	vsel vm12, s12, v4  }
0x1b0: {  	s3 =	sadd.s32 s7, s3;
	v6 =	vsel vm4, s31, v6;
	s9 =	sshrl.u32 s0, $0x1F;
	s30 =	sshra.s32 s15, $0x9;
	v42 =	vmov s28;
	v4 =	vsel vm4, s25, v4  }
0x1b1: {  	s24 =	sshrl.u32 s3, $0x1F;
	s31 =	sshra.s32 s19, $0x9;
	s4 =	sshra.s32 s0, $0x9;
	v6 =	vsel vm5, s9, v6;
	v7 =	vsel vm0, s30, v41;
	v4 =	vsel vm13, s29, v4  }
0x1b2: {  	s6 =	sshra.s32 s16, $0x9;
	s7 =	sshra.s32 s20, $0x9;
	s0 =	sshra.s32 s0, $0x1F;
	v8 =	vsel vm0, s31, v42;
	v6 =	vsel vm6, s24, v6;
	v4 =	vsel vm5, s4, v4  }
0x1b3: {  	s8 =	sshra.s32 s17, $0x9;
	s9 =	sshra.s32 s21, $0x9;
	v7 =	vsel vm1, s6, v7;
	v8 =	vsel vm1, s7, v8;
	s12 =	sshra.s32 s3, $0x9;
	v4 =	vsel vm14, s0, v4  }
0x1b4: {  	s16 =	sshra.s32 s3, $0x1F;
	s15 =	sshrl.u32 s22, $0x1F;
	v7 =	vsel vm2, s8, v7;
	v8 =	vsel vm2, s9, v8;
	v4 =	vsel vm6, s12, v4  }
0x1b5: {  	s17 =	sshra.s32 s22, $0x9;
	v6 =	vsel vm7, s15, v6;
	v7 =	vcombine.low v8, v7;
	v4 =	vsel vm15, s16, v4  }
0x1b6: {  	v5 =	vperm.xlane v5, v1;
	v6 =	vperm.xlane v6, v2;
	v4 =	vsel vm7, s17, v4  }
0x1b7: {  	v7 =	vperm.xlane v7, v1;
	v4 =	vperm.xlane v4, v2  }
0x1b8: {  	v43 =	vld [tilespmem:s14+$0x2850]  }
0x1b9: {  	v5 =	vsel vm8, v6, v5;
	v4 =	vsel vm8, v4, v7  }
0x1ba: {  	v4 =	vadd.s32 v5, v4  }
0x1bb: {  	v4 =	vmul.u32 $0x500, v4;
	_ =	sdelay $0x1  }
0x1bc: {  	v3 =	vsub.s32 v3, v4  }
0x1bd: {  	v44 =	vand.u32 $0xFFFFFFF8, v3  }
0x1be: {  	v3 =	vand.u32 $0x7, v3;
	v4 =	vadd.s32 v44, v4  }
0x1bf: {  	v45 =	vld.idx.msk [tilespmem:v43+s10+$0x0], $0xffff;
	v3 =	vor.u32 v3, v4;
	_ =	sdelay $0x4  }
0x1c0: {  	[tilespmem:v3+s11+$0x0] =	vst.idx.add.f32.msk $0xffff, v45  }
0x1c1: {  	v3 =	vld [tilespmem:s14+$0x60];
	_ =	sdelay $0x4  }
0x1c2: {  	(v2sf) =	vpush v3, $0xD;
	_ =	sdelay $0x1  }
0x1c3: {  	(v2sf) =	vpush v3, $0xC;
	_ =	sdelay $0x1  }
0x1c4: {  	(v2sf) =	vpush v3, $0xE;
	_ =	sdelay $0x1  }
0x1c5: {  	(v2sf) =	vpush v3, $0xF;
	_ =	sdelay $0x1  }
0x1c6: {  	(v2sf) =	vpush v3, $0x9;
	_ =	sdelay $0x1  }
0x1c7: {  	(v2sf) =	vpush v3, $0x8;
	_ =	sdelay $0x1  }
0x1c8: {  	(v2sf) =	vpush v3, $0xA;
	_ =	sdelay $0x1  }
0x1c9: {  	(v2sf) =	vpush v3, $0xB  }
0x1ca: {  	s18 =	spop (v2sf)  }
0x1cb: {  	(v2sf) =	vpush v3, $0x0;
	s19 =	smulhi.u32 $0x66666667, s18;
	s0 =	sshra.s32 s18, $0x1F  }
0x1cc: {  	s20 =	spop (v2sf);
	s0 =	smul.u32 $0x66666667, s0  }
0x1cd: {  	(v2sf) =	vpush v3, $0x1;
	s21 =	smulhi.u32 $0x66666667, s20;
	s2 =	sshra.s32 s20, $0x1F  }
0x1ce: {  	(v2sf) =	vpush v3, $0x2;
	s22 =	spop (v2sf);
	s2 =	smul.u32 $0x66666667, s2  }
0x1cf: {  	(v2sf) =	vpush v3, $0x3;
	s23 =	smulhi.u32 $0x66666667, s22;
	s4 =	sshra.s32 s22, $0x1F  }
0x1d0: {  	(v2sf) =	vpush v3, $0x4;
	s24 =	spop (v2sf);
	s4 =	smul.u32 $0x66666667, s4  }
0x1d1: {  	(v2sf) =	vpush v3, $0x5;
	s25 =	smulhi.u32 $0x66666667, s24;
	s6 =	sshra.s32 s24, $0x1F  }
0x1d2: {  	s26 =	spop (v2sf);
	(v2sf) =	vpush v3, $0x6;
	s6 =	smul.u32 $0x66666667, s6  }
0x1d3: {  	s28 =	smulhi.u32 $0x66666667, s26;
	s8 =	sshra.s32 s26, $0x1F;
	(v2sf) =	vpush v3, $0x7  }
0x1d4: {  	s29 =	smul.u32 $0x66666667, s8;
	s8 =	spop (v2sf)  }
0x1d5: {  	s15 =	sadd.s32 s0, s19;
	s12 =	smulhi.u32 $0x66666667, s8;
	s1 =	sshra.s32 s8, $0x1F  }
0x1d6: {  	s24 =	sshrl.u32 s15, $0x1F;
	s20 =	spop (v2sf);
	s1 =	smul.u32 $0x66666667, s1  }
0x1d7: {  	s18 =	sadd.s32 s2, s21;
	s21 =	smulhi.u32 $0x66666667, s20;
	s2 =	sshra.s32 s20, $0x1F  }
0x1d8: {  	s3 =	sshrl.u32 s18, $0x1F;
	s30 =	spop (v2sf);
	s2 =	smul.u32 $0x66666667, s2  }
0x1d9: {  	s16 =	sadd.s32 s4, s23;
	s31 =	smulhi.u32 $0x66666667, s30;
	s4 =	sshra.s32 s30, $0x1F  }
0x1da: {  	s17 =	sadd.s32 s6, s25;
	s25 =	spop (v2sf);
	s4 =	smul.u32 $0x66666667, s4  }
0x1db: {  	s18 =	sshra.s32 s18, $0x9;
	s22 =	smulhi.u32 $0x66666667, s25;
	s6 =	sshra.s32 s25, $0x1F  }
0x1dc: {  	s19 =	sadd.s32 s29, s28;
	s26 =	spop (v2sf);
	s0 =	smul.u32 $0x66666667, s6  }
0x1dd: {  	s9 =	smulhi.u32 $0x66666667, s26;
	s6 =	sshra.s32 s26, $0x1F;
	s28 =	spop (v2sf)  }
0x1de: {  	s23 =	sadd.s32 s1, s12;
	s1 =	smul.u32 $0x66666667, s6;
	s29 =	spop (v2sf)  }
0x1df: {  	s8 =	smulhi.u32 $0x66666667, s28;
	s30 =	sshra.s32 s28, $0x1F;
	s26 =	spop (v2sf)  }
0x1e0: {  	s20 =	sadd.s32 s2, s21;
	s2 =	smul.u32 $0x66666667, s30;
	s12 =	spop (v2sf)  }
0x1e1: {  	s25 =	smulhi.u32 $0x66666667, s29;
	s6 =	sshra.s32 s29, $0x1F;
	s28 =	spop (v2sf)  }
0x1e2: {  	s21 =	sadd.s32 s4, s31;
	s31 =	smul.u32 $0x66666667, s6;
	s29 =	spop (v2sf)  }
0x1e3: {  	s5 =	sshrl.u32 s16, $0x1F;
	s30 =	smulhi.u32 $0x66666667, s29;
	s6 =	sshra.s32 s29, $0x1F  }
0x1e4: {  	s7 =	sshrl.u32 s17, $0x1F;
	s1 =	sadd.s32 s1, s9;
	s6 =	smul.u32 $0x66666667, s6  }
0x1e5: {  	v47 =	vmov s3;
	s0 =	sadd.s32 s0, s22;
	s9 =	sshrl.u32 s23, $0x1F;
	s3 =	sshrl.u32 s1, $0x1F  }
0x1e6: {  	s2 =	sadd.s32 s2, s8;
	s8 =	sshrl.u32 s20, $0x1F;
	s22 =	sadd.s32 s6, s30  }
0x1e7: {  	s4 =	sadd.s32 s31, s25;
	s25 =	sshrl.u32 s21, $0x1F;
	s31 =	sshra.s32 s22, $0x1F  }
0x1e8: {  	v5 =	vsel vm0, s24, v47;
	s24 =	sshra.s32 s2, $0x9;
	s30 =	sshrl.u32 s0, $0x1F;
	v46 =	vmov s31;
	s31 =	sshra.s32 s0, $0x9  }
0x1e9: {  	v5 =	vsel vm1, s5, v5;
	s6 =	smulhi.u32 $0x66666667, s26;
	s26 =	sshra.s32 s26, $0x1F;
	v48 =	vmov s30;
	s0 =	sshra.s32 s0, $0x1F;
	v4 =	vsel vm3, s31, v46  }
0x1ea: {  	v49 =	vmov s9;
	s29 =	sshrl.u32 s19, $0x1F;
	s26 =	smul.u32 $0x66666667, s26;
	s30 =	sshra.s32 s1, $0x9;
	v6 =	vnsel vm3, $0x0, v48;
	v4 =	vsel vm9, s0, v4  }
0x1eb: {  	s5 =	sshrl.u32 s4, $0x1F;
	v7 =	vsel vm0, s29, v49;
	s1 =	sshra.s32 s1, $0x1F;
	v6 =	vsel vm0, s3, v6;
	s3 =	smulhi.u32 $0x66666667, s28;
	v4 =	vsel vm0, s30, v4  }
0x1ec: {  	v7 =	vsel vm1, s8, v7;
	s8 =	sshra.s32 s4, $0x1F;
	s31 =	sshrl.u32 s2, $0x1F;
	s0 =	smulhi.u32 $0x66666667, s12;
	v4 =	vsel vm10, s1, v4  }
0x1ed: {  	s12 =	sshra.s32 s12, $0x1F;
	s30 =	sshra.s32 s28, $0x1F;
	s28 =	sshra.s32 s2, $0x1F;
	v4 =	vsel vm1, s24, v4  }
0x1ee: {  	v50 =	vmov s18;
	s6 =	sadd.s32 s26, s6;
	v6 =	vsel vm1, s31, v6;
	s31 =	sshra.s32 s4, $0x9;
	s12 =	smul.u32 $0x66666667, s12;
	v4 =	vsel vm11, s28, v4  }
0x1ef: {  	v5 =	vsel vm2, s7, v5;
	v7 =	vsel vm2, s25, v7;
	s26 =	sshra.s32 s15, $0x9;
	s25 =	sshra.s32 s6, $0x1F;
	s7 =	smul.u32 $0x66666667, s30;
	v4 =	vsel vm2, s31, v4  }
0x1f0: {  	v5 =	vcombine.low v7, v5;
	v6 =	vsel vm2, s5, v6;
	s30 =	sshrl.u32 s6, $0x1F;
	s0 =	sadd.s32 s12, s0;
	s12 =	sshra.s32 s6, $0x9;
	v4 =	vsel vm12, s8, v4  }
0x1f1: {  	v7 =	vsel vm0, s26, v50;
	s4 =	sshra.s32 s17, $0x9;
	v6 =	vsel vm4, s30, v6;
	s24 =	sshra.s32 s23, $0x9;
	s30 =	sshra.s32 s16, $0x9;
	v4 =	vsel vm4, s12, v4  }
0x1f2: {  	s5 =	sshrl.u32 s0, $0x1F;
	s28 =	sshra.s32 s19, $0x9;
	v51 =	vmov s24;
	s29 =	sshra.s32 s0, $0x9;
	v7 =	vsel vm1, s30, v7;
	v4 =	vsel vm13, s25, v4  }
0x1f3: {  	s3 =	sadd.s32 s7, s3;
	s0 =	sshra.s32 s0, $0x1F;
	v6 =	vsel vm5, s5, v6;
	v8 =	vsel vm0, s28, v51;
	s31 =	sshra.s32 s20, $0x9;
	v4 =	vsel vm5, s29, v4  }
0x1f4: {  	s9 =	sshrl.u32 s3, $0x1F;
	s5 =	sshra.s32 s21, $0x9;
	s6 =	sshra.s32 s3, $0x9;
	v7 =	vsel vm2, s4, v7;
	v8 =	vsel vm1, s31, v8;
	v4 =	vsel vm14, s0, v4  }
0x1f5: {  	s7 =	sshrl.u32 s22, $0x1F;
	v6 =	vsel vm6, s9, v6;
	s8 =	sshra.s32 s3, $0x1F;
	v8 =	vsel vm2, s5, v8;
	v4 =	vsel vm6, s6, v4  }
0x1f6: {  	s9 =	sshra.s32 s22, $0x9;
	v6 =	vsel vm7, s7, v6;
	v7 =	vcombine.low v8, v7;
	v4 =	vsel vm15, s8, v4  }
0x1f7: {  	v5 =	vperm.xlane v5, v1;
	v6 =	vperm.xlane v6, v2;
	v4 =	vsel vm7, s9, v4  }
0x1f8: {  	v7 =	vperm.xlane v7, v1;
	v4 =	vperm.xlane v4, v2  }
0x1f9: {  	v52 =	vld [tilespmem:s14+$0x2860]  }
0x1fa: {  	v5 =	vsel vm8, v6, v5;
	v4 =	vsel vm8, v4, v7  }
0x1fb: {  	v4 =	vadd.s32 v5, v4  }
0x1fc: {  	v4 =	vmul.u32 $0x500, v4;
	_ =	sdelay $0x1  }
0x1fd: {  	v3 =	vsub.s32 v3, v4  }
0x1fe: {  	v53 =	vand.u32 $0xFFFFFFF8, v3  }
0x1ff: {  	v3 =	vand.u32 $0x7, v3;
	v4 =	vadd.s32 v53, v4  }
0x200: {  	v54 =	vld.idx.msk [tilespmem:v52+s10+$0x0], $0xffff;
	v3 =	vor.u32 v3, v4;
	_ =	sdelay $0x4  }
0x201: {  	[tilespmem:v3+s11+$0x0] =	vst.idx.add.f32.msk $0xffff, v54  }
0x202: {  	v3 =	vld [tilespmem:s14+$0x70];
	_ =	sdelay $0x4  }
0x203: {  	(v2sf) =	vpush v3, $0xD;
	_ =	sdelay $0x1  }
0x204: {  	(v2sf) =	vpush v3, $0xC;
	_ =	sdelay $0x1  }
0x205: {  	(v2sf) =	vpush v3, $0xE;
	_ =	sdelay $0x1  }
0x206: {  	(v2sf) =	vpush v3, $0xF;
	_ =	sdelay $0x1  }
0x207: {  	(v2sf) =	vpush v3, $0x9;
	_ =	sdelay $0x1  }
0x208: {  	(v2sf) =	vpush v3, $0x8;
	_ =	sdelay $0x1  }
0x209: {  	(v2sf) =	vpush v3, $0xA;
	_ =	sdelay $0x1  }
0x20a: {  	(v2sf) =	vpush v3, $0xB  }
0x20b: {  	(v2sf) =	vpush v3, $0x0;
	s12 =	spop (v2sf)  }
0x20c: {  	(v2sf) =	vpush v3, $0x1;
	s1 =	smulhi.u32 $0x66666667, s12;
	s0 =	sshra.s32 s12, $0x1F  }
0x20d: {  	s15 =	spop (v2sf);
	s0 =	smul.u32 $0x66666667, s0  }
0x20e: {  	(v2sf) =	vpush v3, $0x2;
	s3 =	smulhi.u32 $0x66666667, s15;
	s2 =	sshra.s32 s15, $0x1F  }
0x20f: {  	s16 =	spop (v2sf);
	s2 =	smul.u32 $0x66666667, s2  }
0x210: {  	(v2sf) =	vpush v3, $0x3;
	s6 =	smulhi.u32 $0x66666667, s16;
	s4 =	sshra.s32 s16, $0x1F  }
0x211: {  	s17 =	spop (v2sf);
	s4 =	smul.u32 $0x66666667, s4  }
0x212: {  	(v2sf) =	vpush v3, $0x4;
	s9 =	smulhi.u32 $0x66666667, s17;
	s5 =	sshra.s32 s17, $0x1F  }
0x213: {  	(v2sf) =	vpush v3, $0x5;
	s18 =	spop (v2sf);
	s5 =	smul.u32 $0x66666667, s5  }
0x214: {  	(v2sf) =	vpush v3, $0x6;
	s19 =	smulhi.u32 $0x66666667, s18;
	s7 =	sshra.s32 s18, $0x1F  }
0x215: {  	(v2sf) =	vpush v3, $0x7;
	s20 =	spop (v2sf);
	s7 =	smul.u32 $0x66666667, s7  }
0x216: {  	s21 =	smulhi.u32 $0x66666667, s20;
	s8 =	sshra.s32 s20, $0x1F  }
0x217: {  	s22 =	spop (v2sf);
	s8 =	smul.u32 $0x66666667, s8  }
0x218: {  	s16 =	sadd.s32 s0, s1;
	s26 =	smulhi.u32 $0x66666667, s22;
	s12 =	sshra.s32 s22, $0x1F  }
0x219: {  	s18 =	sadd.s32 s2, s3;
	s24 =	spop (v2sf);
	s12 =	smul.u32 $0x66666667, s12  }
0x21a: {  	s31 =	spop (v2sf);
	s30 =	smulhi.u32 $0x66666667, s24;
	s15 =	sshra.s32 s24, $0x1F  }
0x21b: {  	s3 =	sshrl.u32 s16, $0x1F;
	s10 =	spop (v2sf);
	s0 =	smul.u32 $0x66666667, s15  }
0x21c: {  	s1 =	smulhi.u32 $0x66666667, s31;
	s17 =	sshra.s32 s31, $0x1F;
	s31 =	sshrl.u32 s18, $0x1F  }
0x21d: {  	s15 =	sadd.s32 s5, s9;
	s23 =	spop (v2sf);
	s2 =	smul.u32 $0x66666667, s17  }
0x21e: {  	s17 =	sadd.s32 s4, s6;
	s4 =	smulhi.u32 $0x66666667, s10;
	s22 =	sshra.s32 s10, $0x1F  }
0x21f: {  	s9 =	sshrl.u32 s15, $0x1F;
	s25 =	spop (v2sf);
	s5 =	smul.u32 $0x66666667, s22  }
0x220: {  	s10 =	sshrl.u32 s17, $0x1F;
	s22 =	sadd.s32 s7, s19;
	s6 =	smulhi.u32 $0x66666667, s23  }
0x221: {  	s20 =	sshra.s32 s23, $0x1F;
	s23 =	sadd.s32 s8, s21;
	s28 =	spop (v2sf)  }
0x222: {  	s7 =	smul.u32 $0x66666667, s20;
	s20 =	sadd.s32 s12, s26;
	s29 =	spop (v2sf)  }
0x223: {  	s8 =	smulhi.u32 $0x66666667, s25;
	s26 =	sshra.s32 s25, $0x1F;
	s24 =	spop (v2sf)  }
0x224: {  	s19 =	sadd.s32 s0, s30;
	s0 =	smul.u32 $0x66666667, s26;
	s30 =	spop (v2sf)  }
0x225: {  	s1 =	sadd.s32 s2, s1;
	s2 =	smulhi.u32 $0x66666667, s30;
	s12 =	sshra.s32 s30, $0x1F  }
0x226: {  	s25 =	sshrl.u32 s22, $0x1F;
	s4 =	sadd.s32 s5, s4;
	s21 =	smul.u32 $0x66666667, s12  }
0x227: {  	s6 =	sadd.s32 s7, s6;
	s7 =	smulhi.u32 $0x66666667, s28;
	s30 =	sshra.s32 s28, $0x1F  }
0x228: {  	v56 =	vmov s31;
	s26 =	sshrl.u32 s23, $0x1F;
	s12 =	smul.u32 $0x66666667, s30;
	s21 =	sadd.s32 s21, s2  }
0x229: {  	v5 =	vsel vm0, s3, v56;
	s3 =	smulhi.u32 $0x66666667, s29;
	s31 =	sshra.s32 s4, $0x9;
	s5 =	sshra.s32 s21, $0x1F  }
0x22a: {  	s0 =	sadd.s32 s0, s8;
	s7 =	sadd.s32 s12, s7;
	s12 =	sshra.s32 s1, $0x9;
	v55 =	vmov s5  }
0x22b: {  	s28 =	sshrl.u32 s1, $0x1F;
	s30 =	sshra.s32 s29, $0x1F;
	s1 =	sshra.s32 s1, $0x1F;
	v4 =	vsel vm3, s12, v55  }
0x22c: {  	s8 =	sshrl.u32 s19, $0x1F;
	v57 =	vmov s28;
	s28 =	sshrl.u32 s6, $0x1F;
	s29 =	smul.u32 $0x66666667, s30;
	v4 =	vsel vm9, s1, v4  }
0x22d: {  	v5 =	vsel vm1, s10, v5;
	v58 =	vmov s26;
	s30 =	sshra.s32 s24, $0x1F;
	s5 =	sshrl.u32 s4, $0x1F;
	s4 =	sshra.s32 s4, $0x1F;
	v4 =	vsel vm0, s31, v4  }
0x22e: {  	v7 =	vsel vm0, s25, v58;
	v6 =	vnsel vm3, $0x0, v57;
	s2 =	sshrl.u32 s20, $0x1F;
	s26 =	sadd.s32 s29, s3;
	s31 =	sshra.s32 s6, $0x9;
	v4 =	vsel vm10, s4, v4  }
0x22f: {  	s29 =	sshra.s32 s0, $0x9;
	v7 =	vsel vm1, s2, v7;
	v6 =	vsel vm0, s5, v6;
	s5 =	smulhi.u32 $0x66666667, s24;
	s6 =	sshra.s32 s6, $0x1F;
	v4 =	vsel vm1, s31, v4  }
0x230: {  	v7 =	vsel vm2, s8, v7;
	s8 =	sshra.s32 s23, $0x9;
	s12 =	sshrl.u32 s0, $0x1F;
	s24 =	smul.u32 $0x66666667, s30;
	v6 =	vsel vm1, s28, v6;
	v4 =	vsel vm11, s6, v4  }
0x231: {  	v5 =	vsel vm2, s9, v5;
	s0 =	sshra.s32 s0, $0x1F;
	s28 =	sshrl.u32 s7, $0x1F;
	v6 =	vsel vm2, s12, v6;
	s12 =	sshra.s32 s16, $0x9;
	v4 =	vsel vm2, s29, v4  }
0x232: {  	v5 =	vcombine.low v7, v5;
	v60 =	vmov s8;
	s16 =	sshra.s32 s22, $0x9;
	s31 =	sadd.s32 s24, s5;
	s5 =	sshra.s32 s7, $0x9;
	v4 =	vsel vm12, s0, v4  }
0x233: {  	s9 =	sshra.s32 s7, $0x1F;
	s30 =	sshrl.u32 s26, $0x1F;
	v6 =	vsel vm4, s28, v6;
	v8 =	vsel vm0, s16, v60;
	s6 =	sshra.s32 s18, $0x9;
	v4 =	vsel vm4, s5, v4  }
0x234: {  	s23 =	sshra.s32 s20, $0x9;
	v6 =	vsel vm5, s30, v6;
	s18 =	sshra.s32 s26, $0x9;
	v59 =	vmov s6;
	v4 =	vsel vm13, s9, v4  }
0x235: {  	s22 =	sshra.s32 s17, $0x9;
	s24 =	sshra.s32 s26, $0x1F;
	v8 =	vsel vm1, s23, v8;
	s4 =	sshrl.u32 s31, $0x1F;
	v7 =	vsel vm0, s12, v59;
	v4 =	vsel vm5, s18, v4  }
0x236: {  	s25 =	sshra.s32 s15, $0x9;
	s26 =	sshra.s32 s19, $0x9;
	s28 =	sshra.s32 s31, $0x9;
	v6 =	vsel vm6, s4, v6;
	v7 =	vsel vm1, s22, v7;
	v4 =	vsel vm14, s24, v4  }
0x237: {  	s30 =	sshra.s32 s31, $0x1F;
	s29 =	sshrl.u32 s21, $0x1F;
	v8 =	vsel vm2, s26, v8;
	v7 =	vsel vm2, s25, v7;
	v4 =	vsel vm6, s28, v4  }
0x238: {  	s31 =	sshra.s32 s21, $0x9;
	v6 =	vsel vm7, s29, v6;
	v7 =	vcombine.low v8, v7;
	v4 =	vsel vm15, s30, v4  }
0x239: {  	v5 =	vperm.xlane v5, v1;
	v6 =	vperm.xlane v6, v2;
	v4 =	vsel vm7, s31, v4  }
0x23a: {  	v7 =	vperm.xlane v7, v1;
	v4 =	vperm.xlane v4, v2  }
0x23b: {  	v61 =	vld [tilespmem:s14+$0x2870]  }
0x23c: {  	v5 =	vsel vm8, v6, v5;
	v4 =	vsel vm8, v4, v7  }
0x23d: {  	v4 =	vadd.s32 v5, v4  }
0x23e: {  	v4 =	vmul.u32 $0x500, v4;
	_ =	sdelay $0x1  }
0x23f: {  	v3 =	vsub.s32 v3, v4  }
0x240: {  	v62 =	vand.u32 $0xFFFFFFF8, v3  }
0x241: {  	s10 =	simm.s32 $0x5000;
	v3 =	vand.u32 $0x7, v3;
	v4 =	vadd.s32 v62, v4  }
0x242: {  	p0 =	sne.s32 s13, $0x9E00;
	v63 =	vld.idx.msk [tilespmem:v61+s10+$0x0], $0xffff;
	v3 =	vor.u32 v3, v4  }
.Ltmp1:
0x243: {  	_ = 	snop;
	(pc) =	sbr.rel @p0 .LBB2_4-.Ltmp1, $2  }
0x244: {  	_ =	sdelay $0x2  }
0x245: {  	s13 =	sadd.s32 $0x200, s13;
	[tilespmem:v3+s11+$0x0] =	vst.idx.add.f32.msk $0xffff, v63  }
0x246: {  	s1 =	simm.s32 $0x0;
	s0 =	rddreg [dreg:$0x5];
	s2 =	simm.s32 $0x1  }
0x247: {  	[hbm4b:s0+s1] =	stream.linear.scatter [tilespmem:s11], [sflag:$0x1], $0x2800, $0x38;
	[tilespmem:$0xA000] =	vst v63  }
0x248: {  	_ =	swait.ge [sflag:s2], $0x2800  }
0x249: {  	s3 =	rddreg [dreg:$0x7]  }
0x24a: {  	s31 =	rddreg [dreg:$0x6];
	s3 =	sadd.s32 $0x1, s3  }
0x24b: {  	p0 =	sne.s32 s3, s31  }
.Ltmp2:
0x24c: {  	_ = 	snop;
	(pc) =	sbr.rel @p0 .LBB2_1-.Ltmp2, $3  }
0x24d: {  	_ =	sdelay $0x1  }
0x24e: {  	[sflag:s2] =	ssyncset.done $0x0  }
0x24f: {  	[sflag:s2] =	ssyncadd.s32 $0xFFFFD800  }
0x250: {  	_ =	sfence.sel $0x180000  }
0x251: {  	[bflag:$0x0] =	sbarrier.arrive $0xFFFF  }
0x252: {  	_ =	strace $0x9000004A  }
0x253: {  	s0 =	stileid.u32;
	[bflag:$0x2] =	sbarrier.arrive $0xFFFF  }
0x254: {  	p0 =	sne.s32 s0, $0x0;
	s0 =	rddreg [dreg:$0x1]  }
0x255: {  	s0 =	sadd.s32 @!p0 $0x100000, s0  }
0x256: {  	[sflag:s0] =	ssyncadd.tile.s32 @!p0 $0x1;
	_ =	shalt  }
.Lfunc_end2:
_tile_overlayer_lowered:
.L_overlay_start_2:
0x257: {  	(tag) =	ssettag $0x2  }
0x258: {  	s0 =	rddreg [dreg:$0x0];
	s2 =	stileid.u32  }
0x259: {  	s1 =	rddreg [dreg:$0x1];
	p0 =	sne.s32 s2, $0x0  }
0x25a: {  	s3 =	rddreg [dreg:$0x2];
	[bflag:$0x3] =	sbarrier.arrive $0xFFFF;
	s2 =	simm.s32 @!p0 $0x1C01  }
0x25b: {  	[timem:s3], [sflag:s2] =	dma.local @!p0 [hbm:s0], s1  }
0x25c: {  	s0 =	simm.s32 @!p0 $0x1  }
0x25d: {  	_ =	swait.ge @!p0 [sflag:s0], s1  }
0x25e: {  	s1 =	ssub.s32 @!p0 $0x0, s1;
	[sflag:s0] =	ssyncset.done @!p0 $0x0  }
0x25f: {  	[sflag:s0] =	ssyncadd.s32 @!p0 s1  }
0x260: {  	[bflag:$0x3] =	sbarrier.arrive $0xFFFF  }
0x261: {  	_ =	shalt  }

// kernel: kernel.7.cloned.1.call-start
scs
__scs_entry_jumppad:
0x0: {  	(pc) =	sbr.rel $0x88, $3  }
0x1: {  	(tag) =	ssettag $0x0;
	lr =	simm.s32 $0x1  }
0x2: {  	[smem:$0x3F99] =	sst lr;
	_ =	strace $0xD0000000  }
0x3: {  	_ = 	snop  }
0x4: {  	_ = 	snop  }
0x5: {  	_ = 	snop  }
0x6: {  	_ = 	snop  }
0x7: {  	_ = 	snop  }
__scs_overlays_trampoline_lowered:
0x8: {  	[smem:$0x3FA8] =	sst s0  }
0x9: {  	[smem:$0x3FA9] =	sst s1  }
0xa: {  	[smem:$0x3FAA] =	sst s2  }
0xb: {  	[smem:$0x3FAB] =	sst s3  }
0xc: {  	[smem:$0x3FAC] =	sst s4  }
0xd: {  	[smem:$0x3FAD] =	sst s5  }
0xe: {  	[smem:$0x3FAE] =	sst s6  }
0xf: {  	[smem:$0x3FAF] =	sst s7  }
0x10: {  	[smem:$0x3FB0] =	sst s8  }
0x11: {  	[smem:$0x3FB1] =	sst s9;
	s0 =	simm.s32 @!p0 $0x0  }
0x12: {  	s1 =	sld [smem:$0x3F97];
	s0 =	simm.s32 @p0 $0x1  }
0x13: {  	[smem:$0x3FB2] =	sst s0;
	s0 =	simm.s32 @!p1 $0x0  }
0x14: {  	s2 =	sld [smem:$0x3F96];
	s0 =	simm.s32 @p1 $0x1  }
0x15: {  	[smem:$0x3FB3] =	sst s0;
	s0 =	simm.s32 @!p2 $0x0  }
0x16: {  	s3 =	sld [smem:$0x3FDB];
	s0 =	simm.s32 @p2 $0x1  }
0x17: {  	s4 =	simm.s32 $0x1BF5;
	[smem:$0x3FB5] =	sst s0  }
0x18: {  	s0 =	sld [smem:$0x3F98];
	_ =	swait.ge [sflag:s4], $0x0  }
0x19: {  	s7 =	sld [smem:$0x3F99]  }
0x1a: {  	s8 =	sadd.s32 $0xFFFFE003, lr  }
0x1b: {  	s9 =	sadd.s32 $0xFFFFFEF7, lr;
	s5 =	simm.s32 $0xFFFFFFFF;
	p2 =	slt.u32 s8, $0xFFFFF086  }
0x1c: {  	p1 =	slt.u32 s9, $0xF7A;
	s5 =	simm.s32 @!p2 $0x0  }
0x1d: {  	s5 =	simm.s32 @p1 $0x1;
	p0 =	seq.s32 s7, s2  }
0x1e: {  	s7 =	smul.u32 @!p0 $0xF7A, s2;
	p2 =	seq.s32 @!p0 s5, $0x0  }
0x1f: {  	s9 =	smul.u32 $0xF7A, s1;
	s8 =	simm.s32 @!p0 $0x1BF5;
	p2 =	por !p2, p0  }
0x20: {  	[sflag:s8] =	ssyncset.s32 @!p0 $0xFFFFF086;
	s6 =	sadd.s32 @!p0 s3, s7;
	s7 =	simm.s32 @!p0 $0x108  }
0x21: {  	s3 =	sadd.s32 s3, s9;
	s6 =	sadd.s32 @!p0 $0x88, s6;
	s7 =	simm.s32 @p2 $0x1082  }
0x22: {  	[simem:s7], [sflag:s8] =	dma.local @!p0 [hbm:s6], $0xF7A  }
0x23: {  	s9 =	sor.u32 $0xD0000000, s2;
	s6 =	simm.s32 $0x108;
	_ =	swait.ge @!p0 [sflag:s8], $0x0  }
0x24: {  	s3 =	sadd.s32 $0x88, s3;
	s6 =	simm.s32 @!p1 $0x1082;
	[sflag:s4] =	ssyncset.s32 $0xFFFFF086  }
0x25: {  	[simem:s6], [sflag:s4] =	dma.local [hbm:s3], $0xF7A  }
0x26: {  	[smem:$0x3F99] =	sst s1;
	(tag) =	ssettag s2;
	_ =	strace s9  }
0x27: {  	s1 =	sld [smem:$0x3FA9]  }
0x28: {  	s2 =	sld [smem:$0x3FAA]  }
0x29: {  	s4 =	sld [smem:$0x3FAC]  }
0x2a: {  	p0 =	seq.s32 s5, $0x0;
	s5 =	sld [smem:$0x3FAD]  }
0x2b: {  	s6 =	sld [smem:$0x3FAE]  }
0x2c: {  	s7 =	sld [smem:$0x3FAF]  }
0x2d: {  	s3 =	simm.s32 $0x108;
	s8 =	sld [smem:$0x3FB0]  }
0x2e: {  	s3 =	simm.s32 @!p0 $0x1082;
	s9 =	sld [smem:$0x3FB1]  }
0x2f: {  	lr =	sadd.s32 s0, s3;
	s0 =	sld [smem:$0x3FA8]  }
0x30: {  	s3 =	sld [smem:$0x3FAB]  }
0x31: {  	[smem:$0x3FB4] =	sst s10  }
0x32: {  	s10 =	sld [smem:$0x3FB2];
	_ =	sdelay $0x3  }
0x33: {  	p0 =	seq.s32 s10, $0x1;
	s10 =	sld [smem:$0x3FB4];
	_ =	sdelay $0x3  }
0x34: {  	[smem:$0x3FB4] =	sst s10  }
0x35: {  	s10 =	sld [smem:$0x3FB3];
	_ =	sdelay $0x3  }
0x36: {  	p1 =	seq.s32 s10, $0x1;
	s10 =	sld [smem:$0x3FB4];
	_ =	sdelay $0x3  }
0x37: {  	[smem:$0x3FB4] =	sst s10  }
0x38: {  	s10 =	sld [smem:$0x3FB5]  }
0x39: {  	_ = 	snop;
	(pc) =	sbr.ind lr, $3  }
0x3a: {  	_ = 	snop  }
0x3b: {  	_ = 	snop  }
0x3c: {  	p2 =	seq.s32 s10, $0x1;
	s10 =	sld [smem:$0x3FB4]  }
0x3d: {  	_ =	shalt  }
0x3e: {  	_ =	shalt  }
0x3f: {  	_ =	shalt  }
0x40: {  	_ =	shalt  }
0x41: {  	_ =	shalt  }
0x42: {  	_ =	shalt  }
0x43: {  	_ =	shalt  }
0x44: {  	_ =	shalt  }
0x45: {  	_ =	shalt  }
0x46: {  	_ =	shalt  }
0x47: {  	_ =	shalt  }
0x48: {  	_ =	shalt  }
0x49: {  	_ =	shalt  }
0x4a: {  	_ =	shalt  }
0x4b: {  	_ =	shalt  }
0x4c: {  	_ =	shalt  }
0x4d: {  	_ =	shalt  }
0x4e: {  	_ =	shalt  }
0x4f: {  	_ =	shalt  }
0x50: {  	_ =	shalt  }
0x51: {  	_ =	shalt  }
0x52: {  	_ =	shalt  }
0x53: {  	_ =	shalt  }
0x54: {  	_ =	shalt  }
0x55: {  	_ =	shalt  }
0x56: {  	_ =	shalt  }
0x57: {  	_ =	shalt  }
0x58: {  	_ =	shalt  }
0x59: {  	_ =	shalt  }
0x5a: {  	_ =	shalt  }
0x5b: {  	_ =	shalt  }
0x5c: {  	_ =	shalt  }
0x5d: {  	_ =	shalt  }
0x5e: {  	_ =	shalt  }
0x5f: {  	_ =	shalt  }
0x60: {  	_ =	shalt  }
0x61: {  	_ =	shalt  }
0x62: {  	_ =	shalt  }
0x63: {  	_ =	shalt  }
0x64: {  	_ =	shalt  }
0x65: {  	_ =	shalt  }
0x66: {  	_ =	shalt  }
0x67: {  	_ =	shalt  }
0x68: {  	_ =	shalt  }
0x69: {  	_ =	shalt  }
0x6a: {  	_ =	shalt  }
0x6b: {  	_ =	shalt  }
0x6c: {  	_ =	shalt  }
0x6d: {  	_ =	shalt  }
0x6e: {  	_ =	shalt  }
0x6f: {  	_ =	shalt  }
0x70: {  	_ =	shalt  }
0x71: {  	_ =	shalt  }
0x72: {  	_ =	shalt  }
0x73: {  	_ =	shalt  }
0x74: {  	_ =	shalt  }
0x75: {  	_ =	shalt  }
0x76: {  	_ =	shalt  }
0x77: {  	_ =	shalt  }
0x78: {  	_ =	shalt  }
0x79: {  	_ =	shalt  }
0x7a: {  	_ =	shalt  }
0x7b: {  	_ =	shalt  }
0x7c: {  	_ =	shalt  }
0x7d: {  	_ =	shalt  }
0x7e: {  	_ =	shalt  }
0x7f: {  	_ =	shalt  }
0x80: {  	_ =	shalt  }
0x81: {  	_ =	shalt  }
0x82: {  	_ =	shalt  }
0x83: {  	_ =	shalt  }
0x84: {  	_ =	shalt  }
0x85: {  	_ =	shalt  }
0x86: {  	_ =	shalt  }
0x87: {  	_ =	shalt  }
.Lfunc_end0:
.L_simem_size_0:
called_computation_lowered:
.L_overlay_start_0:
0x88: {  	s2 =	sld [smem:$0x3FD9]  }
0x89: {  	s3 =	sld [smem:$0x3FFE];
	_ =	sdelay $0x1  }
0x8a: {  	s1 =	srdreg.scid  }
0x8b: {  	s0 =	sand.u32 $0x1, s1  }
0x8c: {  	s16 =	sshll.u32 s0, $0xA;
	s2 =	sadd.s32 s3, s2  }
0x8d: {  	s2 =	sadd.s32 s2, s16  }
0x8e: {  	[smem:$0x3FC0] =	sst s2  }
0x8f: {  	_ = 	snop  }
0x90: {  	(tm) =	ssettm $0x1  }
0x91: {  	s17 =	sld [smem:$0x3FFB];
	_ =	sdelay $0x3  }
0x92: {  	_ =	strace s17  }
0x93: {  	s2 =	sld [smem:$0x3FFC];
	_ =	sdelay $0x3  }
0x94: {  	_ =	strace s2  }
0x95: {  	s2 =	sld [smem:$0x3FFD];
	_ =	sdelay $0x3  }
0x96: {  	_ =	strace s2  }
0x97: {  	_ =	strace $0x8FFFFFFF  }
0x98: {  	s18 =	sld [smem:$0x3FDB];
	_ =	sdelay $0x1  }
0x99: {  	s19 =	simm.s32 $_scs_section_size  }
0x9a: {  	s4 =	simm.s32 $_size__tile_overlayer_lowered;
	s5 =	simm.s32 $_tile_overlayer_lowered  }
0x9b: {  	s22 =	simm.s32 $0x1BFF;
	s21 =	sshll.u32 s5, $0x1;
	s2 =	sadd.s32 s19, s18  }
0x9c: {  	s6 =	simm.s32 $0x0;
	s20 =	sshll.u32 s4, $0x1;
	s4 =	sadd.s32 s21, s2  }
0x9d: {  	[timem:s6], [sflag:s22] =	dma.local [hbm:s4], s20  }
0x9e: {  	_ =	swait.ge [sflag:s22], s20  }
0x9f: {  	s3 =	ssub.s32 $0x0, s20;
	[sflag:s22] =	ssyncset.done $0x0  }
0xa0: {  	[sflag:s22] =	ssyncadd.s32 s3;
	_ =	sdelay $0x1  }
0xa1: {  	s23 =	simm.s32 $0x1B8B  }
0xa2: {  	_ =	swait.ge [sflag:s23], $0x1  }
0xa3: {  	[sflag:s23] =	ssyncset.done $0x0  }
0xa4: {  	s25 =	simm.s32 $0x1B8E;
	s24 =	sld [smem:$0x3FFE];
	[sflag:s23] =	ssyncadd.s32 $0xFFFFFFFF  }
0xa5: {  	s26 =	simm.s32 $execute0_lowered;
	[smem:$0x3FD2] =	sst s25  }
0xa6: {  	s4 =	sshll.u32 s26, $0x1;
	_ =	strace $0x80000046;
	[dreg:$0x1] =	wrdreg $0xFFFFFFFF  }
0xa7: {  	s28 =	simm.s32 $_size_execute0_lowered;
	s2 =	sadd.s32 s2, s4;
	[dreg:$0x0] =	wrdreg $0x0  }
0xa8: {  	s4 =	sshll.u32 s28, $0x1;
	[dreg:$0x2] =	wrdreg s2  }
0xa9: {  	[dreg:$0x3] =	wrdreg s4  }
0xaa: {  	[dreg:$0x4] =	wrdreg $0xC0  }
0xab: {  	_ =	task [dreg:s6], $0x5FFFF  }
0xac: {  	[dreg:$0x1] =	wrdreg $0xFFFFFFFF  }
0xad: {  	[dreg:$0x0] =	wrdreg $0x60  }
0xae: {  	[dreg:$0x2] =	wrdreg s24  }
0xaf: {  	[dreg:$0x3] =	wrdreg $0x9E200  }
0xb0: {  	[dreg:$0x4] =	wrdreg $0x9  }
0xb1: {  	_ =	task.clear_ibuf [dreg:s6], $0x5FFFF;
	_ =	strace $0x90000046  }
0xb2: {  	s29 =	simm.s32 $0x9;
	_ =	strace $0x80000048  }
0xb3: {  	_ =	swait.ge [sflag:s29], $0x1  }
0xb4: {  	[sflag:s29] =	ssyncadd.s32 $0xFFFFFFFF  }
0xb5: {  	_ =	strace $0x90000048  }
0xb6: {  	_ =	sfence  }
0xb7: {  	s30 =	sld [smem:$0x0];
	_ =	sdelay $0x2  }
0xb8: {  	s31 =	sshll.u32 s1, $0xD;
	s1 =	sshrl.u32 s1, $0x2  }
0xb9: {  	s3 =	sand.u32 $0x4000, s31;
	s1 =	sadd.s32 s1, s30  }
0xba: {  	s0 =	sor.u32 s3, s0;
	s1 =	sshll.u32 s1, $0x11  }
0xbb: {  	s0 =	sor.u32 s1, s0  }
0xbc: {  	s0 =	sadd.s32 $0x8F2B, s0  }
0xbd: {  	[sflag:s0] =	ssyncadd.remote.s32 $0x1  }
0xbe: {  	_ =	sfence.sel $0xFFFF  }
0xbf: {  	[dreg:$0x0] =	wrdreg $0xFFFFFFFF;
	(pc) =	sbr.abs _section_cstart, $3  }
0xc0: {  	[dreg:$0x1] =	wrdreg $0xFFFFFFFF  }
0xc1: {  	_ =	task.clear_ibuf [dreg:s6], $0x2FFFF;
	_ =	strace $0x9FFFFFFF  }
0xc2: {  	(tm) =	ssettm $0x7FFFFFFF  }
0xc3: {  	_ =	shalt  }
tec
execute0_lowered:
.L_overlay_start_1:
0x0: {  	(tag) =	ssettag $0x1  }
0x1: {  	s5 =	rddreg [dreg:$0x0]  }
0x2: {  	s0 =	srdreg.scid;
	s6 =	rddreg [dreg:$0x1]  }
0x3: {  	s1 =	rddreg [dreg:$0x2];
	s2 =	simm.s32 $0x0;
	s10 =	simm.s32 $0x16E00  }
0x4: {  	s11 =	simm.s32 $0x2800;
	s12 =	simm.s32 $0x7620;
	s3 =	sand.u32 $0x1, s0  }
0x5: {  	s13 =	simm.s32 $0x0;
	s0 =	stileid.u32;
	s4 =	smul.u32 $0x4E200, s3  }
0x6: {  	[smem:$0x7FF] =	sst s2;
	s7 =	smul.u32 $0x4E20, s0;
	s28 =	ssub.s32 $0x2, s3  }
0x7: {  	_ =	strace $0x80000047;
	s29 =	smul.u32 $0xA000, s0;
	p0 =	seq.s32 s3, $0x1  }
0x8: {  	s9 =	smul.u32 $0x280, s0;
	s8 =	sshrl.u32 s28, $0x1;
	s10 =	simm.s32 @!p0 $0x16800  }
0x9: {  	s4 =	sadd.s32 s7, s4;
	s7 =	ssub.s32 s28, s8;
	s30 =	sshrl.u32 s29, $0x2  }
0xa: {  	s31 =	sshrl.u32 s9, $0x3;
	s10 =	sadd.s32 s10, s5;
	s4 =	sshrl.u32 s4, $0x3  }
0xb: {  	s8 =	simm.s32 $0x1;
	s4 =	sadd.s32 s4, s5;
	s5 =	sadd.s32 s9, s6  }
0xc: {  	s9 =	simm.s32 $0x4E20;
	s3 =	sadd.s32 $0x2E00, s4;
	s4 =	sadd.s32 s30, s6  }
0xd: {  	v0 =	vimm.f32 $0.0e+00;
	v1 =	vimm.f32 $1.000000000e+00;
	s6 =	smax.u32 s7, $0x1;
	s7 =	sadd.s32 s10, s31;
	s10 =	simm.s32 $0x280  }
.LBB2_1:
0xe: {  	[tilespmem:s2], [sflag:$0x1] =	stream.linear.gather [hbm4b:s3+s2], $0x4E20, $0x38;
	[tilespmem:$0xC620] =	vst v63  }
0xf: {  	_ =	swait.ge [sflag:s8], $0x4E20  }
0x10: {  	[sflag:s8] =	ssyncset.done $0x0  }
0x11: {  	s16 =	simm.s32 $0x4E40;
	[sflag:s8] =	ssyncadd.s32 $0xFFFFB1E0  }
0x12: {  	[tilespmem:s16+$0xFFFFFFE0] =	vst v0  }
0x13: {  	[tilespmem:s16+$0x10] =	vst v0  }
0x14: {  	s14 =	simm.s32 $0xFFFFFFFC;
	s17 =	simm.s32 $0x0;
	[tilespmem:s16+$0x0] =	vst v0  }
.LBB2_2:
0x15: {  	s17 =	sadd.s32 $0x4, s17  }
0x16: {  	[tilespmem:s16+$0xFFFFFFF0] =	vst v0;
	s16 =	sadd.s32 $0x40, s16;
	s15 =	simm.s32 $0x20;
	p0 =	slt.u32 s17, $0x27C  }
.Ltmp0:
0x17: {  	[tilespmem:s16+$0xFFFFFFE0] =	vst v0;
	(pc) =	sbr.rel @p0 .LBB2_2-.Ltmp0, $3  }
0x18: {  	_ =	sdelay $0x1  }
0x19: {  	[tilespmem:s16+$0x10] =	vst v0  }
0x1a: {  	[tilespmem:s16+$0x0] =	vst v0  }
0x1b: {  	[tilespmem:s16+$0xFFFFFFF0] =	vst v0  }
.LBB2_4:
0x1c: {  	v2 =	vld [tilespmem:s15+$0xFFFFFFE0];
	_ =	sdelay $0x7  }
0x1d: {  	[tilespmem:v2+s9+$0x0] =	vst.idx.add.f32.msk $0xffff, v1  }
0x1e: {  	v2 =	vld [tilespmem:s15+$0xFFFFFFF0];
	_ =	sdelay $0x7  }
0x1f: {  	[tilespmem:v2+s9+$0x0] =	vst.idx.add.f32.msk $0xffff, v1  }
0x20: {  	v2 =	vld [tilespmem:s15+$0x0];
	_ =	sdelay $0x7  }
0x21: {  	[tilespmem:v2+s9+$0x0] =	vst.idx.add.f32.msk $0xffff, v1  }
0x22: {  	v2 =	vld [tilespmem:s15+$0x10];
	_ =	sdelay $0x1  }
0x23: {  	s14 =	sadd.s32 $0x4, s14  }
0x24: {  	p0 =	slt.u32 s14, $0x4DC  }
.Ltmp1:
0x25: {  	_ = 	snop;
	(pc) =	sbr.rel @p0 .LBB2_4-.Ltmp1, $2  }
0x26: {  	_ =	sdelay $0x2  }
0x27: {  	s15 =	sadd.s32 $0x40, s15;
	[tilespmem:v2+s9+$0x0] =	vst.idx.add.f32.msk $0xffff, v1  }
0x28: {  	v2 =	vld [tilespmem:$0x4E00];
	_ =	sdelay $0x7  }
0x29: {  	[tilespmem:v2+s9+$0x0] =	vst.idx.add.f32.msk $0xffff, v1  }
0x2a: {  	v2 =	vld [tilespmem:$0x4E10];
	_ =	sdelay $0x7  }
0x2b: {  	[tilespmem:v2+s9+$0x0] =	vst.idx.add.f32.msk $0xffff, v1  }
0x2c: {  	[spmem:s4] =	stream.linear.scatter [tilespmem:s9], [sflag:$0x1], $0x2800, $0x38;
	[tilespmem:$0xC620] =	vst v63  }
0x2d: {  	_ =	swait.ge [sflag:s8], $0x2800  }
0x2e: {  	[sflag:s8] =	ssyncset.done $0x0  }
0x2f: {  	[sflag:s8] =	ssyncadd.s32 $0xFFFFD800  }
0x30: {  	[bflag:$0x0] =	sbarrier.arrive $0xFFFF  }
0x31: {  	[tilespmem:s12], [sflag:$0x1] =	stream.strided.gather [spmem:s5], $0x2800, s11, s10, $0x38;
	[tilespmem:$0xC620] =	vst v63  }
0x32: {  	_ =	swait.ge [sflag:s8], $0x2800  }
0x33: {  	[sflag:s8] =	ssyncset.done $0x0  }
0x34: {  	s16 =	simm.s32 $0x0;
	[sflag:s8] =	ssyncadd.s32 $0xFFFFD800  }
0x35: {  	v2 =	vld [tilespmem:s16+$0x7620]  }
0x36: {  	v3 =	vld [tilespmem:s16+$0x78A0];
	_ =	sdelay $0x1  }
0x37: {  	v4 =	vld [tilespmem:s16+$0x7B20];
	_ =	sdelay $0x1  }
0x38: {  	v5 =	vld [tilespmem:s16+$0x7DA0]  }
0x39: {  	v2 =	vadd.f32 v3, v2  }
0x3a: {  	v3 =	vld [tilespmem:s16+$0x8020]  }
0x3b: {  	v2 =	vadd.f32 v4, v2  }
0x3c: {  	v4 =	vld [tilespmem:s16+$0x82A0]  }
0x3d: {  	v2 =	vadd.f32 v5, v2  }
0x3e: {  	v5 =	vld [tilespmem:s16+$0x8520]  }
0x3f: {  	v2 =	vadd.f32 v3, v2  }
0x40: {  	v3 =	vld [tilespmem:s16+$0x87A0]  }
0x41: {  	s14 =	simm.s32 $0x10;
	v6 =	vld [tilespmem:s16+$0x8A20];
	v2 =	vadd.f32 v4, v2  }
0x42: {  	v7 =	vld [tilespmem:s14+$0x7620]  }
0x43: {  	v4 =	vld [tilespmem:s16+$0x8CA0];
	v2 =	vadd.f32 v5, v2  }
0x44: {  	v5 =	vld [tilespmem:s14+$0x78A0]  }
0x45: {  	v8 =	vld [tilespmem:s14+$0x7B20];
	v2 =	vadd.f32 v3, v2  }
0x46: {  	v3 =	vld [tilespmem:s16+$0x8F20]  }
0x47: {  	v9 =	vld [tilespmem:s14+$0x7DA0];
	v2 =	vadd.f32 v6, v2  }
0x48: {  	v6 =	vld [tilespmem:s16+$0x91A0]  }
0x49: {  	v5 =	vadd.f32 v5, v7;
	v7 =	vld [tilespmem:s14+$0x8020];
	v2 =	vadd.f32 v4, v2  }
0x4a: {  	v4 =	vld [tilespmem:s16+$0x9420]  }
0x4b: {  	v5 =	vadd.f32 v8, v5;
	v8 =	vld [tilespmem:s14+$0x82A0];
	v2 =	vadd.f32 v3, v2  }
0x4c: {  	v3 =	vld [tilespmem:s16+$0x96A0]  }
0x4d: {  	v5 =	vadd.f32 v9, v5;
	v9 =	vld [tilespmem:s14+$0x8520];
	v2 =	vadd.f32 v6, v2  }
0x4e: {  	v6 =	vld [tilespmem:s16+$0x9920]  }
0x4f: {  	v5 =	vadd.f32 v7, v5;
	v7 =	vld [tilespmem:s14+$0x87A0];
	v2 =	vadd.f32 v4, v2  }
0x50: {  	s15 =	simm.s32 $0x20;
	v4 =	vld [tilespmem:s16+$0x9BA0]  }
0x51: {  	v10 =	vld [tilespmem:s15+$0x7620];
	v5 =	vadd.f32 v8, v5;
	v2 =	vadd.f32 v3, v2  }
0x52: {  	v3 =	vld [tilespmem:s14+$0x8A20]  }
0x53: {  	v8 =	vld [tilespmem:s14+$0x8CA0];
	v5 =	vadd.f32 v9, v5;
	v2 =	vadd.f32 v6, v2  }
0x54: {  	v6 =	vld [tilespmem:s15+$0x78A0]  }
0x55: {  	v5 =	vadd.f32 v7, v5;
	v7 =	vld [tilespmem:s14+$0x8F20];
	v2 =	vadd.f32 v4, v2  }
0x56: {  	v4 =	vld [tilespmem:s15+$0x7B20]  }
0x57: {  	v11 =	vld [tilespmem:s15+$0x7DA0];
	v5 =	vadd.f32 v3, v5;
	v3 =	vmax.f32 v2, $1.000000000e+00  }
0x58: {  	v9 =	vld [tilespmem:s14+$0x91A0];
	v12 =	vshrl.u32 v3, $0x1;
	v3 =	vmul.f32 $5.000000000e-01, v3  }
0x59: {  	v6 =	vadd.f32 v6, v10;
	v5 =	vadd.f32 v8, v5;
	v8 =	vld [tilespmem:s14+$0x9420];
	v10 =	vsub.s32 $0x5F3759DF, v12  }
0x5a: {  	v12 =	vld [tilespmem:s15+$0x8020];
	v13 =	vmul.f32 v10, v3  }
0x5b: {  	v14 =	vld [tilespmem:s15+$0x82A0];
	v4 =	vadd.f32 v4, v6;
	v5 =	vadd.f32 v7, v5  }
0x5c: {  	v7 =	vld [tilespmem:s14+$0x96A0];
	v6 =	vmul.f32 v10, v13  }
0x5d: {  	v15 =	vld [tilespmem:s15+$0x8520];
	v4 =	vadd.f32 v11, v4;
	v5 =	vadd.f32 v9, v5  }
0x5e: {  	v13 =	vld [tilespmem:s14+$0x9920];
	v9 =	vsub.f32 $1.500000000e+00, v6  }
0x5f: {  	v11 =	vadd.f32 v12, v4;
	v8 =	vadd.f32 v8, v5;
	v4 =	vld [tilespmem:s14+$0x9BA0]  }
0x60: {  	v6 =	vld [tilespmem:s15+$0x87A0];
	v9 =	vmul.f32 v10, v9  }
0x61: {  	v5 =	vld [tilespmem:s15+$0x8CA0];
	v10 =	vadd.f32 v14, v11;
	v7 =	vadd.f32 v7, v8  }
0x62: {  	s17 =	simm.s32 $0x30;
	v8 =	vld [tilespmem:s15+$0x8A20];
	v12 =	vmul.f32 v9, v3  }
0x63: {  	s18 =	simm.s32 $0x100;
	v11 =	vld [tilespmem:s17+$0x7620];
	v10 =	vadd.f32 v15, v10;
	v7 =	vadd.f32 v13, v7  }
.LBB2_6:
0x64: {  	p0 =	sne.s32 s18, $0x9C0;
	v13 =	vld [tilespmem:s17+$0x78A0];
	v12 =	vmul.f32 v12, v9;
	s19 =	smov.u32 s15;
	s15 =	smov.u32 s17  }
0x65: {  	v6 =	vadd.f32 v6, v10;
	v10 =	vld [tilespmem:s19+$0x8F20];
	v7 =	vadd.f32 v4, v7  }
0x66: {  	v4 =	vld [tilespmem:s15+$0x7B20];
	v12 =	vsub.f32 $1.500000000e+00, v12  }
0x67: {  	v6 =	vadd.f32 v8, v6;
	v8 =	vld [tilespmem:s19+$0x91A0];
	v14 =	vmax.f32 v7, $1.000000000e+00  }
0x68: {  	v15 =	vld [tilespmem:s15+$0x7DA0];
	v16 =	vshrl.u32 v14, $0x1;
	v14 =	vmul.f32 $5.000000000e-01, v14;
	v12 =	vmul.f32 v12, v9  }
0x69: {  	v9 =	vadd.f32 v13, v11;
	v5 =	vadd.f32 v5, v6;
	v6 =	vld [tilespmem:s19+$0x9420];
	v11 =	vsub.s32 $0x5F3759DF, v16  }
0x6a: {  	v13 =	vld [tilespmem:s15+$0x8020];
	v16 =	vmul.f32 v11, v14;
	v17 =	vmul.f32 v12, v3;
	v3 =	vmov v14  }
0x6b: {  	v4 =	vadd.f32 v4, v9;
	v5 =	vadd.f32 v10, v5;
	v10 =	vld [tilespmem:s19+$0x96A0]  }
0x6c: {  	v14 =	vld [tilespmem:s15+$0x82A0];
	v9 =	vmul.f32 v11, v16;
	v16 =	vmul.f32 v17, v12  }
0x6d: {  	v4 =	vadd.f32 v15, v4;
	v5 =	vadd.f32 v8, v5;
	v15 =	vld [tilespmem:s19+$0x9920]  }
0x6e: {  	v17 =	vld [tilespmem:s15+$0x8520];
	v8 =	vsub.f32 $1.500000000e+00, v9;
	v16 =	vsub.f32 $1.500000000e+00, v16  }
.Ltmp2:
0x6f: {  	v13 =	vadd.f32 v13, v4;
	v18 =	vadd.f32 v6, v5;
	v4 =	vld [tilespmem:s19+$0x9BA0];
	(pc) =	sbr.rel @p0 .LBB2_6-.Ltmp2, $4  }
0x70: {  	v6 =	vld [tilespmem:s15+$0x87A0];
	v9 =	vmul.f32 v11, v8;
	v11 =	vmul.f32 v16, v12  }
0x71: {  	vm0 =	vgt.f32 v2, $0.0e+00;
	v2 =	vmovc v7;
	v13 =	vadd.f32 v14, v13;
	v5 =	vld [tilespmem:s15+$0x8CA0];
	v14 =	vadd.f32 v10, v18  }
0x72: {  	s17 =	sshra.s32 s18, $0x2;
	v8 =	vld [tilespmem:s15+$0x8A20];
	v12 =	vmul.f32 v9, v3;
	v16 =	vnsel vm0, $0x0, v11  }
0x73: {  	s18 =	sadd.s32 $0x40, s18;
	v11 =	vld [tilespmem:s17+$0x7620];
	v10 =	vadd.f32 v17, v13;
	v7 =	vadd.f32 v15, v14;
	[tilespmem:s16+$0x4E20] =	vst v16;
	s16 =	smov.u32 s14;
	s14 =	smov.u32 s19  }
0x74: {  	v13 =	vld [tilespmem:s17+$0x78A0];
	_ =	sdelay $0x1  }
0x75: {  	v12 =	vmul.f32 v12, v9;
	v14 =	vld [tilespmem:s17+$0x7B20];
	_ =	sdelay $0x1  }
0x76: {  	v15 =	vld [tilespmem:s17+$0x7DA0];
	v12 =	vsub.f32 $1.500000000e+00, v12  }
0x77: {  	v11 =	vadd.f32 v13, v11  }
0x78: {  	v33 =	vld [tilespmem:s17+$0x8020];
	v32 =	vmul.f32 v12, v9  }
0x79: {  	v16 =	vld [tilespmem:s15+$0x8F20];
	v11 =	vadd.f32 v14, v11  }
0x7a: {  	v35 =	vld [tilespmem:s17+$0x82A0];
	v3 =	vmul.f32 v32, v3  }
0x7b: {  	v34 =	vld [tilespmem:s15+$0x91A0];
	v11 =	vadd.f32 v15, v11  }
0x7c: {  	v36 =	vld [tilespmem:s17+$0x8520];
	v3 =	vmul.f32 v3, v32  }
0x7d: {  	v17 =	vld [tilespmem:s15+$0x9420];
	v11 =	vadd.f32 v33, v11  }
0x7e: {  	v37 =	vld [tilespmem:s17+$0x87A0];
	v3 =	vsub.f32 $1.500000000e+00, v3  }
0x7f: {  	v18 =	vld [tilespmem:s15+$0x96A0];
	v11 =	vadd.f32 v35, v11  }
0x80: {  	v39 =	vld [tilespmem:s17+$0x8A20];
	v3 =	vmul.f32 v3, v32  }
0x81: {  	v38 =	vld [tilespmem:s15+$0x9920];
	vm0 =	vgt.f32 v2, $0.0e+00;
	v2 =	vadd.f32 v36, v11  }
0x82: {  	v41 =	vld [tilespmem:s17+$0x8CA0];
	v6 =	vadd.f32 v6, v10;
	v3 =	vnsel vm0, $0x0, v3  }
0x83: {  	v40 =	vld [tilespmem:s15+$0x9BA0];
	[tilespmem:s16+$0x4E20] =	vst v3;
	v2 =	vadd.f32 v37, v2  }
0x84: {  	v3 =	vadd.f32 v8, v6;
	v42 =	vld [tilespmem:s17+$0x8F20]  }
0x85: {  	v2 =	vadd.f32 v39, v2  }
0x86: {  	v43 =	vld [tilespmem:s17+$0x91A0];
	v3 =	vadd.f32 v5, v3  }
0x87: {  	v2 =	vadd.f32 v41, v2  }
0x88: {  	v44 =	vld [tilespmem:s17+$0x9420];
	v3 =	vadd.f32 v16, v3  }
0x89: {  	v2 =	vadd.f32 v42, v2  }
0x8a: {  	v45 =	vld [tilespmem:s17+$0x96A0];
	v3 =	vadd.f32 v34, v3  }
0x8b: {  	v2 =	vadd.f32 v43, v2  }
0x8c: {  	v46 =	vld [tilespmem:s17+$0x9920];
	v3 =	vadd.f32 v17, v3  }
0x8d: {  	v2 =	vadd.f32 v44, v2  }
0x8e: {  	v47 =	vld [tilespmem:s17+$0x9BA0];
	v3 =	vadd.f32 v18, v3  }
0x8f: {  	v4 =	vadd.f32 v4, v7;
	v2 =	vadd.f32 v45, v2  }
0x90: {  	v3 =	vadd.f32 v38, v3  }
0x91: {  	v48 =	vmax.f32 v4, $1.000000000e+00;
	v2 =	vadd.f32 v46, v2  }
0x92: {  	v49 =	vshrl.u32 v48, $0x1;
	v6 =	vmul.f32 $5.000000000e-01, v48;
	v3 =	vadd.f32 v40, v3  }
0x93: {  	v5 =	vsub.s32 $0x5F3759DF, v49;
	v2 =	vadd.f32 v47, v2  }
0x94: {  	v50 =	vmul.f32 v5, v6;
	v51 =	vmax.f32 v3, $1.000000000e+00  }
0x95: {  	v52 =	vshrl.u32 v51, $0x1;
	v8 =	vmul.f32 $5.000000000e-01, v51;
	v53 =	vmax.f32 v2, $1.000000000e+00  }
0x96: {  	v9 =	vsub.s32 $0x5F3759DF, v52;
	v54 =	vshrl.u32 v53, $0x1;
	v10 =	vmul.f32 $5.000000000e-01, v53  }
0x97: {  	v55 =	vmul.f32 v9, v8;
	v11 =	vsub.s32 $0x5F3759DF, v54  }
0x98: {  	v7 =	vmul.f32 v5, v50;
	v56 =	vmul.f32 v11, v10  }
0x99: {  	v12 =	vmul.f32 v9, v55  }
0x9a: {  	v7 =	vsub.f32 $1.500000000e+00, v7;
	v13 =	vmul.f32 v11, v56  }
0x9b: {  	v12 =	vsub.f32 $1.500000000e+00, v12  }
0x9c: {  	v5 =	vmul.f32 v5, v7;
	v57 =	vsub.f32 $1.500000000e+00, v13  }
0x9d: {  	v9 =	vmul.f32 v9, v12  }
0x9e: {  	v58 =	vmul.f32 v5, v6;
	v7 =	vmul.f32 v11, v57  }
0x9f: {  	v59 =	vmul.f32 v9, v8  }
0xa0: {  	v12 =	vmul.f32 v58, v5;
	v60 =	vmul.f32 v7, v10  }
0xa1: {  	v11 =	vmul.f32 v59, v9  }
0xa2: {  	v12 =	vsub.f32 $1.500000000e+00, v12;
	v13 =	vmul.f32 v60, v7  }
0xa3: {  	v11 =	vsub.f32 $1.500000000e+00, v11  }
0xa4: {  	v5 =	vmul.f32 v12, v5;
	v61 =	vsub.f32 $1.500000000e+00, v13  }
0xa5: {  	v9 =	vmul.f32 v11, v9  }
0xa6: {  	v6 =	vmul.f32 v5, v6;
	v7 =	vmul.f32 v61, v7  }
0xa7: {  	v8 =	vmul.f32 v9, v8  }
0xa8: {  	v6 =	vmul.f32 v6, v5;
	v10 =	vmul.f32 v7, v10  }
0xa9: {  	v8 =	vmul.f32 v8, v9  }
0xaa: {  	v6 =	vsub.f32 $1.500000000e+00, v6;
	v10 =	vmul.f32 v10, v7  }
0xab: {  	v8 =	vsub.f32 $1.500000000e+00, v8  }
0xac: {  	v5 =	vmul.f32 v6, v5;
	v62 =	vsub.f32 $1.500000000e+00, v10  }
0xad: {  	vm13 =	vgt.f32 v4, $0.0e+00;
	v63 =	vmul.f32 v8, v9  }
0xae: {  	vm14 =	vgt.f32 v3, $0.0e+00;
	v5 =	vnsel vm13, $0x0, v5;
	v3 =	vmul.f32 v62, v7  }
0xaf: {  	s13 =	sadd.s32 $0x1, s13;
	vm15 =	vgt.f32 v2, $0.0e+00;
	[tilespmem:s14+$0x4E20] =	vst v5;
	v4 =	vnsel vm14, $0x0, v63  }
0xb0: {  	p0 =	sne.s32 s13, s6;
	[tilespmem:s15+$0x4E20] =	vst v4;
	v2 =	vnsel vm15, $0x0, v3  }
.Ltmp3:
0xb1: {  	[tilespmem:s17+$0x4E20] =	vst v2;
	(pc) =	sbr.rel @p0 .LBB2_1-.Ltmp3, $4  }
0xb2: {  	[hbm4b:s7+s2] =	stream.linear.scatter [tilespmem:s9], [sflag:$0x1], $0x280, $0x38;
	[tilespmem:$0xC620] =	vst v63  }
0xb3: {  	_ =	swait.ge [sflag:s8], $0x280  }
0xb4: {  	[sflag:s8] =	ssyncset.done $0x0  }
0xb5: {  	[sflag:s8] =	ssyncadd.s32 $0xFFFFFD80  }
0xb6: {  	_ =	sfence.sel $0x180000  }
0xb7: {  	[bflag:$0x0] =	sbarrier.arrive $0xFFFF  }
0xb8: {  	p0 =	sne.s32 s0, $0x0;
	_ =	strace $0x90000047  }
0xb9: {  	s0 =	sadd.s32 @!p0 $0x100000, s1;
	[bflag:$0x2] =	sbarrier.arrive $0xFFFF  }
0xba: {  	[sflag:s0] =	ssyncadd.tile.s32 @!p0 $0x1;
	_ =	shalt  }
.Lfunc_end2:
_tile_overlayer_lowered:
.L_overlay_start_2:
0xbb: {  	(tag) =	ssettag $0x2  }
0xbc: {  	s0 =	rddreg [dreg:$0x0];
	s2 =	stileid.u32  }
0xbd: {  	s1 =	rddreg [dreg:$0x1];
	p0 =	sne.s32 s2, $0x0  }
0xbe: {  	s3 =	rddreg [dreg:$0x2];
	[bflag:$0x3] =	sbarrier.arrive $0xFFFF;
	s2 =	simm.s32 @!p0 $0x1C01  }
0xbf: {  	[timem:s3], [sflag:s2] =	dma.local @!p0 [hbm:s0], s1  }
0xc0: {  	s0 =	simm.s32 @!p0 $0x1  }
0xc1: {  	_ =	swait.ge @!p0 [sflag:s0], s1  }
0xc2: {  	s1 =	ssub.s32 @!p0 $0x0, s1;
	[sflag:s0] =	ssyncset.done @!p0 $0x0  }
0xc3: {  	[sflag:s0] =	ssyncadd.s32 @!p0 s1  }
0xc4: {  	[bflag:$0x3] =	sbarrier.arrive $0xFFFF  }
0xc5: {  	_ =	shalt  }

</sc_bundles>
